<compile_context>
chip_gen: v7x
topology: tpu7x:2x2x1
jax: 0.10.2.dev20260603
libtpu: 0.0.44.dev20260713+nightly
codegen_flags: <defaults>
</compile_context>

<pallas_src>
import functools

import jax
import jax.numpy as jnp
from jax import lax
from jax.experimental import pallas as pl
from jax.experimental.pallas import tpu as pltpu
from jax.experimental.pallas import tpu_sc as plsc

N_NODES = 10000
N_EDGES = 320000
D = 128

NC = 2
NS = 16
NW = NC * NS
K = 128
G = 80
E_PAD = NW * G * K
NBUF = 2
NIDX = 4
TRASH = 10016
NROW = 10240
RPT = NROW // NS


def _spmm_body(with_cnt, x_hbm, src_hbm, dst_hbm, *rest):
    if with_cnt:
        (agg_out, cnt_out, idx_r, dst_r, r0, r1, ones_v, zbuf,
         acc_sh, cnt_sh, sg0, sg1, sh0, sh1, ss0, ss1, sc0, sc1,
         six0, six1, six2, six3, sdx0, sdx1, sdx2, sdx3) = rest
        sem_c = [sc0, sc1]
    else:
        (agg_out, idx_r, dst_r, r0, r1, zbuf,
         acc_sh, sg0, sg1, sh0, sh1, ss0, ss1,
         six0, six1, six2, six3, sdx0, sdx1, sdx2, sdx3) = rest
    rows = [r0, r1]
    sem_g = [sg0, sg1]
    sem_g2 = [sh0, sh1]
    sem_s = [ss0, ss1]
    sem_ix = [six0, six1, six2, six3]
    sem_dx = [sdx0, sdx1, sdx2, sdx3]

    c = lax.axis_index("c")
    s = lax.axis_index("s")
    wid = s * NC + c
    ebase = wid * (G * K)
    tb = s * RPT

    zero16 = jnp.zeros((16,), jnp.float32)
    ones16 = jnp.ones((16,), jnp.float32)

    def start_load(q, g):
        pltpu.async_copy(src_hbm.at[pl.ds(ebase + g * K, K)], idx_r.at[q], sem_ix[q])
        pltpu.async_copy(dst_hbm.at[pl.ds(ebase + g * K, K)], dst_r.at[q], sem_dx[q])

    def wait_ix(q):
        pltpu.make_async_copy(src_hbm.at[pl.ds(0, K)], idx_r.at[q], sem_ix[q]).wait()

    def wait_dx(q):
        pltpu.make_async_copy(dst_hbm.at[pl.ds(0, K)], dst_r.at[q], sem_dx[q]).wait()

    def start_gather(b, q):
        pltpu.async_copy(x_hbm.at[idx_r.at[q, pl.ds(0, K // 2)]],
                         rows[b].at[pl.ds(0, K // 2), :], sem_g[b])
        pltpu.async_copy(x_hbm.at[idx_r.at[q, pl.ds(K // 2, K // 2)]],
                         rows[b].at[pl.ds(K // 2, K // 2), :], sem_g2[b])

    def wait_gather(b):
        pltpu.make_async_copy(x_hbm.at[idx_r.at[0, pl.ds(0, K // 2)]],
                              rows[b].at[pl.ds(0, K // 2), :], sem_g[b]).wait()
        pltpu.make_async_copy(x_hbm.at[idx_r.at[0, pl.ds(0, K // 2)]],
                              rows[b].at[pl.ds(K // 2, K // 2), :], sem_g2[b]).wait()

    sc_init = jax.named_scope("sc_init")
    sc_init.__enter__()

    for i in range(16):
        for j in range(8):
            zbuf[i, pl.ds(j * 16, 16)] = zero16

    @pl.loop(0, RPT // 16)
    def _zero_acc(k):
        pltpu.sync_copy(zbuf, acc_sh.at[pl.ds(tb + k * 16, 16), :])

    if with_cnt:
        for j in range(K // 16):
            ones_v[pl.ds(j * 16, 16)] = ones16
        for j in range(RPT // D):
            pltpu.sync_copy(zbuf.at[0], cnt_sh.at[pl.ds(tb + j * D, D)])

    plsc.subcore_barrier()
    sc_init.__exit__(None, None, None)

    sc_edges = jax.named_scope("sc_edges")
    sc_edges.__enter__()

    @pl.loop(0, G)
    def _edges(g):
        base = ebase + g * K
        pltpu.sync_copy(src_hbm.at[pl.ds(base, K)], idx_r.at[0])
        pltpu.sync_copy(dst_hbm.at[pl.ds(base, K)], dst_r.at[0])
        pltpu.async_copy(x_hbm.at[idx_r.at[0]], rows[0], sem_g[0]).wait()
        pltpu.async_copy(rows[0], acc_sh.at[dst_r.at[0]], sem_s[0], add=True)
        if with_cnt:
            pltpu.async_copy(ones_v, cnt_sh.at[dst_r.at[0]], sem_c[0], add=True)
        pltpu.make_async_copy(rows[0], acc_sh.at[dst_r.at[0]], sem_s[0]).wait()
        if with_cnt:
            pltpu.make_async_copy(ones_v, cnt_sh.at[dst_r.at[0]], sem_c[0]).wait()

    plsc.subcore_barrier()
    sc_edges.__exit__(None, None, None)

    with jax.named_scope("sc_dump"):
        pltpu.sync_copy(acc_sh.at[pl.ds(tb, RPT), :], agg_out.at[c, pl.ds(tb, RPT), :])
        if with_cnt:
            pltpu.sync_copy(cnt_sh.at[pl.ds(tb, RPT)], cnt_out.at[c, pl.ds(tb, RPT)])


def _make_spmm(with_cnt):
    mesh = plsc.VectorSubcoreMesh(core_axis_name="c", subcore_axis_name="s")
    out_type = [jax.ShapeDtypeStruct((NC, NROW, D), jnp.float32)]
    scratch = [
        pltpu.VMEM((NIDX, K), jnp.int32),
        pltpu.VMEM((NIDX, K), jnp.int32),
    ]
    scratch += [pltpu.VMEM((K, D), jnp.float32)] * NBUF
    if with_cnt:
        out_type.append(jax.ShapeDtypeStruct((NC, NROW), jnp.float32))
        scratch.append(pltpu.VMEM((K,), jnp.float32))
    scratch.append(pltpu.VMEM((16, D), jnp.float32))
    scratch.append(pltpu.VMEM_SHARED((NROW, D), jnp.float32))
    if with_cnt:
        scratch.append(pltpu.VMEM_SHARED((NROW,), jnp.float32))
    nsem = (4 * NBUF if with_cnt else 3 * NBUF) + 2 * NIDX
    scratch += [pltpu.SemaphoreType.DMA] * nsem
    return pl.kernel(
        functools.partial(_spmm_body, with_cnt),
        out_type=out_type,
        mesh=mesh,
        scratch_types=scratch,
        name="sage_spmm_cnt" if with_cnt else "sage_spmm",
    )


_spmm1 = _make_spmm(True)
_spmm2 = _make_spmm(False)

_BLK = 1024


def _epi_body(relu, agg_ref, cnt_ref, x_ref, wl_ref, bl_ref, wr_ref, o_ref):
    agg = agg_ref[0] + agg_ref[1]
    cnt = jnp.sum(cnt_ref[...], axis=0)
    inv = 1.0 / jnp.maximum(cnt, 1.0)
    mean = agg * inv[:, None]
    h = (jnp.dot(mean, wl_ref[...], preferred_element_type=jnp.float32)
         + bl_ref[...]
         + jnp.dot(x_ref[...], wr_ref[...], preferred_element_type=jnp.float32))
    if relu:
        h = jnp.where(h >= 0, h, 0.01 * h)
    o_ref[...] = h


def _make_epi(relu):
    return pl.pallas_call(
        functools.partial(_epi_body, relu),
        grid=(NROW // _BLK,),
        in_specs=[
            pl.BlockSpec((NC, _BLK, D), lambda i: (0, i, 0)),
            pl.BlockSpec((NC, _BLK), lambda i: (0, i)),
            pl.BlockSpec((_BLK, D), lambda i: (i, 0)),
            pl.BlockSpec((D, D), lambda i: (0, 0)),
            pl.BlockSpec((1, D), lambda i: (0, 0)),
            pl.BlockSpec((D, D), lambda i: (0, 0)),
        ],
        out_specs=pl.BlockSpec((_BLK, D), lambda i: (i, 0)),
        out_shape=jax.ShapeDtypeStruct((NROW, D), jnp.float32),
    )


_epi1 = _make_epi(True)
_epi2 = _make_epi(False)


def kernel(x, edge_index, Wl1, bl1, Wr1, Wl2, bl2, Wr2):
    src = edge_index[0].astype(jnp.int32)
    dst = edge_index[1].astype(jnp.int32)
    pad = E_PAD - N_EDGES
    src_p = jnp.concatenate([src, jnp.zeros((pad,), jnp.int32)])
    dst_p = jnp.concatenate([dst, jnp.full((pad,), TRASH, jnp.int32)])
    x_p = jnp.pad(x, ((0, NROW - N_NODES), (0, 0)))

    agg1, cntp = _spmm1(x_p, src_p, dst_p)
    h = _epi1(agg1, cntp, x_p, Wl1.T, bl1.reshape(1, D), Wr1.T)
    (agg2,) = _spmm2(h, src_p, dst_p)
    out = _epi2(agg2, cntp, h, Wl2.T, bl2.reshape(1, D), Wr2.T)
    return out[:N_NODES]

# --- scband reference (transcript-rebuilt; emitter-appended) ---
"""Pipeline reference for scband-graph-sage-56092272886411 (READ-ONLY COPY).

The authoritative reference and input builder live on the scoring server;
editing this copy changes nothing except your own understanding.
"""

import jax, jax.numpy as jnp
import numpy as np

N_NODES = 10000
N_EDGES = 320000
D_IN = 128
D_HID = 128


def setup_inputs(seed: int = 0) -> dict:
    key = jax.random.key(seed)
    ks = jax.random.split(key, 10)
    x = jax.random.normal(ks[0], (N_NODES, D_IN), dtype=jnp.float32)
    edge_index = jax.random.randint(ks[1], (2, N_EDGES), 0, N_NODES, dtype=jnp.int64)
    s1 = 1.0 / np.sqrt(D_IN)
    s2 = 1.0 / np.sqrt(D_HID)
    Wl1 = jax.random.uniform(ks[2], (D_HID, D_IN), dtype=jnp.float32, minval=-s1, maxval=s1)
    bl1 = jax.random.uniform(ks[3], (D_HID,), dtype=jnp.float32, minval=-s1, maxval=s1)
    Wr1 = jax.random.uniform(ks[4], (D_HID, D_IN), dtype=jnp.float32, minval=-s1, maxval=s1)
    Wl2 = jax.random.uniform(ks[5], (D_HID, D_HID), dtype=jnp.float32, minval=-s2, maxval=s2)
    bl2 = jax.random.uniform(ks[6], (D_HID,), dtype=jnp.float32, minval=-s2, maxval=s2)
    Wr2 = jax.random.uniform(ks[7], (D_HID, D_HID), dtype=jnp.float32, minval=-s2, maxval=s2)
    return {"x": x, "edge_index": edge_index, "Wl1": Wl1, "bl1": bl1, "Wr1": Wr1, "Wl2": Wl2, "bl2": bl2, "Wr2": Wr2}


def _sage_conv(x, src, dst, Wl, bl, Wr):
    # message = x_j (source node features); aggregate = mean over destination
    msgs = jnp.take(x, src, axis=0)
    agg = jax.ops.segment_sum(msgs, dst, num_segments=N_NODES)
    cnt = jax.ops.segment_sum(jnp.ones((msgs.shape[0],), dtype=x.dtype), dst, num_segments=N_NODES)
    mean = agg / jnp.maximum(cnt, 1.0)[:, None]
    # PyG SAGEConv: lin_l on aggregated neighbors (with bias), lin_r on root (no bias)
    return mean @ Wl.T + bl + x @ Wr.T


def _leaky_relu(x, negative_slope=0.01):
    return jnp.where(x >= 0, x, negative_slope * x)


def reference(x, edge_index, Wl1, bl1, Wr1, Wl2, bl2, Wr2):
    src = edge_index[0]
    dst = edge_index[1]
    h = _sage_conv(x, src, dst, Wl1, bl1, Wr1)
    h = _leaky_relu(h)
    h = _sage_conv(h, src, dst, Wl2, bl2, Wr2)
    return h

if __name__ == "__main__":
    import jax
    _d = setup_inputs()
    print(jax.jit(kernel)(*tuple(_d.values())))

</pallas_src>

<mosaic_0001>
#map = affine_map<(d0, d1) -> (0, 0)>
#map1 = affine_map<(d0, d1) -> (0)>
#map2 = affine_map<(d0, d1) -> (0, 0, 0)>
module attributes {stable_mosaic.version = 14 : i64} {
  func.func @sage_spmm_cnt(%arg0: i32, %arg1: i32, %arg2: memref<10240x128xf32, #tpu.memory_space<hbm>>, %arg3: memref<327680xi32, #tpu.memory_space<hbm>>, %arg4: memref<327680xi32, #tpu.memory_space<hbm>>, %arg5: memref<2x10240x128xf32, #tpu.memory_space<hbm>>, %arg6: memref<2x10240xf32, #tpu.memory_space<hbm>>, %arg7: memref<4x128xi32, #tpu.memory_space<vmem>>, %arg8: memref<4x128xi32, #tpu.memory_space<vmem>>, %arg9: memref<128x128xf32, #tpu.memory_space<vmem>>, %arg10: memref<128x128xf32, #tpu.memory_space<vmem>>, %arg11: memref<128xf32, #tpu.memory_space<vmem>>, %arg12: memref<16x128xf32, #tpu.memory_space<vmem>>, %arg13: memref<10240x128xf32, #tpu.memory_space<vmem_shared>>, %arg14: memref<10240xf32, #tpu.memory_space<vmem_shared>>, %arg15: memref<!tpu.dma_semaphore, #tpu.memory_space<semaphore_mem>>, %arg16: memref<!tpu.dma_semaphore, #tpu.memory_space<semaphore_mem>>, %arg17: memref<!tpu.dma_semaphore, #tpu.memory_space<semaphore_mem>>, %arg18: memref<!tpu.dma_semaphore, #tpu.memory_space<semaphore_mem>>, %arg19: memref<!tpu.dma_semaphore, #tpu.memory_space<semaphore_mem>>, %arg20: memref<!tpu.dma_semaphore, #tpu.memory_space<semaphore_mem>>, %arg21: memref<!tpu.dma_semaphore, #tpu.memory_space<semaphore_mem>>, %arg22: memref<!tpu.dma_semaphore, #tpu.memory_space<semaphore_mem>>, %arg23: memref<!tpu.dma_semaphore, #tpu.memory_space<semaphore_mem>>, %arg24: memref<!tpu.dma_semaphore, #tpu.memory_space<semaphore_mem>>, %arg25: memref<!tpu.dma_semaphore, #tpu.memory_space<semaphore_mem>>, %arg26: memref<!tpu.dma_semaphore, #tpu.memory_space<semaphore_mem>>, %arg27: memref<!tpu.dma_semaphore, #tpu.memory_space<semaphore_mem>>, %arg28: memref<!tpu.dma_semaphore, #tpu.memory_space<semaphore_mem>>, %arg29: memref<!tpu.dma_semaphore, #tpu.memory_space<semaphore_mem>>, %arg30: memref<!tpu.dma_semaphore, #tpu.memory_space<semaphore_mem>>) attributes {dimension_semantics = [#tpu.dimension_semantics<core_parallel>, #tpu.dimension_semantics<subcore_parallel>], iteration_bounds = array<i64: 2, 16>, scalar_prefetch = 0 : i64, scratch_operands = 24 : i64, tpu.core_type = #tpu.core_type<sc_vector_subcore>, window_params = [{transform_indices = #map}, {transform_indices = #map1}, {transform_indices = #map1}, {transform_indices = #map2}, {transform_indices = #map}]} {
    %mul3A = arith.constant 2 : i32
    %mul3A_0 = arith.muli %arg1, %mul3A : i32
    %add3A = arith.addi %mul3A_0, %arg0 : i32
    %mul3A_1 = arith.constant 10240 : i32
    %mul3A_2 = arith.muli %add3A, %mul3A_1 : i32
    %mul3A_3 = arith.constant 640 : i32
    %mul3A_4 = arith.muli %arg1, %mul3A_3 : i32
    %broadcast_in_dim3A = arith.constant 0.000000e+00 : f32
    %broadcast_in_dim3A_5 = vector.broadcast %broadcast_in_dim3A : f32 to vector<16xf32>
    %broadcast_in_dim3A_6 = arith.constant 1.000000e+00 : f32
    %broadcast_in_dim3A_7 = vector.broadcast %broadcast_in_dim3A_6 : f32 to vector<16xf32>
    %swap3A = arith.constant 0 : i32
    "tpu.trace_start"() <{level = 10 : i32, message = "sc_init"}> : () -> ()
    %swap3A_8 = arith.index_cast %swap3A : i32 to index
    %swap3A_9 = arith.constant 0 : index
    %swap3A_10 = tpu.vector_load %arg12[%swap3A_8, %swap3A_9] {strides = array<i32>} : memref<16x128xf32, #tpu.memory_space<vmem>>, vector<1x16xf32>,
    %swap3A_11 = vector.shape_cast %swap3A_10 : vector<1x16xf32> to vector<16xf32>
    %swap3A_12 = vector.shape_cast %broadcast_in_dim3A_5 : vector<16xf32> to vector<1x16xf32>
    tpu.vector_store %arg12[%swap3A_8, %swap3A_9], %swap3A_12 {strides = array<i32>} : memref<16x128xf32, #tpu.memory_space<vmem>>, vector<1x16xf32>,
    %swap3A_13 = arith.constant 0 : i32
    %swap3A_14 = arith.index_cast %swap3A_13 : i32 to index
    %swap3A_15 = arith.constant 16 : index
    %swap3A_16 = tpu.vector_load %arg12[%swap3A_14, %swap3A_15] {strides = array<i32>} : memref<16x128xf32, #tpu.memory_space<vmem>>, vector<1x16xf32>,
    %swap3A_17 = vector.shape_cast %swap3A_16 : vector<1x16xf32> to vector<16xf32>
    %swap3A_18 = vector.shape_cast %broadcast_in_dim3A_5 : vector<16xf32> to vector<1x16xf32>
    tpu.vector_store %arg12[%swap3A_14, %swap3A_15], %swap3A_18 {strides = array<i32>} : memref<16x128xf32, #tpu.memory_space<vmem>>, vector<1x16xf32>,
    %swap3A_19 = arith.constant 0 : i32
    %swap3A_20 = arith.index_cast %swap3A_19 : i32 to index
    %swap3A_21 = arith.constant 32 : index
    %swap3A_22 = tpu.vector_load %arg12[%swap3A_20, %swap3A_21] {strides = array<i32>} : memref<16x128xf32, #tpu.memory_space<vmem>>, vector<1x16xf32>,
    %swap3A_23 = vector.shape_cast %swap3A_22 : vector<1x16xf32> to vector<16xf32>
    %swap3A_24 = vector.shape_cast %broadcast_in_dim3A_5 : vector<16xf32> to vector<1x16xf32>
    tpu.vector_store %arg12[%swap3A_20, %swap3A_21], %swap3A_24 {strides = array<i32>} : memref<16x128xf32, #tpu.memory_space<vmem>>, vector<1x16xf32>,
    %swap3A_25 = arith.constant 0 : i32
    %swap3A_26 = arith.index_cast %swap3A_25 : i32 to index
    %swap3A_27 = arith.constant 48 : index
    %swap3A_28 = tpu.vector_load %arg12[%swap3A_26, %swap3A_27] {strides = array<i32>} : memref<16x128xf32, #tpu.memory_space<vmem>>, vector<1x16xf32>,
    %swap3A_29 = vector.shape_cast %swap3A_28 : vector<1x16xf32> to vector<16xf32>
    %swap3A_30 = vector.shape_cast %broadcast_in_dim3A_5 : vector<16xf32> to vector<1x16xf32>
    tpu.vector_store %arg12[%swap3A_26, %swap3A_27], %swap3A_30 {strides = array<i32>} : memref<16x128xf32, #tpu.memory_space<vmem>>, vector<1x16xf32>,
    %swap3A_31 = arith.constant 0 : i32
    %swap3A_32 = arith.index_cast %swap3A_31 : i32 to index
    %swap3A_33 = arith.constant 64 : index
    %swap3A_34 = tpu.vector_load %arg12[%swap3A_32, %swap3A_33] {strides = array<i32>} : memref<16x128xf32, #tpu.memory_space<vmem>>, vector<1x16xf32>,
    %swap3A_35 = vector.shape_cast %swap3A_34 : vector<1x16xf32> to vector<16xf32>
    %swap3A_36 = vector.shape_cast %broadcast_in_dim3A_5 : vector<16xf32> to vector<1x16xf32>
    tpu.vector_store %arg12[%swap3A_32, %swap3A_33], %swap3A_36 {strides = array<i32>} : memref<16x128xf32, #tpu.memory_space<vmem>>, vector<1x16xf32>,
    %swap3A_37 = arith.constant 0 : i32
    %swap3A_38 = arith.index_cast %swap3A_37 : i32 to index
    %swap3A_39 = arith.constant 80 : index
    %swap3A_40 = tpu.vector_load %arg12[%swap3A_38, %swap3A_39] {strides = array<i32>} : memref<16x128xf32, #tpu.memory_space<vmem>>, vector<1x16xf32>,
    %swap3A_41 = vector.shape_cast %swap3A_40 : vector<1x16xf32> to vector<16xf32>
    %swap3A_42 = vector.shape_cast %broadcast_in_dim3A_5 : vector<16xf32> to vector<1x16xf32>
    tpu.vector_store %arg12[%swap3A_38, %swap3A_39], %swap3A_42 {strides = array<i32>} : memref<16x128xf32, #tpu.memory_space<vmem>>, vector<1x16xf32>,
    %swap3A_43 = arith.constant 0 : i32
    %swap3A_44 = arith.index_cast %swap3A_43 : i32 to index
    %swap3A_45 = arith.constant 96 : index
    %swap3A_46 = tpu.vector_load %arg12[%swap3A_44, %swap3A_45] {strides = array<i32>} : memref<16x128xf32, #tpu.memory_space<vmem>>, vector<1x16xf32>,
    %swap3A_47 = vector.shape_cast %swap3A_46 : vector<1x16xf32> to vector<16xf32>
    %swap3A_48 = vector.shape_cast %broadcast_in_dim3A_5 : vector<16xf32> to vector<1x16xf32>
    tpu.vector_store %arg12[%swap3A_44, %swap3A_45], %swap3A_48 {strides = array<i32>} : memref<16x128xf32, #tpu.memory_space<vmem>>, vector<1x16xf32>,
    %swap3A_49 = arith.constant 0 : i32
    %swap3A_50 = arith.index_cast %swap3A_49 : i32 to index
    %swap3A_51 = arith.constant 112 : index
    %swap3A_52 = tpu.vector_load %arg12[%swap3A_50, %swap3A_51] {strides = array<i32>} : memref<16x128xf32, #tpu.memory_space<vmem>>, vector<1x16xf32>,
    %swap3A_53 = vector.shape_cast %swap3A_52 : vector<1x16xf32> to vector<16xf32>
    %swap3A_54 = vector.shape_cast %broadcast_in_dim3A_5 : vector<16xf32> to vector<1x16xf32>
    tpu.vector_store %arg12[%swap3A_50, %swap3A_51], %swap3A_54 {strides = array<i32>} : memref<16x128xf32, #tpu.memory_space<vmem>>, vector<1x16xf32>,
    %swap3A_55 = arith.constant 1 : i32
    %swap3A_56 = arith.index_cast %swap3A_55 : i32 to index
    %swap3A_57 = arith.constant 0 : index
    %swap3A_58 = tpu.vector_load %arg12[%swap3A_56, %swap3A_57] {strides = array<i32>} : memref<16x128xf32, #tpu.memory_space<vmem>>, vector<1x16xf32>,
    %swap3A_59 = vector.shape_cast %swap3A_58 : vector<1x16xf32> to vector<16xf32>
    %swap3A_60 = vector.shape_cast %broadcast_in_dim3A_5 : vector<16xf32> to vector<1x16xf32>
    tpu.vector_store %arg12[%swap3A_56, %swap3A_57], %swap3A_60 {strides = array<i32>} : memref<16x128xf32, #tpu.memory_space<vmem>>, vector<1x16xf32>,
    %swap3A_61 = arith.constant 1 : i32
    %swap3A_62 = arith.index_cast %swap3A_61 : i32 to index
    %swap3A_63 = arith.constant 16 : index
    %swap3A_64 = tpu.vector_load %arg12[%swap3A_62, %swap3A_63] {strides = array<i32>} : memref<16x128xf32, #tpu.memory_space<vmem>>, vector<1x16xf32>,
    %swap3A_65 = vector.shape_cast %swap3A_64 : vector<1x16xf32> to vector<16xf32>
    %swap3A_66 = vector.shape_cast %broadcast_in_dim3A_5 : vector<16xf32> to vector<1x16xf32>
    tpu.vector_store %arg12[%swap3A_62, %swap3A_63], %swap3A_66 {strides = array<i32>} : memref<16x128xf32, #tpu.memory_space<vmem>>, vector<1x16xf32>,
    %swap3A_67 = arith.constant 1 : i32
    %swap3A_68 = arith.index_cast %swap3A_67 : i32 to index
    %swap3A_69 = arith.constant 32 : index
    %swap3A_70 = tpu.vector_load %arg12[%swap3A_68, %swap3A_69] {strides = array<i32>} : memref<16x128xf32, #tpu.memory_space<vmem>>, vector<1x16xf32>,
    %swap3A_71 = vector.shape_cast %swap3A_70 : vector<1x16xf32> to vector<16xf32>
    %swap3A_72 = vector.shape_cast %broadcast_in_dim3A_5 : vector<16xf32> to vector<1x16xf32>
    tpu.vector_store %arg12[%swap3A_68, %swap3A_69], %swap3A_72 {strides = array<i32>} : memref<16x128xf32, #tpu.memory_space<vmem>>, vector<1x16xf32>,
    %swap3A_73 = arith.constant 1 : i32
    %swap3A_74 = arith.index_cast %swap3A_73 : i32 to index
    %swap3A_75 = arith.constant 48 : index
    %swap3A_76 = tpu.vector_load %arg12[%swap3A_74, %swap3A_75] {strides = array<i32>} : memref<16x128xf32, #tpu.memory_space<vmem>>, vector<1x16xf32>,
    %swap3A_77 = vector.shape_cast %swap3A_76 : vector<1x16xf32> to vector<16xf32>
    %swap3A_78 = vector.shape_cast %broadcast_in_dim3A_5 : vector<16xf32> to vector<1x16xf32>
    tpu.vector_store %arg12[%swap3A_74, %swap3A_75], %swap3A_78 {strides = array<i32>} : memref<16x128xf32, #tpu.memory_space<vmem>>, vector<1x16xf32>,
    %swap3A_79 = arith.constant 1 : i32
    %swap3A_80 = arith.index_cast %swap3A_79 : i32 to index
    %swap3A_81 = arith.constant 64 : index
    %swap3A_82 = tpu.vector_load %arg12[%swap3A_80, %swap3A_81] {strides = array<i32>} : memref<16x128xf32, #tpu.memory_space<vmem>>, vector<1x16xf32>,
    %swap3A_83 = vector.shape_cast %swap3A_82 : vector<1x16xf32> to vector<16xf32>
    %swap3A_84 = vector.shape_cast %broadcast_in_dim3A_5 : vector<16xf32> to vector<1x16xf32>
    tpu.vector_store %arg12[%swap3A_80, %swap3A_81], %swap3A_84 {strides = array<i32>} : memref<16x128xf32, #tpu.memory_space<vmem>>, vector<1x16xf32>,
    %swap3A_85 = arith.constant 1 : i32
    %swap3A_86 = arith.index_cast %swap3A_85 : i32 to index
    %swap3A_87 = arith.constant 80 : index
    %swap3A_88 = tpu.vector_load %arg12[%swap3A_86, %swap3A_87] {strides = array<i32>} : memref<16x128xf32, #tpu.memory_space<vmem>>, vector<1x16xf32>,
    %swap3A_89 = vector.shape_cast %swap3A_88 : vector<1x16xf32> to vector<16xf32>
    %swap3A_90 = vector.shape_cast %broadcast_in_dim3A_5 : vector<16xf32> to vector<1x16xf32>
    tpu.vector_store %arg12[%swap3A_86, %swap3A_87], %swap3A_90 {strides = array<i32>} : memref<16x128xf32, #tpu.memory_space<vmem>>, vector<1x16xf32>,
    %swap3A_91 = arith.constant 1 : i32
    %swap3A_92 = arith.index_cast %swap3A_91 : i32 to index
    %swap3A_93 = arith.constant 96 : index
    %swap3A_94 = tpu.vector_load %arg12[%swap3A_92, %swap3A_93] {strides = array<i32>} : memref<16x128xf32, #tpu.memory_space<vmem>>, vector<1x16xf32>,
    %swap3A_95 = vector.shape_cast %swap3A_94 : vector<1x16xf32> to vector<16xf32>
    %swap3A_96 = vector.shape_cast %broadcast_in_dim3A_5 : vector<16xf32> to vector<1x16xf32>
    tpu.vector_store %arg12[%swap3A_92, %swap3A_93], %swap3A_96 {strides = array<i32>} : memref<16x128xf32, #tpu.memory_space<vmem>>, vector<1x16xf32>,
    %swap3A_97 = arith.constant 1 : i32
    %swap3A_98 = arith.index_cast %swap3A_97 : i32 to index
    %swap3A_99 = arith.constant 112 : index
    %swap3A_100 = tpu.vector_load %arg12[%swap3A_98, %swap3A_99] {strides = array<i32>} : memref<16x128xf32, #tpu.memory_space<vmem>>, vector<1x16xf32>,
    %swap3A_101 = vector.shape_cast %swap3A_100 : vector<1x16xf32> to vector<16xf32>
    %swap3A_102 = vector.shape_cast %broadcast_in_dim3A_5 : vector<16xf32> to vector<1x16xf32>
    tpu.vector_store %arg12[%swap3A_98, %swap3A_99], %swap3A_102 {strides = array<i32>} : memref<16x128xf32, #tpu.memory_space<vmem>>, vector<1x16xf32>,
    %swap3A_103 = arith.constant 2 : i32
    %swap3A_104 = arith.index_cast %swap3A_103 : i32 to index
    %swap3A_105 = arith.constant 0 : index
    %swap3A_106 = tpu.vector_load %arg12[%swap3A_104, %swap3A_105] {strides = array<i32>} : memref<16x128xf32, #tpu.memory_space<vmem>>, vector<1x16xf32>,
    %swap3A_107 = vector.shape_cast %swap3A_106 : vector<1x16xf32> to vector<16xf32>
    %swap3A_108 = vector.shape_cast %broadcast_in_dim3A_5 : vector<16xf32> to vector<1x16xf32>
    tpu.vector_store %arg12[%swap3A_104, %swap3A_105], %swap3A_108 {strides = array<i32>} : memref<16x128xf32, #tpu.memory_space<vmem>>, vector<1x16xf32>,
    %swap3A_109 = arith.constant 2 : i32
    %swap3A_110 = arith.index_cast %swap3A_109 : i32 to index
    %swap3A_111 = arith.constant 16 : index
    %swap3A_112 = tpu.vector_load %arg12[%swap3A_110, %swap3A_111] {strides = array<i32>} : memref<16x128xf32, #tpu.memory_space<vmem>>, vector<1x16xf32>,
    %swap3A_113 = vector.shape_cast %swap3A_112 : vector<1x16xf32> to vector<16xf32>
    %swap3A_114 = vector.shape_cast %broadcast_in_dim3A_5 : vector<16xf32> to vector<1x16xf32>
    tpu.vector_store %arg12[%swap3A_110, %swap3A_111], %swap3A_114 {strides = array<i32>} : memref<16x128xf32, #tpu.memory_space<vmem>>, vector<1x16xf32>,
    %swap3A_115 = arith.constant 2 : i32
    %swap3A_116 = arith.index_cast %swap3A_115 : i32 to index
    %swap3A_117 = arith.constant 32 : index
    %swap3A_118 = tpu.vector_load %arg12[%swap3A_116, %swap3A_117] {strides = array<i32>} : memref<16x128xf32, #tpu.memory_space<vmem>>, vector<1x16xf32>,
    %swap3A_119 = vector.shape_cast %swap3A_118 : vector<1x16xf32> to vector<16xf32>
    %swap3A_120 = vector.shape_cast %broadcast_in_dim3A_5 : vector<16xf32> to vector<1x16xf32>
    tpu.vector_store %arg12[%swap3A_116, %swap3A_117], %swap3A_120 {strides = array<i32>} : memref<16x128xf32, #tpu.memory_space<vmem>>, vector<1x16xf32>,
    %swap3A_121 = arith.constant 2 : i32
    %swap3A_122 = arith.index_cast %swap3A_121 : i32 to index
    %swap3A_123 = arith.constant 48 : index
    %swap3A_124 = tpu.vector_load %arg12[%swap3A_122, %swap3A_123] {strides = array<i32>} : memref<16x128xf32, #tpu.memory_space<vmem>>, vector<1x16xf32>,
    %swap3A_125 = vector.shape_cast %swap3A_124 : vector<1x16xf32> to vector<16xf32>
    %swap3A_126 = vector.shape_cast %broadcast_in_dim3A_5 : vector<16xf32> to vector<1x16xf32>
    tpu.vector_store %arg12[%swap3A_122, %swap3A_123], %swap3A_126 {strides = array<i32>} : memref<16x128xf32, #tpu.memory_space<vmem>>, vector<1x16xf32>,
    %swap3A_127 = arith.constant 2 : i32
    %swap3A_128 = arith.index_cast %swap3A_127 : i32 to index
    %swap3A_129 = arith.constant 64 : index
    %swap3A_130 = tpu.vector_load %arg12[%swap3A_128, %swap3A_129] {strides = array<i32>} : memref<16x128xf32, #tpu.memory_space<vmem>>, vector<1x16xf32>,
    %swap3A_131 = vector.shape_cast %swap3A_130 : vector<1x16xf32> to vector<16xf32>
    %swap3A_132 = vector.shape_cast %broadcast_in_dim3A_5 : vector<16xf32> to vector<1x16xf32>
    tpu.vector_store %arg12[%swap3A_128, %swap3A_129], %swap3A_132 {strides = array<i32>} : memref<16x128xf32, #tpu.memory_space<vmem>>, vector<1x16xf32>,
    %swap3A_133 = arith.constant 2 : i32
    %swap3A_134 = arith.index_cast %swap3A_133 : i32 to index
    %swap3A_135 = arith.constant 80 : index
    %swap3A_136 = tpu.vector_load %arg12[%swap3A_134, %swap3A_135] {strides = array<i32>} : memref<16x128xf32, #tpu.memory_space<vmem>>, vector<1x16xf32>,
    %swap3A_137 = vector.shape_cast %swap3A_136 : vector<1x16xf32> to vector<16xf32>
    %swap3A_138 = vector.shape_cast %broadcast_in_dim3A_5 : vector<16xf32> to vector<1x16xf32>
    tpu.vector_store %arg12[%swap3A_134, %swap3A_135], %swap3A_138 {strides = array<i32>} : memref<16x128xf32, #tpu.memory_space<vmem>>, vector<1x16xf32>,
    %swap3A_139 = arith.constant 2 : i32
    %swap3A_140 = arith.index_cast %swap3A_139 : i32 to index
    %swap3A_141 = arith.constant 96 : index
    %swap3A_142 = tpu.vector_load %arg12[%swap3A_140, %swap3A_141] {strides = array<i32>} : memref<16x128xf32, #tpu.memory_space<vmem>>, vector<1x16xf32>,
    %swap3A_143 = vector.shape_cast %swap3A_142 : vector<1x16xf32> to vector<16xf32>
    %swap3A_144 = vector.shape_cast %broadcast_in_dim3A_5 : vector<16xf32> to vector<1x16xf32>
    tpu.vector_store %arg12[%swap3A_140, %swap3A_141], %swap3A_144 {strides = array<i32>} : memref<16x128xf32, #tpu.memory_space<vmem>>, vector<1x16xf32>,
    %swap3A_145 = arith.constant 2 : i32
    %swap3A_146 = arith.index_cast %swap3A_145 : i32 to index
    %swap3A_147 = arith.constant 112 : index
    %swap3A_148 = tpu.vector_load %arg12[%swap3A_146, %swap3A_147] {strides = array<i32>} : memref<16x128xf32, #tpu.memory_space<vmem>>, vector<1x16xf32>,
    %swap3A_149 = vector.shape_cast %swap3A_148 : vector<1x16xf32> to vector<16xf32>
    %swap3A_150 = vector.shape_cast %broadcast_in_dim3A_5 : vector<16xf32> to vector<1x16xf32>
    tpu.vector_store %arg12[%swap3A_146, %swap3A_147], %swap3A_150 {strides = array<i32>} : memref<16x128xf32, #tpu.memory_space<vmem>>, vector<1x16xf32>,
    %swap3A_151 = arith.constant 3 : i32
    %swap3A_152 = arith.index_cast %swap3A_151 : i32 to index
    %swap3A_153 = arith.constant 0 : index
    %swap3A_154 = tpu.vector_load %arg12[%swap3A_152, %swap3A_153] {strides = array<i32>} : memref<16x128xf32, #tpu.memory_space<vmem>>, vector<1x16xf32>,
    %swap3A_155 = vector.shape_cast %swap3A_154 : vector<1x16xf32> to vector<16xf32>
    %swap3A_156 = vector.shape_cast %broadcast_in_dim3A_5 : vector<16xf32> to vector<1x16xf32>
    tpu.vector_store %arg12[%swap3A_152, %swap3A_153], %swap3A_156 {strides = array<i32>} : memref<16x128xf32, #tpu.memory_space<vmem>>, vector<1x16xf32>,
    %swap3A_157 = arith.constant 3 : i32
    %swap3A_158 = arith.index_cast %swap3A_157 : i32 to index
    %swap3A_159 = arith.constant 16 : index
    %swap3A_160 = tpu.vector_load %arg12[%swap3A_158, %swap3A_159] {strides = array<i32>} : memref<16x128xf32, #tpu.memory_space<vmem>>, vector<1x16xf32>,
    %swap3A_161 = vector.shape_cast %swap3A_160 : vector<1x16xf32> to vector<16xf32>
    %swap3A_162 = vector.shape_cast %broadcast_in_dim3A_5 : vector<16xf32> to vector<1x16xf32>
    tpu.vector_store %arg12[%swap3A_158, %swap3A_159], %swap3A_162 {strides = array<i32>} : memref<16x128xf32, #tpu.memory_space<vmem>>, vector<1x16xf32>,
    %swap3A_163 = arith.constant 3 : i32
    %swap3A_164 = arith.index_cast %swap3A_163 : i32 to index
    %swap3A_165 = arith.constant 32 : index
    %swap3A_166 = tpu.vector_load %arg12[%swap3A_164, %swap3A_165] {strides = array<i32>} : memref<16x128xf32, #tpu.memory_space<vmem>>, vector<1x16xf32>,
    %swap3A_167 = vector.shape_cast %swap3A_166 : vector<1x16xf32> to vector<16xf32>
    %swap3A_168 = vector.shape_cast %broadcast_in_dim3A_5 : vector<16xf32> to vector<1x16xf32>
    tpu.vector_store %arg12[%swap3A_164, %swap3A_165], %swap3A_168 {strides = array<i32>} : memref<16x128xf32, #tpu.memory_space<vmem>>, vector<1x16xf32>,
    %swap3A_169 = arith.constant 3 : i32
    %swap3A_170 = arith.index_cast %swap3A_169 : i32 to index
    %swap3A_171 = arith.constant 48 : index
    %swap3A_172 = tpu.vector_load %arg12[%swap3A_170, %swap3A_171] {strides = array<i32>} : memref<16x128xf32, #tpu.memory_space<vmem>>, vector<1x16xf32>,
    %swap3A_173 = vector.shape_cast %swap3A_172 : vector<1x16xf32> to vector<16xf32>
    %swap3A_174 = vector.shape_cast %broadcast_in_dim3A_5 : vector<16xf32> to vector<1x16xf32>
    tpu.vector_store %arg12[%swap3A_170, %swap3A_171], %swap3A_174 {strides = array<i32>} : memref<16x128xf32, #tpu.memory_space<vmem>>, vector<1x16xf32>,
    %swap3A_175 = arith.constant 3 : i32
    %swap3A_176 = arith.index_cast %swap3A_175 : i32 to index
    %swap3A_177 = arith.constant 64 : index
    %swap3A_178 = tpu.vector_load %arg12[%swap3A_176, %swap3A_177] {strides = array<i32>} : memref<16x128xf32, #tpu.memory_space<vmem>>, vector<1x16xf32>,
    %swap3A_179 = vector.shape_cast %swap3A_178 : vector<1x16xf32> to vector<16xf32>
    %swap3A_180 = vector.shape_cast %broadcast_in_dim3A_5 : vector<16xf32> to vector<1x16xf32>
    tpu.vector_store %arg12[%swap3A_176, %swap3A_177], %swap3A_180 {strides = array<i32>} : memref<16x128xf32, #tpu.memory_space<vmem>>, vector<1x16xf32>,
    %swap3A_181 = arith.constant 3 : i32
    %swap3A_182 = arith.index_cast %swap3A_181 : i32 to index
    %swap3A_183 = arith.constant 80 : index
    %swap3A_184 = tpu.vector_load %arg12[%swap3A_182, %swap3A_183] {strides = array<i32>} : memref<16x128xf32, #tpu.memory_space<vmem>>, vector<1x16xf32>,
    %swap3A_185 = vector.shape_cast %swap3A_184 : vector<1x16xf32> to vector<16xf32>
    %swap3A_186 = vector.shape_cast %broadcast_in_dim3A_5 : vector<16xf32> to vector<1x16xf32>
    tpu.vector_store %arg12[%swap3A_182, %swap3A_183], %swap3A_186 {strides = array<i32>} : memref<16x128xf32, #tpu.memory_space<vmem>>, vector<1x16xf32>,
    %swap3A_187 = arith.constant 3 : i32
    %swap3A_188 = arith.index_cast %swap3A_187 : i32 to index
    %swap3A_189 = arith.constant 96 : index
    %swap3A_190 = tpu.vector_load %arg12[%swap3A_188, %swap3A_189] {strides = array<i32>} : memref<16x128xf32, #tpu.memory_space<vmem>>, vector<1x16xf32>,
    %swap3A_191 = vector.shape_cast %swap3A_190 : vector<1x16xf32> to vector<16xf32>
    %swap3A_192 = vector.shape_cast %broadcast_in_dim3A_5 : vector<16xf32> to vector<1x16xf32>
    tpu.vector_store %arg12[%swap3A_188, %swap3A_189], %swap3A_192 {strides = array<i32>} : memref<16x128xf32, #tpu.memory_space<vmem>>, vector<1x16xf32>,
    %swap3A_193 = arith.constant 3 : i32
    %swap3A_194 = arith.index_cast %swap3A_193 : i32 to index
    %swap3A_195 = arith.constant 112 : index
    %swap3A_196 = tpu.vector_load %arg12[%swap3A_194, %swap3A_195] {strides = array<i32>} : memref<16x128xf32, #tpu.memory_space<vmem>>, vector<1x16xf32>,
    %swap3A_197 = vector.shape_cast %swap3A_196 : vector<1x16xf32> to vector<16xf32>
    %swap3A_198 = vector.shape_cast %broadcast_in_dim3A_5 : vector<16xf32> to vector<1x16xf32>
    tpu.vector_store %arg12[%swap3A_194, %swap3A_195], %swap3A_198 {strides = array<i32>} : memref<16x128xf32, #tpu.memory_space<vmem>>, vector<1x16xf32>,
    %swap3A_199 = arith.constant 4 : i32
    %swap3A_200 = arith.index_cast %swap3A_199 : i32 to index
    %swap3A_201 = arith.constant 0 : index
    %swap3A_202 = tpu.vector_load %arg12[%swap3A_200, %swap3A_201] {strides = array<i32>} : memref<16x128xf32, #tpu.memory_space<vmem>>, vector<1x16xf32>,
    %swap3A_203 = vector.shape_cast %swap3A_202 : vector<1x16xf32> to vector<16xf32>
    %swap3A_204 = vector.shape_cast %broadcast_in_dim3A_5 : vector<16xf32> to vector<1x16xf32>
    tpu.vector_store %arg12[%swap3A_200, %swap3A_201], %swap3A_204 {strides = array<i32>} : memref<16x128xf32, #tpu.memory_space<vmem>>, vector<1x16xf32>,
    %swap3A_205 = arith.constant 4 : i32
    %swap3A_206 = arith.index_cast %swap3A_205 : i32 to index
    %swap3A_207 = arith.constant 16 : index
    %swap3A_208 = tpu.vector_load %arg12[%swap3A_206, %swap3A_207] {strides = array<i32>} : memref<16x128xf32, #tpu.memory_space<vmem>>, vector<1x16xf32>,
    %swap3A_209 = vector.shape_cast %swap3A_208 : vector<1x16xf32> to vector<16xf32>
    %swap3A_210 = vector.shape_cast %broadcast_in_dim3A_5 : vector<16xf32> to vector<1x16xf32>
    tpu.vector_store %arg12[%swap3A_206, %swap3A_207], %swap3A_210 {strides = array<i32>} : memref<16x128xf32, #tpu.memory_space<vmem>>, vector<1x16xf32>,
    %swap3A_211 = arith.constant 4 : i32
    %swap3A_212 = arith.index_cast %swap3A_211 : i32 to index
    %swap3A_213 = arith.constant 32 : index
    %swap3A_214 = tpu.vector_load %arg12[%swap3A_212, %swap3A_213] {strides = array<i32>} : memref<16x128xf32, #tpu.memory_space<vmem>>, vector<1x16xf32>,
    %swap3A_215 = vector.shape_cast %swap3A_214 : vector<1x16xf32> to vector<16xf32>
    %swap3A_216 = vector.shape_cast %broadcast_in_dim3A_5 : vector<16xf32> to vector<1x16xf32>
    tpu.vector_store %arg12[%swap3A_212, %swap3A_213], %swap3A_216 {strides = array<i32>} : memref<16x128xf32, #tpu.memory_space<vmem>>, vector<1x16xf32>,
    %swap3A_217 = arith.constant 4 : i32
    %swap3A_218 = arith.index_cast %swap3A_217 : i32 to index
    %swap3A_219 = arith.constant 48 : index
    %swap3A_220 = tpu.vector_load %arg12[%swap3A_218, %swap3A_219] {strides = array<i32>} : memref<16x128xf32, #tpu.memory_space<vmem>>, vector<1x16xf32>,
    %swap3A_221 = vector.shape_cast %swap3A_220 : vector<1x16xf32> to vector<16xf32>
    %swap3A_222 = vector.shape_cast %broadcast_in_dim3A_5 : vector<16xf32> to vector<1x16xf32>
    tpu.vector_store %arg12[%swap3A_218, %swap3A_219], %swap3A_222 {strides = array<i32>} : memref<16x128xf32, #tpu.memory_space<vmem>>, vector<1x16xf32>,
    %swap3A_223 = arith.constant 4 : i32
    %swap3A_224 = arith.index_cast %swap3A_223 : i32 to index
    %swap3A_225 = arith.constant 64 : index
    %swap3A_226 = tpu.vector_load %arg12[%swap3A_224, %swap3A_225] {strides = array<i32>} : memref<16x128xf32, #tpu.memory_space<vmem>>, vector<1x16xf32>,
    %swap3A_227 = vector.shape_cast %swap3A_226 : vector<1x16xf32> to vector<16xf32>
    %swap3A_228 = vector.shape_cast %broadcast_in_dim3A_5 : vector<16xf32> to vector<1x16xf32>
    tpu.vector_store %arg12[%swap3A_224, %swap3A_225], %swap3A_228 {strides = array<i32>} : memref<16x128xf32, #tpu.memory_space<vmem>>, vector<1x16xf32>,
    %swap3A_229 = arith.constant 4 : i32
    %swap3A_230 = arith.index_cast %swap3A_229 : i32 to index
    %swap3A_231 = arith.constant 80 : index
    %swap3A_232 = tpu.vector_load %arg12[%swap3A_230, %swap3A_231] {strides = array<i32>} : memref<16x128xf32, #tpu.memory_space<vmem>>, vector<1x16xf32>,
    %swap3A_233 = vector.shape_cast %swap3A_232 : vector<1x16xf32> to vector<16xf32>
    %swap3A_234 = vector.shape_cast %broadcast_in_dim3A_5 : vector<16xf32> to vector<1x16xf32>
    tpu.vector_store %arg12[%swap3A_230, %swap3A_231], %swap3A_234 {strides = array<i32>} : memref<16x128xf32, #tpu.memory_space<vmem>>, vector<1x16xf32>,
    %swap3A_235 = arith.constant 4 : i32
    %swap3A_236 = arith.index_cast %swap3A_235 : i32 to index
    %swap3A_237 = arith.constant 96 : index
    %swap3A_238 = tpu.vector_load %arg12[%swap3A_236, %swap3A_237] {strides = array<i32>} : memref<16x128xf32, #tpu.memory_space<vmem>>, vector<1x16xf32>,
    %swap3A_239 = vector.shape_cast %swap3A_238 : vector<1x16xf32> to vector<16xf32>
    %swap3A_240 = vector.shape_cast %broadcast_in_dim3A_5 : vector<16xf32> to vector<1x16xf32>
    tpu.vector_store %arg12[%swap3A_236, %swap3A_237], %swap3A_240 {strides = array<i32>} : memref<16x128xf32, #tpu.memory_space<vmem>>, vector<1x16xf32>,
    %swap3A_241 = arith.constant 4 : i32
    %swap3A_242 = arith.index_cast %swap3A_241 : i32 to index
    %swap3A_243 = arith.constant 112 : index
    %swap3A_244 = tpu.vector_load %arg12[%swap3A_242, %swap3A_243] {strides = array<i32>} : memref<16x128xf32, #tpu.memory_space<vmem>>, vector<1x16xf32>,
    %swap3A_245 = vector.shape_cast %swap3A_244 : vector<1x16xf32> to vector<16xf32>
    %swap3A_246 = vector.shape_cast %broadcast_in_dim3A_5 : vector<16xf32> to vector<1x16xf32>
    tpu.vector_store %arg12[%swap3A_242, %swap3A_243], %swap3A_246 {strides = array<i32>} : memref<16x128xf32, #tpu.memory_space<vmem>>, vector<1x16xf32>,
    %swap3A_247 = arith.constant 5 : i32
    %swap3A_248 = arith.index_cast %swap3A_247 : i32 to index
    %swap3A_249 = arith.constant 0 : index
    %swap3A_250 = tpu.vector_load %arg12[%swap3A_248, %swap3A_249] {strides = array<i32>} : memref<16x128xf32, #tpu.memory_space<vmem>>, vector<1x16xf32>,
    %swap3A_251 = vector.shape_cast %swap3A_250 : vector<1x16xf32> to vector<16xf32>
    %swap3A_252 = vector.shape_cast %broadcast_in_dim3A_5 : vector<16xf32> to vector<1x16xf32>
    tpu.vector_store %arg12[%swap3A_248, %swap3A_249], %swap3A_252 {strides = array<i32>} : memref<16x128xf32, #tpu.memory_space<vmem>>, vector<1x16xf32>,
    %swap3A_253 = arith.constant 5 : i32
    %swap3A_254 = arith.index_cast %swap3A_253 : i32 to index
    %swap3A_255 = arith.constant 16 : index
    %swap3A_256 = tpu.vector_load %arg12[%swap3A_254, %swap3A_255] {strides = array<i32>} : memref<16x128xf32, #tpu.memory_space<vmem>>, vector<1x16xf32>,
    %swap3A_257 = vector.shape_cast %swap3A_256 : vector<1x16xf32> to vector<16xf32>
    %swap3A_258 = vector.shape_cast %broadcast_in_dim3A_5 : vector<16xf32> to vector<1x16xf32>
    tpu.vector_store %arg12[%swap3A_254, %swap3A_255], %swap3A_258 {strides = array<i32>} : memref<16x128xf32, #tpu.memory_space<vmem>>, vector<1x16xf32>,
    %swap3A_259 = arith.constant 5 : i32
    %swap3A_260 = arith.index_cast %swap3A_259 : i32 to index
    %swap3A_261 = arith.constant 32 : index
    %swap3A_262 = tpu.vector_load %arg12[%swap3A_260, %swap3A_261] {strides = array<i32>} : memref<16x128xf32, #tpu.memory_space<vmem>>, vector<1x16xf32>,
    %swap3A_263 = vector.shape_cast %swap3A_262 : vector<1x16xf32> to vector<16xf32>
    %swap3A_264 = vector.shape_cast %broadcast_in_dim3A_5 : vector<16xf32> to vector<1x16xf32>
    tpu.vector_store %arg12[%swap3A_260, %swap3A_261], %swap3A_264 {strides = array<i32>} : memref<16x128xf32, #tpu.memory_space<vmem>>, vector<1x16xf32>,
    %swap3A_265 = arith.constant 5 : i32
    %swap3A_266 = arith.index_cast %swap3A_265 : i32 to index
    %swap3A_267 = arith.constant 48 : index
    %swap3A_268 = tpu.vector_load %arg12[%swap3A_266, %swap3A_267] {strides = array<i32>} : memref<16x128xf32, #tpu.memory_space<vmem>>, vector<1x16xf32>,
    %swap3A_269 = vector.shape_cast %swap3A_268 : vector<1x16xf32> to vector<16xf32>
    %swap3A_270 = vector.shape_cast %broadcast_in_dim3A_5 : vector<16xf32> to vector<1x16xf32>
    tpu.vector_store %arg12[%swap3A_266, %swap3A_267], %swap3A_270 {strides = array<i32>} : memref<16x128xf32, #tpu.memory_space<vmem>>, vector<1x16xf32>,
    %swap3A_271 = arith.constant 5 : i32
    %swap3A_272 = arith.index_cast %swap3A_271 : i32 to index
    %swap3A_273 = arith.constant 64 : index
    %swap3A_274 = tpu.vector_load %arg12[%swap3A_272, %swap3A_273] {strides = array<i32>} : memref<16x128xf32, #tpu.memory_space<vmem>>, vector<1x16xf32>,
    %swap3A_275 = vector.shape_cast %swap3A_274 : vector<1x16xf32> to vector<16xf32>
    %swap3A_276 = vector.shape_cast %broadcast_in_dim3A_5 : vector<16xf32> to vector<1x16xf32>
    tpu.vector_store %arg12[%swap3A_272, %swap3A_273], %swap3A_276 {strides = array<i32>} : memref<16x128xf32, #tpu.memory_space<vmem>>, vector<1x16xf32>,
    %swap3A_277 = arith.constant 5 : i32
    %swap3A_278 = arith.index_cast %swap3A_277 : i32 to index
    %swap3A_279 = arith.constant 80 : index
    %swap3A_280 = tpu.vector_load %arg12[%swap3A_278, %swap3A_279] {strides = array<i32>} : memref<16x128xf32, #tpu.memory_space<vmem>>, vector<1x16xf32>,
    %swap3A_281 = vector.shape_cast %swap3A_280 : vector<1x16xf32> to vector<16xf32>
    %swap3A_282 = vector.shape_cast %broadcast_in_dim3A_5 : vector<16xf32> to vector<1x16xf32>
    tpu.vector_store %arg12[%swap3A_278, %swap3A_279], %swap3A_282 {strides = array<i32>} : memref<16x128xf32, #tpu.memory_space<vmem>>, vector<1x16xf32>,
    %swap3A_283 = arith.constant 5 : i32
    %swap3A_284 = arith.index_cast %swap3A_283 : i32 to index
    %swap3A_285 = arith.constant 96 : index
    %swap3A_286 = tpu.vector_load %arg12[%swap3A_284, %swap3A_285] {strides = array<i32>} : memref<16x128xf32, #tpu.memory_space<vmem>>, vector<1x16xf32>,
    %swap3A_287 = vector.shape_cast %swap3A_286 : vector<1x16xf32> to vector<16xf32>
    %swap3A_288 = vector.shape_cast %broadcast_in_dim3A_5 : vector<16xf32> to vector<1x16xf32>
    tpu.vector_store %arg12[%swap3A_284, %swap3A_285], %swap3A_288 {strides = array<i32>} : memref<16x128xf32, #tpu.memory_space<vmem>>, vector<1x16xf32>,
    %swap3A_289 = arith.constant 5 : i32
    %swap3A_290 = arith.index_cast %swap3A_289 : i32 to index
    %swap3A_291 = arith.constant 112 : index
    %swap3A_292 = tpu.vector_load %arg12[%swap3A_290, %swap3A_291] {strides = array<i32>} : memref<16x128xf32, #tpu.memory_space<vmem>>, vector<1x16xf32>,
    %swap3A_293 = vector.shape_cast %swap3A_292 : vector<1x16xf32> to vector<16xf32>
    %swap3A_294 = vector.shape_cast %broadcast_in_dim3A_5 : vector<16xf32> to vector<1x16xf32>
    tpu.vector_store %arg12[%swap3A_290, %swap3A_291], %swap3A_294 {strides = array<i32>} : memref<16x128xf32, #tpu.memory_space<vmem>>, vector<1x16xf32>,
    %swap3A_295 = arith.constant 6 : i32
    %swap3A_296 = arith.index_cast %swap3A_295 : i32 to index
    %swap3A_297 = arith.constant 0 : index
    %swap3A_298 = tpu.vector_load %arg12[%swap3A_296, %swap3A_297] {strides = array<i32>} : memref<16x128xf32, #tpu.memory_space<vmem>>, vector<1x16xf32>,
    %swap3A_299 = vector.shape_cast %swap3A_298 : vector<1x16xf32> to vector<16xf32>
    %swap3A_300 = vector.shape_cast %broadcast_in_dim3A_5 : vector<16xf32> to vector<1x16xf32>
    tpu.vector_store %arg12[%swap3A_296, %swap3A_297], %swap3A_300 {strides = array<i32>} : memref<16x128xf32, #tpu.memory_space<vmem>>, vector<1x16xf32>,
    %swap3A_301 = arith.constant 6 : i32
    %swap3A_302 = arith.index_cast %swap3A_301 : i32 to index
    %swap3A_303 = arith.constant 16 : index
    %swap3A_304 = tpu.vector_load %arg12[%swap3A_302, %swap3A_303] {strides = array<i32>} : memref<16x128xf32, #tpu.memory_space<vmem>>, vector<1x16xf32>,
    %swap3A_305 = vector.shape_cast %swap3A_304 : vector<1x16xf32> to vector<16xf32>
    %swap3A_306 = vector.shape_cast %broadcast_in_dim3A_5 : vector<16xf32> to vector<1x16xf32>
    tpu.vector_store %arg12[%swap3A_302, %swap3A_303], %swap3A_306 {strides = array<i32>} : memref<16x128xf32, #tpu.memory_space<vmem>>, vector<1x16xf32>,
    %swap3A_307 = arith.constant 6 : i32
    %swap3A_308 = arith.index_cast %swap3A_307 : i32 to index
    %swap3A_309 = arith.constant 32 : index
    %swap3A_310 = tpu.vector_load %arg12[%swap3A_308, %swap3A_309] {strides = array<i32>} : memref<16x128xf32, #tpu.memory_space<vmem>>, vector<1x16xf32>,
    %swap3A_311 = vector.shape_cast %swap3A_310 : vector<1x16xf32> to vector<16xf32>
    %swap3A_312 = vector.shape_cast %broadcast_in_dim3A_5 : vector<16xf32> to vector<1x16xf32>
    tpu.vector_store %arg12[%swap3A_308, %swap3A_309], %swap3A_312 {strides = array<i32>} : memref<16x128xf32, #tpu.memory_space<vmem>>, vector<1x16xf32>,
    %swap3A_313 = arith.constant 6 : i32
    %swap3A_314 = arith.index_cast %swap3A_313 : i32 to index
    %swap3A_315 = arith.constant 48 : index
    %swap3A_316 = tpu.vector_load %arg12[%swap3A_314, %swap3A_315] {strides = array<i32>} : memref<16x128xf32, #tpu.memory_space<vmem>>, vector<1x16xf32>,
    %swap3A_317 = vector.shape_cast %swap3A_316 : vector<1x16xf32> to vector<16xf32>
    %swap3A_318 = vector.shape_cast %broadcast_in_dim3A_5 : vector<16xf32> to vector<1x16xf32>
    tpu.vector_store %arg12[%swap3A_314, %swap3A_315], %swap3A_318 {strides = array<i32>} : memref<16x128xf32, #tpu.memory_space<vmem>>, vector<1x16xf32>,
    %swap3A_319 = arith.constant 6 : i32
    %swap3A_320 = arith.index_cast %swap3A_319 : i32 to index
    %swap3A_321 = arith.constant 64 : index
    %swap3A_322 = tpu.vector_load %arg12[%swap3A_320, %swap3A_321] {strides = array<i32>} : memref<16x128xf32, #tpu.memory_space<vmem>>, vector<1x16xf32>,
    %swap3A_323 = vector.shape_cast %swap3A_322 : vector<1x16xf32> to vector<16xf32>
    %swap3A_324 = vector.shape_cast %broadcast_in_dim3A_5 : vector<16xf32> to vector<1x16xf32>
    tpu.vector_store %arg12[%swap3A_320, %swap3A_321], %swap3A_324 {strides = array<i32>} : memref<16x128xf32, #tpu.memory_space<vmem>>, vector<1x16xf32>,
    %swap3A_325 = arith.constant 6 : i32
    %swap3A_326 = arith.index_cast %swap3A_325 : i32 to index
    %swap3A_327 = arith.constant 80 : index
    %swap3A_328 = tpu.vector_load %arg12[%swap3A_326, %swap3A_327] {strides = array<i32>} : memref<16x128xf32, #tpu.memory_space<vmem>>, vector<1x16xf32>,
    %swap3A_329 = vector.shape_cast %swap3A_328 : vector<1x16xf32> to vector<16xf32>
    %swap3A_330 = vector.shape_cast %broadcast_in_dim3A_5 : vector<16xf32> to vector<1x16xf32>
    tpu.vector_store %arg12[%swap3A_326, %swap3A_327], %swap3A_330 {strides = array<i32>} : memref<16x128xf32, #tpu.memory_space<vmem>>, vector<1x16xf32>,
    %swap3A_331 = arith.constant 6 : i32
    %swap3A_332 = arith.index_cast %swap3A_331 : i32 to index
    %swap3A_333 = arith.constant 96 : index
    %swap3A_334 = tpu.vector_load %arg12[%swap3A_332, %swap3A_333] {strides = array<i32>} : memref<16x128xf32, #tpu.memory_space<vmem>>, vector<1x16xf32>,
    %swap3A_335 = vector.shape_cast %swap3A_334 : vector<1x16xf32> to vector<16xf32>
    %swap3A_336 = vector.shape_cast %broadcast_in_dim3A_5 : vector<16xf32> to vector<1x16xf32>
    tpu.vector_store %arg12[%swap3A_332, %swap3A_333], %swap3A_336 {strides = array<i32>} : memref<16x128xf32, #tpu.memory_space<vmem>>, vector<1x16xf32>,
    %swap3A_337 = arith.constant 6 : i32
    %swap3A_338 = arith.index_cast %swap3A_337 : i32 to index
    %swap3A_339 = arith.constant 112 : index
    %swap3A_340 = tpu.vector_load %arg12[%swap3A_338, %swap3A_339] {strides = array<i32>} : memref<16x128xf32, #tpu.memory_space<vmem>>, vector<1x16xf32>,
    %swap3A_341 = vector.shape_cast %swap3A_340 : vector<1x16xf32> to vector<16xf32>
    %swap3A_342 = vector.shape_cast %broadcast_in_dim3A_5 : vector<16xf32> to vector<1x16xf32>
    tpu.vector_store %arg12[%swap3A_338, %swap3A_339], %swap3A_342 {strides = array<i32>} : memref<16x128xf32, #tpu.memory_space<vmem>>, vector<1x16xf32>,
    %swap3A_343 = arith.constant 7 : i32
    %swap3A_344 = arith.index_cast %swap3A_343 : i32 to index
    %swap3A_345 = arith.constant 0 : index
    %swap3A_346 = tpu.vector_load %arg12[%swap3A_344, %swap3A_345] {strides = array<i32>} : memref<16x128xf32, #tpu.memory_space<vmem>>, vector<1x16xf32>,
    %swap3A_347 = vector.shape_cast %swap3A_346 : vector<1x16xf32> to vector<16xf32>
    %swap3A_348 = vector.shape_cast %broadcast_in_dim3A_5 : vector<16xf32> to vector<1x16xf32>
    tpu.vector_store %arg12[%swap3A_344, %swap3A_345], %swap3A_348 {strides = array<i32>} : memref<16x128xf32, #tpu.memory_space<vmem>>, vector<1x16xf32>,
    %swap3A_349 = arith.constant 7 : i32
    %swap3A_350 = arith.index_cast %swap3A_349 : i32 to index
    %swap3A_351 = arith.constant 16 : index
    %swap3A_352 = tpu.vector_load %arg12[%swap3A_350, %swap3A_351] {strides = array<i32>} : memref<16x128xf32, #tpu.memory_space<vmem>>, vector<1x16xf32>,
    %swap3A_353 = vector.shape_cast %swap3A_352 : vector<1x16xf32> to vector<16xf32>
    %swap3A_354 = vector.shape_cast %broadcast_in_dim3A_5 : vector<16xf32> to vector<1x16xf32>
    tpu.vector_store %arg12[%swap3A_350, %swap3A_351], %swap3A_354 {strides = array<i32>} : memref<16x128xf32, #tpu.memory_space<vmem>>, vector<1x16xf32>,
    %swap3A_355 = arith.constant 7 : i32
    %swap3A_356 = arith.index_cast %swap3A_355 : i32 to index
    %swap3A_357 = arith.constant 32 : index
    %swap3A_358 = tpu.vector_load %arg12[%swap3A_356, %swap3A_357] {strides = array<i32>} : memref<16x128xf32, #tpu.memory_space<vmem>>, vector<1x16xf32>,
    %swap3A_359 = vector.shape_cast %swap3A_358 : vector<1x16xf32> to vector<16xf32>
    %swap3A_360 = vector.shape_cast %broadcast_in_dim3A_5 : vector<16xf32> to vector<1x16xf32>
    tpu.vector_store %arg12[%swap3A_356, %swap3A_357], %swap3A_360 {strides = array<i32>} : memref<16x128xf32, #tpu.memory_space<vmem>>, vector<1x16xf32>,
    %swap3A_361 = arith.constant 7 : i32
    %swap3A_362 = arith.index_cast %swap3A_361 : i32 to index
    %swap3A_363 = arith.constant 48 : index
    %swap3A_364 = tpu.vector_load %arg12[%swap3A_362, %swap3A_363] {strides = array<i32>} : memref<16x128xf32, #tpu.memory_space<vmem>>, vector<1x16xf32>,
    %swap3A_365 = vector.shape_cast %swap3A_364 : vector<1x16xf32> to vector<16xf32>
    %swap3A_366 = vector.shape_cast %broadcast_in_dim3A_5 : vector<16xf32> to vector<1x16xf32>
    tpu.vector_store %arg12[%swap3A_362, %swap3A_363], %swap3A_366 {strides = array<i32>} : memref<16x128xf32, #tpu.memory_space<vmem>>, vector<1x16xf32>,
    %swap3A_367 = arith.constant 7 : i32
    %swap3A_368 = arith.index_cast %swap3A_367 : i32 to index
    %swap3A_369 = arith.constant 64 : index
    %swap3A_370 = tpu.vector_load %arg12[%swap3A_368, %swap3A_369] {strides = array<i32>} : memref<16x128xf32, #tpu.memory_space<vmem>>, vector<1x16xf32>,
    %swap3A_371 = vector.shape_cast %swap3A_370 : vector<1x16xf32> to vector<16xf32>
    %swap3A_372 = vector.shape_cast %broadcast_in_dim3A_5 : vector<16xf32> to vector<1x16xf32>
    tpu.vector_store %arg12[%swap3A_368, %swap3A_369], %swap3A_372 {strides = array<i32>} : memref<16x128xf32, #tpu.memory_space<vmem>>, vector<1x16xf32>,
    %swap3A_373 = arith.constant 7 : i32
    %swap3A_374 = arith.index_cast %swap3A_373 : i32 to index
    %swap3A_375 = arith.constant 80 : index
    %swap3A_376 = tpu.vector_load %arg12[%swap3A_374, %swap3A_375] {strides = array<i32>} : memref<16x128xf32, #tpu.memory_space<vmem>>, vector<1x16xf32>,
    %swap3A_377 = vector.shape_cast %swap3A_376 : vector<1x16xf32> to vector<16xf32>
    %swap3A_378 = vector.shape_cast %broadcast_in_dim3A_5 : vector<16xf32> to vector<1x16xf32>
    tpu.vector_store %arg12[%swap3A_374, %swap3A_375], %swap3A_378 {strides = array<i32>} : memref<16x128xf32, #tpu.memory_space<vmem>>, vector<1x16xf32>,
    %swap3A_379 = arith.constant 7 : i32
    %swap3A_380 = arith.index_cast %swap3A_379 : i32 to index
    %swap3A_381 = arith.constant 96 : index
    %swap3A_382 = tpu.vector_load %arg12[%swap3A_380, %swap3A_381] {strides = array<i32>} : memref<16x128xf32, #tpu.memory_space<vmem>>, vector<1x16xf32>,
    %swap3A_383 = vector.shape_cast %swap3A_382 : vector<1x16xf32> to vector<16xf32>
    %swap3A_384 = vector.shape_cast %broadcast_in_dim3A_5 : vector<16xf32> to vector<1x16xf32>
    tpu.vector_store %arg12[%swap3A_380, %swap3A_381], %swap3A_384 {strides = array<i32>} : memref<16x128xf32, #tpu.memory_space<vmem>>, vector<1x16xf32>,
    %swap3A_385 = arith.constant 7 : i32
    %swap3A_386 = arith.index_cast %swap3A_385 : i32 to index
    %swap3A_387 = arith.constant 112 : index
    %swap3A_388 = tpu.vector_load %arg12[%swap3A_386, %swap3A_387] {strides = array<i32>} : memref<16x128xf32, #tpu.memory_space<vmem>>, vector<1x16xf32>,
    %swap3A_389 = vector.shape_cast %swap3A_388 : vector<1x16xf32> to vector<16xf32>
    %swap3A_390 = vector.shape_cast %broadcast_in_dim3A_5 : vector<16xf32> to vector<1x16xf32>
    tpu.vector_store %arg12[%swap3A_386, %swap3A_387], %swap3A_390 {strides = array<i32>} : memref<16x128xf32, #tpu.memory_space<vmem>>, vector<1x16xf32>,
    %swap3A_391 = arith.constant 8 : i32
    %swap3A_392 = arith.index_cast %swap3A_391 : i32 to index
    %swap3A_393 = arith.constant 0 : index
    %swap3A_394 = tpu.vector_load %arg12[%swap3A_392, %swap3A_393] {strides = array<i32>} : memref<16x128xf32, #tpu.memory_space<vmem>>, vector<1x16xf32>,
    %swap3A_395 = vector.shape_cast %swap3A_394 : vector<1x16xf32> to vector<16xf32>
    %swap3A_396 = vector.shape_cast %broadcast_in_dim3A_5 : vector<16xf32> to vector<1x16xf32>
    tpu.vector_store %arg12[%swap3A_392, %swap3A_393], %swap3A_396 {strides = array<i32>} : memref<16x128xf32, #tpu.memory_space<vmem>>, vector<1x16xf32>,
    %swap3A_397 = arith.constant 8 : i32
    %swap3A_398 = arith.index_cast %swap3A_397 : i32 to index
    %swap3A_399 = arith.constant 16 : index
    %swap3A_400 = tpu.vector_load %arg12[%swap3A_398, %swap3A_399] {strides = array<i32>} : memref<16x128xf32, #tpu.memory_space<vmem>>, vector<1x16xf32>,
    %swap3A_401 = vector.shape_cast %swap3A_400 : vector<1x16xf32> to vector<16xf32>
    %swap3A_402 = vector.shape_cast %broadcast_in_dim3A_5 : vector<16xf32> to vector<1x16xf32>
    tpu.vector_store %arg12[%swap3A_398, %swap3A_399], %swap3A_402 {strides = array<i32>} : memref<16x128xf32, #tpu.memory_space<vmem>>, vector<1x16xf32>,
    %swap3A_403 = arith.constant 8 : i32
    %swap3A_404 = arith.index_cast %swap3A_403 : i32 to index
    %swap3A_405 = arith.constant 32 : index
    %swap3A_406 = tpu.vector_load %arg12[%swap3A_404, %swap3A_405] {strides = array<i32>} : memref<16x128xf32, #tpu.memory_space<vmem>>, vector<1x16xf32>,
    %swap3A_407 = vector.shape_cast %swap3A_406 : vector<1x16xf32> to vector<16xf32>
    %swap3A_408 = vector.shape_cast %broadcast_in_dim3A_5 : vector<16xf32> to vector<1x16xf32>
    tpu.vector_store %arg12[%swap3A_404, %swap3A_405], %swap3A_408 {strides = array<i32>} : memref<16x128xf32, #tpu.memory_space<vmem>>, vector<1x16xf32>,
    %swap3A_409 = arith.constant 8 : i32
    %swap3A_410 = arith.index_cast %swap3A_409 : i32 to index
    %swap3A_411 = arith.constant 48 : index
    %swap3A_412 = tpu.vector_load %arg12[%swap3A_410, %swap3A_411] {strides = array<i32>} : memref<16x128xf32, #tpu.memory_space<vmem>>, vector<1x16xf32>,
    %swap3A_413 = vector.shape_cast %swap3A_412 : vector<1x16xf32> to vector<16xf32>
    %swap3A_414 = vector.shape_cast %broadcast_in_dim3A_5 : vector<16xf32> to vector<1x16xf32>
    tpu.vector_store %arg12[%swap3A_410, %swap3A_411], %swap3A_414 {strides = array<i32>} : memref<16x128xf32, #tpu.memory_space<vmem>>, vector<1x16xf32>,
    %swap3A_415 = arith.constant 8 : i32
    %swap3A_416 = arith.index_cast %swap3A_415 : i32 to index
    %swap3A_417 = arith.constant 64 : index
    %swap3A_418 = tpu.vector_load %arg12[%swap3A_416, %swap3A_417] {strides = array<i32>} : memref<16x128xf32, #tpu.memory_space<vmem>>, vector<1x16xf32>,
    %swap3A_419 = vector.shape_cast %swap3A_418 : vector<1x16xf32> to vector<16xf32>
    %swap3A_420 = vector.shape_cast %broadcast_in_dim3A_5 : vector<16xf32> to vector<1x16xf32>
    tpu.vector_store %arg12[%swap3A_416, %swap3A_417], %swap3A_420 {strides = array<i32>} : memref<16x128xf32, #tpu.memory_space<vmem>>, vector<1x16xf32>,
    %swap3A_421 = arith.constant 8 : i32
    %swap3A_422 = arith.index_cast %swap3A_421 : i32 to index
    %swap3A_423 = arith.constant 80 : index
    %swap3A_424 = tpu.vector_load %arg12[%swap3A_422, %swap3A_423] {strides = array<i32>} : memref<16x128xf32, #tpu.memory_space<vmem>>, vector<1x16xf32>,
    %swap3A_425 = vector.shape_cast %swap3A_424 : vector<1x16xf32> to vector<16xf32>
    %swap3A_426 = vector.shape_cast %broadcast_in_dim3A_5 : vector<16xf32> to vector<1x16xf32>
    tpu.vector_store %arg12[%swap3A_422, %swap3A_423], %swap3A_426 {strides = array<i32>} : memref<16x128xf32, #tpu.memory_space<vmem>>, vector<1x16xf32>,
    %swap3A_427 = arith.constant 8 : i32
    %swap3A_428 = arith.index_cast %swap3A_427 : i32 to index
    %swap3A_429 = arith.constant 96 : index
    %swap3A_430 = tpu.vector_load %arg12[%swap3A_428, %swap3A_429] {strides = array<i32>} : memref<16x128xf32, #tpu.memory_space<vmem>>, vector<1x16xf32>,
    %swap3A_431 = vector.shape_cast %swap3A_430 : vector<1x16xf32> to vector<16xf32>
    %swap3A_432 = vector.shape_cast %broadcast_in_dim3A_5 : vector<16xf32> to vector<1x16xf32>
    tpu.vector_store %arg12[%swap3A_428, %swap3A_429], %swap3A_432 {strides = array<i32>} : memref<16x128xf32, #tpu.memory_space<vmem>>, vector<1x16xf32>,
    %swap3A_433 = arith.constant 8 : i32
    %swap3A_434 = arith.index_cast %swap3A_433 : i32 to index
    %swap3A_435 = arith.constant 112 : index
    %swap3A_436 = tpu.vector_load %arg12[%swap3A_434, %swap3A_435] {strides = array<i32>} : memref<16x128xf32, #tpu.memory_space<vmem>>, vector<1x16xf32>,
    %swap3A_437 = vector.shape_cast %swap3A_436 : vector<1x16xf32> to vector<16xf32>
    %swap3A_438 = vector.shape_cast %broadcast_in_dim3A_5 : vector<16xf32> to vector<1x16xf32>
    tpu.vector_store %arg12[%swap3A_434, %swap3A_435], %swap3A_438 {strides = array<i32>} : memref<16x128xf32, #tpu.memory_space<vmem>>, vector<1x16xf32>,
    %swap3A_439 = arith.constant 9 : i32
    %swap3A_440 = arith.index_cast %swap3A_439 : i32 to index
    %swap3A_441 = arith.constant 0 : index
    %swap3A_442 = tpu.vector_load %arg12[%swap3A_440, %swap3A_441] {strides = array<i32>} : memref<16x128xf32, #tpu.memory_space<vmem>>, vector<1x16xf32>,
    %swap3A_443 = vector.shape_cast %swap3A_442 : vector<1x16xf32> to vector<16xf32>
    %swap3A_444 = vector.shape_cast %broadcast_in_dim3A_5 : vector<16xf32> to vector<1x16xf32>
    tpu.vector_store %arg12[%swap3A_440, %swap3A_441], %swap3A_444 {strides = array<i32>} : memref<16x128xf32, #tpu.memory_space<vmem>>, vector<1x16xf32>,
    %swap3A_445 = arith.constant 9 : i32
    %swap3A_446 = arith.index_cast %swap3A_445 : i32 to index
    %swap3A_447 = arith.constant 16 : index
    %swap3A_448 = tpu.vector_load %arg12[%swap3A_446, %swap3A_447] {strides = array<i32>} : memref<16x128xf32, #tpu.memory_space<vmem>>, vector<1x16xf32>,
    %swap3A_449 = vector.shape_cast %swap3A_448 : vector<1x16xf32> to vector<16xf32>
    %swap3A_450 = vector.shape_cast %broadcast_in_dim3A_5 : vector<16xf32> to vector<1x16xf32>
    tpu.vector_store %arg12[%swap3A_446, %swap3A_447], %swap3A_450 {strides = array<i32>} : memref<16x128xf32, #tpu.memory_space<vmem>>, vector<1x16xf32>,
    %swap3A_451 = arith.constant 9 : i32
    %swap3A_452 = arith.index_cast %swap3A_451 : i32 to index
    %swap3A_453 = arith.constant 32 : index
    %swap3A_454 = tpu.vector_load %arg12[%swap3A_452, %swap3A_453] {strides = array<i32>} : memref<16x128xf32, #tpu.memory_space<vmem>>, vector<1x16xf32>,
    %swap3A_455 = vector.shape_cast %swap3A_454 : vector<1x16xf32> to vector<16xf32>
    %swap3A_456 = vector.shape_cast %broadcast_in_dim3A_5 : vector<16xf32> to vector<1x16xf32>
    tpu.vector_store %arg12[%swap3A_452, %swap3A_453], %swap3A_456 {strides = array<i32>} : memref<16x128xf32, #tpu.memory_space<vmem>>, vector<1x16xf32>,
    %swap3A_457 = arith.constant 9 : i32
    %swap3A_458 = arith.index_cast %swap3A_457 : i32 to index
    %swap3A_459 = arith.constant 48 : index
    %swap3A_460 = tpu.vector_load %arg12[%swap3A_458, %swap3A_459] {strides = array<i32>} : memref<16x128xf32, #tpu.memory_space<vmem>>, vector<1x16xf32>,
    %swap3A_461 = vector.shape_cast %swap3A_460 : vector<1x16xf32> to vector<16xf32>
    %swap3A_462 = vector.shape_cast %broadcast_in_dim3A_5 : vector<16xf32> to vector<1x16xf32>
    tpu.vector_store %arg12[%swap3A_458, %swap3A_459], %swap3A_462 {strides = array<i32>} : memref<16x128xf32, #tpu.memory_space<vmem>>, vector<1x16xf32>,
    %swap3A_463 = arith.constant 9 : i32
    %swap3A_464 = arith.index_cast %swap3A_463 : i32 to index
    %swap3A_465 = arith.constant 64 : index
    %swap3A_466 = tpu.vector_load %arg12[%swap3A_464, %swap3A_465] {strides = array<i32>} : memref<16x128xf32, #tpu.memory_space<vmem>>, vector<1x16xf32>,
    %swap3A_467 = vector.shape_cast %swap3A_466 : vector<1x16xf32> to vector<16xf32>
    %swap3A_468 = vector.shape_cast %broadcast_in_dim3A_5 : vector<16xf32> to vector<1x16xf32>
    tpu.vector_store %arg12[%swap3A_464, %swap3A_465], %swap3A_468 {strides = array<i32>} : memref<16x128xf32, #tpu.memory_space<vmem>>, vector<1x16xf32>,
    %swap3A_469 = arith.constant 9 : i32
    %swap3A_470 = arith.index_cast %swap3A_469 : i32 to index
    %swap3A_471 = arith.constant 80 : index
    %swap3A_472 = tpu.vector_load %arg12[%swap3A_470, %swap3A_471] {strides = array<i32>} : memref<16x128xf32, #tpu.memory_space<vmem>>, vector<1x16xf32>,
    %swap3A_473 = vector.shape_cast %swap3A_472 : vector<1x16xf32> to vector<16xf32>
    %swap3A_474 = vector.shape_cast %broadcast_in_dim3A_5 : vector<16xf32> to vector<1x16xf32>
    tpu.vector_store %arg12[%swap3A_470, %swap3A_471], %swap3A_474 {strides = array<i32>} : memref<16x128xf32, #tpu.memory_space<vmem>>, vector<1x16xf32>,
    %swap3A_475 = arith.constant 9 : i32
    %swap3A_476 = arith.index_cast %swap3A_475 : i32 to index
    %swap3A_477 = arith.constant 96 : index
    %swap3A_478 = tpu.vector_load %arg12[%swap3A_476, %swap3A_477] {strides = array<i32>} : memref<16x128xf32, #tpu.memory_space<vmem>>, vector<1x16xf32>,
    %swap3A_479 = vector.shape_cast %swap3A_478 : vector<1x16xf32> to vector<16xf32>
    %swap3A_480 = vector.shape_cast %broadcast_in_dim3A_5 : vector<16xf32> to vector<1x16xf32>
    tpu.vector_store %arg12[%swap3A_476, %swap3A_477], %swap3A_480 {strides = array<i32>} : memref<16x128xf32, #tpu.memory_space<vmem>>, vector<1x16xf32>,
    %swap3A_481 = arith.constant 9 : i32
    %swap3A_482 = arith.index_cast %swap3A_481 : i32 to index
    %swap3A_483 = arith.constant 112 : index
    %swap3A_484 = tpu.vector_load %arg12[%swap3A_482, %swap3A_483] {strides = array<i32>} : memref<16x128xf32, #tpu.memory_space<vmem>>, vector<1x16xf32>,
    %swap3A_485 = vector.shape_cast %swap3A_484 : vector<1x16xf32> to vector<16xf32>
    %swap3A_486 = vector.shape_cast %broadcast_in_dim3A_5 : vector<16xf32> to vector<1x16xf32>
    tpu.vector_store %arg12[%swap3A_482, %swap3A_483], %swap3A_486 {strides = array<i32>} : memref<16x128xf32, #tpu.memory_space<vmem>>, vector<1x16xf32>,
    %swap3A_487 = arith.constant 10 : i32
    %swap3A_488 = arith.index_cast %swap3A_487 : i32 to index
    %swap3A_489 = arith.constant 0 : index
    %swap3A_490 = tpu.vector_load %arg12[%swap3A_488, %swap3A_489] {strides = array<i32>} : memref<16x128xf32, #tpu.memory_space<vmem>>, vector<1x16xf32>,
    %swap3A_491 = vector.shape_cast %swap3A_490 : vector<1x16xf32> to vector<16xf32>
    %swap3A_492 = vector.shape_cast %broadcast_in_dim3A_5 : vector<16xf32> to vector<1x16xf32>
    tpu.vector_store %arg12[%swap3A_488, %swap3A_489], %swap3A_492 {strides = array<i32>} : memref<16x128xf32, #tpu.memory_space<vmem>>, vector<1x16xf32>,
    %swap3A_493 = arith.constant 10 : i32
    %swap3A_494 = arith.index_cast %swap3A_493 : i32 to index
    %swap3A_495 = arith.constant 16 : index
    %swap3A_496 = tpu.vector_load %arg12[%swap3A_494, %swap3A_495] {strides = array<i32>} : memref<16x128xf32, #tpu.memory_space<vmem>>, vector<1x16xf32>,
    %swap3A_497 = vector.shape_cast %swap3A_496 : vector<1x16xf32> to vector<16xf32>
    %swap3A_498 = vector.shape_cast %broadcast_in_dim3A_5 : vector<16xf32> to vector<1x16xf32>
    tpu.vector_store %arg12[%swap3A_494, %swap3A_495], %swap3A_498 {strides = array<i32>} : memref<16x128xf32, #tpu.memory_space<vmem>>, vector<1x16xf32>,
    %swap3A_499 = arith.constant 10 : i32
    %swap3A_500 = arith.index_cast %swap3A_499 : i32 to index
    %swap3A_501 = arith.constant 32 : index
    %swap3A_502 = tpu.vector_load %arg12[%swap3A_500, %swap3A_501] {strides = array<i32>} : memref<16x128xf32, #tpu.memory_space<vmem>>, vector<1x16xf32>,
    %swap3A_503 = vector.shape_cast %swap3A_502 : vector<1x16xf32> to vector<16xf32>
    %swap3A_504 = vector.shape_cast %broadcast_in_dim3A_5 : vector<16xf32> to vector<1x16xf32>
    tpu.vector_store %arg12[%swap3A_500, %swap3A_501], %swap3A_504 {strides = array<i32>} : memref<16x128xf32, #tpu.memory_space<vmem>>, vector<1x16xf32>,
    %swap3A_505 = arith.constant 10 : i32
    %swap3A_506 = arith.index_cast %swap3A_505 : i32 to index
    %swap3A_507 = arith.constant 48 : index
    %swap3A_508 = tpu.vector_load %arg12[%swap3A_506, %swap3A_507] {strides = array<i32>} : memref<16x128xf32, #tpu.memory_space<vmem>>, vector<1x16xf32>,
    %swap3A_509 = vector.shape_cast %swap3A_508 : vector<1x16xf32> to vector<16xf32>
    %swap3A_510 = vector.shape_cast %broadcast_in_dim3A_5 : vector<16xf32> to vector<1x16xf32>
    tpu.vector_store %arg12[%swap3A_506, %swap3A_507], %swap3A_510 {strides = array<i32>} : memref<16x128xf32, #tpu.memory_space<vmem>>, vector<1x16xf32>,
    %swap3A_511 = arith.constant 10 : i32
    %swap3A_512 = arith.index_cast %swap3A_511 : i32 to index
    %swap3A_513 = arith.constant 64 : index
    %swap3A_514 = tpu.vector_load %arg12[%swap3A_512, %swap3A_513] {strides = array<i32>} : memref<16x128xf32, #tpu.memory_space<vmem>>, vector<1x16xf32>,
    %swap3A_515 = vector.shape_cast %swap3A_514 : vector<1x16xf32> to vector<16xf32>
    %swap3A_516 = vector.shape_cast %broadcast_in_dim3A_5 : vector<16xf32> to vector<1x16xf32>
    tpu.vector_store %arg12[%swap3A_512, %swap3A_513], %swap3A_516 {strides = array<i32>} : memref<16x128xf32, #tpu.memory_space<vmem>>, vector<1x16xf32>,
    %swap3A_517 = arith.constant 10 : i32
    %swap3A_518 = arith.index_cast %swap3A_517 : i32 to index
    %swap3A_519 = arith.constant 80 : index
    %swap3A_520 = tpu.vector_load %arg12[%swap3A_518, %swap3A_519] {strides = array<i32>} : memref<16x128xf32, #tpu.memory_space<vmem>>, vector<1x16xf32>,
    %swap3A_521 = vector.shape_cast %swap3A_520 : vector<1x16xf32> to vector<16xf32>
    %swap3A_522 = vector.shape_cast %broadcast_in_dim3A_5 : vector<16xf32> to vector<1x16xf32>
    tpu.vector_store %arg12[%swap3A_518, %swap3A_519], %swap3A_522 {strides = array<i32>} : memref<16x128xf32, #tpu.memory_space<vmem>>, vector<1x16xf32>,
    %swap3A_523 = arith.constant 10 : i32
    %swap3A_524 = arith.index_cast %swap3A_523 : i32 to index
    %swap3A_525 = arith.constant 96 : index
    %swap3A_526 = tpu.vector_load %arg12[%swap3A_524, %swap3A_525] {strides = array<i32>} : memref<16x128xf32, #tpu.memory_space<vmem>>, vector<1x16xf32>,
    %swap3A_527 = vector.shape_cast %swap3A_526 : vector<1x16xf32> to vector<16xf32>
    %swap3A_528 = vector.shape_cast %broadcast_in_dim3A_5 : vector<16xf32> to vector<1x16xf32>
    tpu.vector_store %arg12[%swap3A_524, %swap3A_525], %swap3A_528 {strides = array<i32>} : memref<16x128xf32, #tpu.memory_space<vmem>>, vector<1x16xf32>,
    %swap3A_529 = arith.constant 10 : i32
    %swap3A_530 = arith.index_cast %swap3A_529 : i32 to index
    %swap3A_531 = arith.constant 112 : index
    %swap3A_532 = tpu.vector_load %arg12[%swap3A_530, %swap3A_531] {strides = array<i32>} : memref<16x128xf32, #tpu.memory_space<vmem>>, vector<1x16xf32>,
    %swap3A_533 = vector.shape_cast %swap3A_532 : vector<1x16xf32> to vector<16xf32>
    %swap3A_534 = vector.shape_cast %broadcast_in_dim3A_5 : vector<16xf32> to vector<1x16xf32>
    tpu.vector_store %arg12[%swap3A_530, %swap3A_531], %swap3A_534 {strides = array<i32>} : memref<16x128xf32, #tpu.memory_space<vmem>>, vector<1x16xf32>,
    %swap3A_535 = arith.constant 11 : i32
    %swap3A_536 = arith.index_cast %swap3A_535 : i32 to index
    %swap3A_537 = arith.constant 0 : index
    %swap3A_538 = tpu.vector_load %arg12[%swap3A_536, %swap3A_537] {strides = array<i32>} : memref<16x128xf32, #tpu.memory_space<vmem>>, vector<1x16xf32>,
    %swap3A_539 = vector.shape_cast %swap3A_538 : vector<1x16xf32> to vector<16xf32>
    %swap3A_540 = vector.shape_cast %broadcast_in_dim3A_5 : vector<16xf32> to vector<1x16xf32>
    tpu.vector_store %arg12[%swap3A_536, %swap3A_537], %swap3A_540 {strides = array<i32>} : memref<16x128xf32, #tpu.memory_space<vmem>>, vector<1x16xf32>,
    %swap3A_541 = arith.constant 11 : i32
    %swap3A_542 = arith.index_cast %swap3A_541 : i32 to index
    %swap3A_543 = arith.constant 16 : index
    %swap3A_544 = tpu.vector_load %arg12[%swap3A_542, %swap3A_543] {strides = array<i32>} : memref<16x128xf32, #tpu.memory_space<vmem>>, vector<1x16xf32>,
    %swap3A_545 = vector.shape_cast %swap3A_544 : vector<1x16xf32> to vector<16xf32>
    %swap3A_546 = vector.shape_cast %broadcast_in_dim3A_5 : vector<16xf32> to vector<1x16xf32>
    tpu.vector_store %arg12[%swap3A_542, %swap3A_543], %swap3A_546 {strides = array<i32>} : memref<16x128xf32, #tpu.memory_space<vmem>>, vector<1x16xf32>,
    %swap3A_547 = arith.constant 11 : i32
    %swap3A_548 = arith.index_cast %swap3A_547 : i32 to index
    %swap3A_549 = arith.constant 32 : index
    %swap3A_550 = tpu.vector_load %arg12[%swap3A_548, %swap3A_549] {strides = array<i32>} : memref<16x128xf32, #tpu.memory_space<vmem>>, vector<1x16xf32>,
    %swap3A_551 = vector.shape_cast %swap3A_550 : vector<1x16xf32> to vector<16xf32>
    %swap3A_552 = vector.shape_cast %broadcast_in_dim3A_5 : vector<16xf32> to vector<1x16xf32>
    tpu.vector_store %arg12[%swap3A_548, %swap3A_549], %swap3A_552 {strides = array<i32>} : memref<16x128xf32, #tpu.memory_space<vmem>>, vector<1x16xf32>,
    %swap3A_553 = arith.constant 11 : i32
    %swap3A_554 = arith.index_cast %swap3A_553 : i32 to index
    %swap3A_555 = arith.constant 48 : index
    %swap3A_556 = tpu.vector_load %arg12[%swap3A_554, %swap3A_555] {strides = array<i32>} : memref<16x128xf32, #tpu.memory_space<vmem>>, vector<1x16xf32>,
    %swap3A_557 = vector.shape_cast %swap3A_556 : vector<1x16xf32> to vector<16xf32>
    %swap3A_558 = vector.shape_cast %broadcast_in_dim3A_5 : vector<16xf32> to vector<1x16xf32>
    tpu.vector_store %arg12[%swap3A_554, %swap3A_555], %swap3A_558 {strides = array<i32>} : memref<16x128xf32, #tpu.memory_space<vmem>>, vector<1x16xf32>,
    %swap3A_559 = arith.constant 11 : i32
    %swap3A_560 = arith.index_cast %swap3A_559 : i32 to index
    %swap3A_561 = arith.constant 64 : index
    %swap3A_562 = tpu.vector_load %arg12[%swap3A_560, %swap3A_561] {strides = array<i32>} : memref<16x128xf32, #tpu.memory_space<vmem>>, vector<1x16xf32>,
    %swap3A_563 = vector.shape_cast %swap3A_562 : vector<1x16xf32> to vector<16xf32>
    %swap3A_564 = vector.shape_cast %broadcast_in_dim3A_5 : vector<16xf32> to vector<1x16xf32>
    tpu.vector_store %arg12[%swap3A_560, %swap3A_561], %swap3A_564 {strides = array<i32>} : memref<16x128xf32, #tpu.memory_space<vmem>>, vector<1x16xf32>,
    %swap3A_565 = arith.constant 11 : i32
    %swap3A_566 = arith.index_cast %swap3A_565 : i32 to index
    %swap3A_567 = arith.constant 80 : index
    %swap3A_568 = tpu.vector_load %arg12[%swap3A_566, %swap3A_567] {strides = array<i32>} : memref<16x128xf32, #tpu.memory_space<vmem>>, vector<1x16xf32>,
    %swap3A_569 = vector.shape_cast %swap3A_568 : vector<1x16xf32> to vector<16xf32>
    %swap3A_570 = vector.shape_cast %broadcast_in_dim3A_5 : vector<16xf32> to vector<1x16xf32>
    tpu.vector_store %arg12[%swap3A_566, %swap3A_567], %swap3A_570 {strides = array<i32>} : memref<16x128xf32, #tpu.memory_space<vmem>>, vector<1x16xf32>,
    %swap3A_571 = arith.constant 11 : i32
    %swap3A_572 = arith.index_cast %swap3A_571 : i32 to index
    %swap3A_573 = arith.constant 96 : index
    %swap3A_574 = tpu.vector_load %arg12[%swap3A_572, %swap3A_573] {strides = array<i32>} : memref<16x128xf32, #tpu.memory_space<vmem>>, vector<1x16xf32>,
    %swap3A_575 = vector.shape_cast %swap3A_574 : vector<1x16xf32> to vector<16xf32>
    %swap3A_576 = vector.shape_cast %broadcast_in_dim3A_5 : vector<16xf32> to vector<1x16xf32>
    tpu.vector_store %arg12[%swap3A_572, %swap3A_573], %swap3A_576 {strides = array<i32>} : memref<16x128xf32, #tpu.memory_space<vmem>>, vector<1x16xf32>,
    %swap3A_577 = arith.constant 11 : i32
    %swap3A_578 = arith.index_cast %swap3A_577 : i32 to index
    %swap3A_579 = arith.constant 112 : index
    %swap3A_580 = tpu.vector_load %arg12[%swap3A_578, %swap3A_579] {strides = array<i32>} : memref<16x128xf32, #tpu.memory_space<vmem>>, vector<1x16xf32>,
    %swap3A_581 = vector.shape_cast %swap3A_580 : vector<1x16xf32> to vector<16xf32>
    %swap3A_582 = vector.shape_cast %broadcast_in_dim3A_5 : vector<16xf32> to vector<1x16xf32>
    tpu.vector_store %arg12[%swap3A_578, %swap3A_579], %swap3A_582 {strides = array<i32>} : memref<16x128xf32, #tpu.memory_space<vmem>>, vector<1x16xf32>,
    %swap3A_583 = arith.constant 12 : i32
    %swap3A_584 = arith.index_cast %swap3A_583 : i32 to index
    %swap3A_585 = arith.constant 0 : index
    %swap3A_586 = tpu.vector_load %arg12[%swap3A_584, %swap3A_585] {strides = array<i32>} : memref<16x128xf32, #tpu.memory_space<vmem>>, vector<1x16xf32>,
    %swap3A_587 = vector.shape_cast %swap3A_586 : vector<1x16xf32> to vector<16xf32>
    %swap3A_588 = vector.shape_cast %broadcast_in_dim3A_5 : vector<16xf32> to vector<1x16xf32>
    tpu.vector_store %arg12[%swap3A_584, %swap3A_585], %swap3A_588 {strides = array<i32>} : memref<16x128xf32, #tpu.memory_space<vmem>>, vector<1x16xf32>,
    %swap3A_589 = arith.constant 12 : i32
    %swap3A_590 = arith.index_cast %swap3A_589 : i32 to index
    %swap3A_591 = arith.constant 16 : index
    %swap3A_592 = tpu.vector_load %arg12[%swap3A_590, %swap3A_591] {strides = array<i32>} : memref<16x128xf32, #tpu.memory_space<vmem>>, vector<1x16xf32>,
    %swap3A_593 = vector.shape_cast %swap3A_592 : vector<1x16xf32> to vector<16xf32>
    %swap3A_594 = vector.shape_cast %broadcast_in_dim3A_5 : vector<16xf32> to vector<1x16xf32>
    tpu.vector_store %arg12[%swap3A_590, %swap3A_591], %swap3A_594 {strides = array<i32>} : memref<16x128xf32, #tpu.memory_space<vmem>>, vector<1x16xf32>,
    %swap3A_595 = arith.constant 12 : i32
    %swap3A_596 = arith.index_cast %swap3A_595 : i32 to index
    %swap3A_597 = arith.constant 32 : index
    %swap3A_598 = tpu.vector_load %arg12[%swap3A_596, %swap3A_597] {strides = array<i32>} : memref<16x128xf32, #tpu.memory_space<vmem>>, vector<1x16xf32>,
    %swap3A_599 = vector.shape_cast %swap3A_598 : vector<1x16xf32> to vector<16xf32>
    %swap3A_600 = vector.shape_cast %broadcast_in_dim3A_5 : vector<16xf32> to vector<1x16xf32>
    tpu.vector_store %arg12[%swap3A_596, %swap3A_597], %swap3A_600 {strides = array<i32>} : memref<16x128xf32, #tpu.memory_space<vmem>>, vector<1x16xf32>,
    %swap3A_601 = arith.constant 12 : i32
    %swap3A_602 = arith.index_cast %swap3A_601 : i32 to index
    %swap3A_603 = arith.constant 48 : index
    %swap3A_604 = tpu.vector_load %arg12[%swap3A_602, %swap3A_603] {strides = array<i32>} : memref<16x128xf32, #tpu.memory_space<vmem>>, vector<1x16xf32>,
    %swap3A_605 = vector.shape_cast %swap3A_604 : vector<1x16xf32> to vector<16xf32>
    %swap3A_606 = vector.shape_cast %broadcast_in_dim3A_5 : vector<16xf32> to vector<1x16xf32>
    tpu.vector_store %arg12[%swap3A_602, %swap3A_603], %swap3A_606 {strides = array<i32>} : memref<16x128xf32, #tpu.memory_space<vmem>>, vector<1x16xf32>,
    %swap3A_607 = arith.constant 12 : i32
    %swap3A_608 = arith.index_cast %swap3A_607 : i32 to index
    %swap3A_609 = arith.constant 64 : index
    %swap3A_610 = tpu.vector_load %arg12[%swap3A_608, %swap3A_609] {strides = array<i32>} : memref<16x128xf32, #tpu.memory_space<vmem>>, vector<1x16xf32>,
    %swap3A_611 = vector.shape_cast %swap3A_610 : vector<1x16xf32> to vector<16xf32>
    %swap3A_612 = vector.shape_cast %broadcast_in_dim3A_5 : vector<16xf32> to vector<1x16xf32>
    tpu.vector_store %arg12[%swap3A_608, %swap3A_609], %swap3A_612 {strides = array<i32>} : memref<16x128xf32, #tpu.memory_space<vmem>>, vector<1x16xf32>,
    %swap3A_613 = arith.constant 12 : i32
    %swap3A_614 = arith.index_cast %swap3A_613 : i32 to index
    %swap3A_615 = arith.constant 80 : index
    %swap3A_616 = tpu.vector_load %arg12[%swap3A_614, %swap3A_615] {strides = array<i32>} : memref<16x128xf32, #tpu.memory_space<vmem>>, vector<1x16xf32>,
    %swap3A_617 = vector.shape_cast %swap3A_616 : vector<1x16xf32> to vector<16xf32>
    %swap3A_618 = vector.shape_cast %broadcast_in_dim3A_5 : vector<16xf32> to vector<1x16xf32>
    tpu.vector_store %arg12[%swap3A_614, %swap3A_615], %swap3A_618 {strides = array<i32>} : memref<16x128xf32, #tpu.memory_space<vmem>>, vector<1x16xf32>,
    %swap3A_619 = arith.constant 12 : i32
    %swap3A_620 = arith.index_cast %swap3A_619 : i32 to index
    %swap3A_621 = arith.constant 96 : index
    %swap3A_622 = tpu.vector_load %arg12[%swap3A_620, %swap3A_621] {strides = array<i32>} : memref<16x128xf32, #tpu.memory_space<vmem>>, vector<1x16xf32>,
    %swap3A_623 = vector.shape_cast %swap3A_622 : vector<1x16xf32> to vector<16xf32>
    %swap3A_624 = vector.shape_cast %broadcast_in_dim3A_5 : vector<16xf32> to vector<1x16xf32>
    tpu.vector_store %arg12[%swap3A_620, %swap3A_621], %swap3A_624 {strides = array<i32>} : memref<16x128xf32, #tpu.memory_space<vmem>>, vector<1x16xf32>,
    %swap3A_625 = arith.constant 12 : i32
    %swap3A_626 = arith.index_cast %swap3A_625 : i32 to index
    %swap3A_627 = arith.constant 112 : index
    %swap3A_628 = tpu.vector_load %arg12[%swap3A_626, %swap3A_627] {strides = array<i32>} : memref<16x128xf32, #tpu.memory_space<vmem>>, vector<1x16xf32>,
    %swap3A_629 = vector.shape_cast %swap3A_628 : vector<1x16xf32> to vector<16xf32>
    %swap3A_630 = vector.shape_cast %broadcast_in_dim3A_5 : vector<16xf32> to vector<1x16xf32>
    tpu.vector_store %arg12[%swap3A_626, %swap3A_627], %swap3A_630 {strides = array<i32>} : memref<16x128xf32, #tpu.memory_space<vmem>>, vector<1x16xf32>,
    %swap3A_631 = arith.constant 13 : i32
    %swap3A_632 = arith.index_cast %swap3A_631 : i32 to index
    %swap3A_633 = arith.constant 0 : index
    %swap3A_634 = tpu.vector_load %arg12[%swap3A_632, %swap3A_633] {strides = array<i32>} : memref<16x128xf32, #tpu.memory_space<vmem>>, vector<1x16xf32>,
    %swap3A_635 = vector.shape_cast %swap3A_634 : vector<1x16xf32> to vector<16xf32>
    %swap3A_636 = vector.shape_cast %broadcast_in_dim3A_5 : vector<16xf32> to vector<1x16xf32>
    tpu.vector_store %arg12[%swap3A_632, %swap3A_633], %swap3A_636 {strides = array<i32>} : memref<16x128xf32, #tpu.memory_space<vmem>>, vector<1x16xf32>,
    %swap3A_637 = arith.constant 13 : i32
    %swap3A_638 = arith.index_cast %swap3A_637 : i32 to index
    %swap3A_639 = arith.constant 16 : index
    %swap3A_640 = tpu.vector_load %arg12[%swap3A_638, %swap3A_639] {strides = array<i32>} : memref<16x128xf32, #tpu.memory_space<vmem>>, vector<1x16xf32>,
    %swap3A_641 = vector.shape_cast %swap3A_640 : vector<1x16xf32> to vector<16xf32>
    %swap3A_642 = vector.shape_cast %broadcast_in_dim3A_5 : vector<16xf32> to vector<1x16xf32>
    tpu.vector_store %arg12[%swap3A_638, %swap3A_639], %swap3A_642 {strides = array<i32>} : memref<16x128xf32, #tpu.memory_space<vmem>>, vector<1x16xf32>,
    %swap3A_643 = arith.constant 13 : i32
    %swap3A_644 = arith.index_cast %swap3A_643 : i32 to index
    %swap3A_645 = arith.constant 32 : index
    %swap3A_646 = tpu.vector_load %arg12[%swap3A_644, %swap3A_645] {strides = array<i32>} : memref<16x128xf32, #tpu.memory_space<vmem>>, vector<1x16xf32>,
    %swap3A_647 = vector.shape_cast %swap3A_646 : vector<1x16xf32> to vector<16xf32>
    %swap3A_648 = vector.shape_cast %broadcast_in_dim3A_5 : vector<16xf32> to vector<1x16xf32>
    tpu.vector_store %arg12[%swap3A_644, %swap3A_645], %swap3A_648 {strides = array<i32>} : memref<16x128xf32, #tpu.memory_space<vmem>>, vector<1x16xf32>,
    %swap3A_649 = arith.constant 13 : i32
    %swap3A_650 = arith.index_cast %swap3A_649 : i32 to index
    %swap3A_651 = arith.constant 48 : index
    %swap3A_652 = tpu.vector_load %arg12[%swap3A_650, %swap3A_651] {strides = array<i32>} : memref<16x128xf32, #tpu.memory_space<vmem>>, vector<1x16xf32>,
    %swap3A_653 = vector.shape_cast %swap3A_652 : vector<1x16xf32> to vector<16xf32>
    %swap3A_654 = vector.shape_cast %broadcast_in_dim3A_5 : vector<16xf32> to vector<1x16xf32>
    tpu.vector_store %arg12[%swap3A_650, %swap3A_651], %swap3A_654 {strides = array<i32>} : memref<16x128xf32, #tpu.memory_space<vmem>>, vector<1x16xf32>,
    %swap3A_655 = arith.constant 13 : i32
    %swap3A_656 = arith.index_cast %swap3A_655 : i32 to index
    %swap3A_657 = arith.constant 64 : index
    %swap3A_658 = tpu.vector_load %arg12[%swap3A_656, %swap3A_657] {strides = array<i32>} : memref<16x128xf32, #tpu.memory_space<vmem>>, vector<1x16xf32>,
    %swap3A_659 = vector.shape_cast %swap3A_658 : vector<1x16xf32> to vector<16xf32>
    %swap3A_660 = vector.shape_cast %broadcast_in_dim3A_5 : vector<16xf32> to vector<1x16xf32>
    tpu.vector_store %arg12[%swap3A_656, %swap3A_657], %swap3A_660 {strides = array<i32>} : memref<16x128xf32, #tpu.memory_space<vmem>>, vector<1x16xf32>,
    %swap3A_661 = arith.constant 13 : i32
    %swap3A_662 = arith.index_cast %swap3A_661 : i32 to index
    %swap3A_663 = arith.constant 80 : index
    %swap3A_664 = tpu.vector_load %arg12[%swap3A_662, %swap3A_663] {strides = array<i32>} : memref<16x128xf32, #tpu.memory_space<vmem>>, vector<1x16xf32>,
    %swap3A_665 = vector.shape_cast %swap3A_664 : vector<1x16xf32> to vector<16xf32>
    %swap3A_666 = vector.shape_cast %broadcast_in_dim3A_5 : vector<16xf32> to vector<1x16xf32>
    tpu.vector_store %arg12[%swap3A_662, %swap3A_663], %swap3A_666 {strides = array<i32>} : memref<16x128xf32, #tpu.memory_space<vmem>>, vector<1x16xf32>,
    %swap3A_667 = arith.constant 13 : i32
    %swap3A_668 = arith.index_cast %swap3A_667 : i32 to index
    %swap3A_669 = arith.constant 96 : index
    %swap3A_670 = tpu.vector_load %arg12[%swap3A_668, %swap3A_669] {strides = array<i32>} : memref<16x128xf32, #tpu.memory_space<vmem>>, vector<1x16xf32>,
    %swap3A_671 = vector.shape_cast %swap3A_670 : vector<1x16xf32> to vector<16xf32>
    %swap3A_672 = vector.shape_cast %broadcast_in_dim3A_5 : vector<16xf32> to vector<1x16xf32>
    tpu.vector_store %arg12[%swap3A_668, %swap3A_669], %swap3A_672 {strides = array<i32>} : memref<16x128xf32, #tpu.memory_space<vmem>>, vector<1x16xf32>,
    %swap3A_673 = arith.constant 13 : i32
    %swap3A_674 = arith.index_cast %swap3A_673 : i32 to index
    %swap3A_675 = arith.constant 112 : index
    %swap3A_676 = tpu.vector_load %arg12[%swap3A_674, %swap3A_675] {strides = array<i32>} : memref<16x128xf32, #tpu.memory_space<vmem>>, vector<1x16xf32>,
    %swap3A_677 = vector.shape_cast %swap3A_676 : vector<1x16xf32> to vector<16xf32>
    %swap3A_678 = vector.shape_cast %broadcast_in_dim3A_5 : vector<16xf32> to vector<1x16xf32>
    tpu.vector_store %arg12[%swap3A_674, %swap3A_675], %swap3A_678 {strides = array<i32>} : memref<16x128xf32, #tpu.memory_space<vmem>>, vector<1x16xf32>,
    %swap3A_679 = arith.constant 14 : i32
    %swap3A_680 = arith.index_cast %swap3A_679 : i32 to index
    %swap3A_681 = arith.constant 0 : index
    %swap3A_682 = tpu.vector_load %arg12[%swap3A_680, %swap3A_681] {strides = array<i32>} : memref<16x128xf32, #tpu.memory_space<vmem>>, vector<1x16xf32>,
    %swap3A_683 = vector.shape_cast %swap3A_682 : vector<1x16xf32> to vector<16xf32>
    %swap3A_684 = vector.shape_cast %broadcast_in_dim3A_5 : vector<16xf32> to vector<1x16xf32>
    tpu.vector_store %arg12[%swap3A_680, %swap3A_681], %swap3A_684 {strides = array<i32>} : memref<16x128xf32, #tpu.memory_space<vmem>>, vector<1x16xf32>,
    %swap3A_685 = arith.constant 14 : i32
    %swap3A_686 = arith.index_cast %swap3A_685 : i32 to index
    %swap3A_687 = arith.constant 16 : index
    %swap3A_688 = tpu.vector_load %arg12[%swap3A_686, %swap3A_687] {strides = array<i32>} : memref<16x128xf32, #tpu.memory_space<vmem>>, vector<1x16xf32>,
    %swap3A_689 = vector.shape_cast %swap3A_688 : vector<1x16xf32> to vector<16xf32>
    %swap3A_690 = vector.shape_cast %broadcast_in_dim3A_5 : vector<16xf32> to vector<1x16xf32>
    tpu.vector_store %arg12[%swap3A_686, %swap3A_687], %swap3A_690 {strides = array<i32>} : memref<16x128xf32, #tpu.memory_space<vmem>>, vector<1x16xf32>,
    %swap3A_691 = arith.constant 14 : i32
    %swap3A_692 = arith.index_cast %swap3A_691 : i32 to index
    %swap3A_693 = arith.constant 32 : index
    %swap3A_694 = tpu.vector_load %arg12[%swap3A_692, %swap3A_693] {strides = array<i32>} : memref<16x128xf32, #tpu.memory_space<vmem>>, vector<1x16xf32>,
    %swap3A_695 = vector.shape_cast %swap3A_694 : vector<1x16xf32> to vector<16xf32>
    %swap3A_696 = vector.shape_cast %broadcast_in_dim3A_5 : vector<16xf32> to vector<1x16xf32>
    tpu.vector_store %arg12[%swap3A_692, %swap3A_693], %swap3A_696 {strides = array<i32>} : memref<16x128xf32, #tpu.memory_space<vmem>>, vector<1x16xf32>,
    %swap3A_697 = arith.constant 14 : i32
    %swap3A_698 = arith.index_cast %swap3A_697 : i32 to index
    %swap3A_699 = arith.constant 48 : index
    %swap3A_700 = tpu.vector_load %arg12[%swap3A_698, %swap3A_699] {strides = array<i32>} : memref<16x128xf32, #tpu.memory_space<vmem>>, vector<1x16xf32>,
    %swap3A_701 = vector.shape_cast %swap3A_700 : vector<1x16xf32> to vector<16xf32>
    %swap3A_702 = vector.shape_cast %broadcast_in_dim3A_5 : vector<16xf32> to vector<1x16xf32>
    tpu.vector_store %arg12[%swap3A_698, %swap3A_699], %swap3A_702 {strides = array<i32>} : memref<16x128xf32, #tpu.memory_space<vmem>>, vector<1x16xf32>,
    %swap3A_703 = arith.constant 14 : i32
    %swap3A_704 = arith.index_cast %swap3A_703 : i32 to index
    %swap3A_705 = arith.constant 64 : index
    %swap3A_706 = tpu.vector_load %arg12[%swap3A_704, %swap3A_705] {strides = array<i32>} : memref<16x128xf32, #tpu.memory_space<vmem>>, vector<1x16xf32>,
    %swap3A_707 = vector.shape_cast %swap3A_706 : vector<1x16xf32> to vector<16xf32>
    %swap3A_708 = vector.shape_cast %broadcast_in_dim3A_5 : vector<16xf32> to vector<1x16xf32>
    tpu.vector_store %arg12[%swap3A_704, %swap3A_705], %swap3A_708 {strides = array<i32>} : memref<16x128xf32, #tpu.memory_space<vmem>>, vector<1x16xf32>,
    %swap3A_709 = arith.constant 14 : i32
    %swap3A_710 = arith.index_cast %swap3A_709 : i32 to index
    %swap3A_711 = arith.constant 80 : index
    %swap3A_712 = tpu.vector_load %arg12[%swap3A_710, %swap3A_711] {strides = array<i32>} : memref<16x128xf32, #tpu.memory_space<vmem>>, vector<1x16xf32>,
    %swap3A_713 = vector.shape_cast %swap3A_712 : vector<1x16xf32> to vector<16xf32>
    %swap3A_714 = vector.shape_cast %broadcast_in_dim3A_5 : vector<16xf32> to vector<1x16xf32>
    tpu.vector_store %arg12[%swap3A_710, %swap3A_711], %swap3A_714 {strides = array<i32>} : memref<16x128xf32, #tpu.memory_space<vmem>>, vector<1x16xf32>,
    %swap3A_715 = arith.constant 14 : i32
    %swap3A_716 = arith.index_cast %swap3A_715 : i32 to index
    %swap3A_717 = arith.constant 96 : index
    %swap3A_718 = tpu.vector_load %arg12[%swap3A_716, %swap3A_717] {strides = array<i32>} : memref<16x128xf32, #tpu.memory_space<vmem>>, vector<1x16xf32>,
    %swap3A_719 = vector.shape_cast %swap3A_718 : vector<1x16xf32> to vector<16xf32>
    %swap3A_720 = vector.shape_cast %broadcast_in_dim3A_5 : vector<16xf32> to vector<1x16xf32>
    tpu.vector_store %arg12[%swap3A_716, %swap3A_717], %swap3A_720 {strides = array<i32>} : memref<16x128xf32, #tpu.memory_space<vmem>>, vector<1x16xf32>,
    %swap3A_721 = arith.constant 14 : i32
    %swap3A_722 = arith.index_cast %swap3A_721 : i32 to index
    %swap3A_723 = arith.constant 112 : index
    %swap3A_724 = tpu.vector_load %arg12[%swap3A_722, %swap3A_723] {strides = array<i32>} : memref<16x128xf32, #tpu.memory_space<vmem>>, vector<1x16xf32>,
    %swap3A_725 = vector.shape_cast %swap3A_724 : vector<1x16xf32> to vector<16xf32>
    %swap3A_726 = vector.shape_cast %broadcast_in_dim3A_5 : vector<16xf32> to vector<1x16xf32>
    tpu.vector_store %arg12[%swap3A_722, %swap3A_723], %swap3A_726 {strides = array<i32>} : memref<16x128xf32, #tpu.memory_space<vmem>>, vector<1x16xf32>,
    %swap3A_727 = arith.constant 15 : i32
    %swap3A_728 = arith.index_cast %swap3A_727 : i32 to index
    %swap3A_729 = arith.constant 0 : index
    %swap3A_730 = tpu.vector_load %arg12[%swap3A_728, %swap3A_729] {strides = array<i32>} : memref<16x128xf32, #tpu.memory_space<vmem>>, vector<1x16xf32>,
    %swap3A_731 = vector.shape_cast %swap3A_730 : vector<1x16xf32> to vector<16xf32>
    %swap3A_732 = vector.shape_cast %broadcast_in_dim3A_5 : vector<16xf32> to vector<1x16xf32>
    tpu.vector_store %arg12[%swap3A_728, %swap3A_729], %swap3A_732 {strides = array<i32>} : memref<16x128xf32, #tpu.memory_space<vmem>>, vector<1x16xf32>,
    %swap3A_733 = arith.constant 15 : i32
    %swap3A_734 = arith.index_cast %swap3A_733 : i32 to index
    %swap3A_735 = arith.constant 16 : index
    %swap3A_736 = tpu.vector_load %arg12[%swap3A_734, %swap3A_735] {strides = array<i32>} : memref<16x128xf32, #tpu.memory_space<vmem>>, vector<1x16xf32>,
    %swap3A_737 = vector.shape_cast %swap3A_736 : vector<1x16xf32> to vector<16xf32>
    %swap3A_738 = vector.shape_cast %broadcast_in_dim3A_5 : vector<16xf32> to vector<1x16xf32>
    tpu.vector_store %arg12[%swap3A_734, %swap3A_735], %swap3A_738 {strides = array<i32>} : memref<16x128xf32, #tpu.memory_space<vmem>>, vector<1x16xf32>,
    %swap3A_739 = arith.constant 15 : i32
    %swap3A_740 = arith.index_cast %swap3A_739 : i32 to index
    %swap3A_741 = arith.constant 32 : index
    %swap3A_742 = tpu.vector_load %arg12[%swap3A_740, %swap3A_741] {strides = array<i32>} : memref<16x128xf32, #tpu.memory_space<vmem>>, vector<1x16xf32>,
    %swap3A_743 = vector.shape_cast %swap3A_742 : vector<1x16xf32> to vector<16xf32>
    %swap3A_744 = vector.shape_cast %broadcast_in_dim3A_5 : vector<16xf32> to vector<1x16xf32>
    tpu.vector_store %arg12[%swap3A_740, %swap3A_741], %swap3A_744 {strides = array<i32>} : memref<16x128xf32, #tpu.memory_space<vmem>>, vector<1x16xf32>,
    %swap3A_745 = arith.constant 15 : i32
    %swap3A_746 = arith.index_cast %swap3A_745 : i32 to index
    %swap3A_747 = arith.constant 48 : index
    %swap3A_748 = tpu.vector_load %arg12[%swap3A_746, %swap3A_747] {strides = array<i32>} : memref<16x128xf32, #tpu.memory_space<vmem>>, vector<1x16xf32>,
    %swap3A_749 = vector.shape_cast %swap3A_748 : vector<1x16xf32> to vector<16xf32>
    %swap3A_750 = vector.shape_cast %broadcast_in_dim3A_5 : vector<16xf32> to vector<1x16xf32>
    tpu.vector_store %arg12[%swap3A_746, %swap3A_747], %swap3A_750 {strides = array<i32>} : memref<16x128xf32, #tpu.memory_space<vmem>>, vector<1x16xf32>,
    %swap3A_751 = arith.constant 15 : i32
    %swap3A_752 = arith.index_cast %swap3A_751 : i32 to index
    %swap3A_753 = arith.constant 64 : index
    %swap3A_754 = tpu.vector_load %arg12[%swap3A_752, %swap3A_753] {strides = array<i32>} : memref<16x128xf32, #tpu.memory_space<vmem>>, vector<1x16xf32>,
    %swap3A_755 = vector.shape_cast %swap3A_754 : vector<1x16xf32> to vector<16xf32>
    %swap3A_756 = vector.shape_cast %broadcast_in_dim3A_5 : vector<16xf32> to vector<1x16xf32>
    tpu.vector_store %arg12[%swap3A_752, %swap3A_753], %swap3A_756 {strides = array<i32>} : memref<16x128xf32, #tpu.memory_space<vmem>>, vector<1x16xf32>,
    %swap3A_757 = arith.constant 15 : i32
    %swap3A_758 = arith.index_cast %swap3A_757 : i32 to index
    %swap3A_759 = arith.constant 80 : index
    %swap3A_760 = tpu.vector_load %arg12[%swap3A_758, %swap3A_759] {strides = array<i32>} : memref<16x128xf32, #tpu.memory_space<vmem>>, vector<1x16xf32>,
    %swap3A_761 = vector.shape_cast %swap3A_760 : vector<1x16xf32> to vector<16xf32>
    %swap3A_762 = vector.shape_cast %broadcast_in_dim3A_5 : vector<16xf32> to vector<1x16xf32>
    tpu.vector_store %arg12[%swap3A_758, %swap3A_759], %swap3A_762 {strides = array<i32>} : memref<16x128xf32, #tpu.memory_space<vmem>>, vector<1x16xf32>,
    %swap3A_763 = arith.constant 15 : i32
    %swap3A_764 = arith.index_cast %swap3A_763 : i32 to index
    %swap3A_765 = arith.constant 96 : index
    %swap3A_766 = tpu.vector_load %arg12[%swap3A_764, %swap3A_765] {strides = array<i32>} : memref<16x128xf32, #tpu.memory_space<vmem>>, vector<1x16xf32>,
    %swap3A_767 = vector.shape_cast %swap3A_766 : vector<1x16xf32> to vector<16xf32>
    %swap3A_768 = vector.shape_cast %broadcast_in_dim3A_5 : vector<16xf32> to vector<1x16xf32>
    tpu.vector_store %arg12[%swap3A_764, %swap3A_765], %swap3A_768 {strides = array<i32>} : memref<16x128xf32, #tpu.memory_space<vmem>>, vector<1x16xf32>,
    %swap3A_769 = arith.constant 15 : i32
    %swap3A_770 = arith.index_cast %swap3A_769 : i32 to index
    %swap3A_771 = arith.constant 112 : index
    %swap3A_772 = tpu.vector_load %arg12[%swap3A_770, %swap3A_771] {strides = array<i32>} : memref<16x128xf32, #tpu.memory_space<vmem>>, vector<1x16xf32>,
    %swap3A_773 = vector.shape_cast %swap3A_772 : vector<1x16xf32> to vector<16xf32>
    %swap3A_774 = vector.shape_cast %broadcast_in_dim3A_5 : vector<16xf32> to vector<1x16xf32>
    tpu.vector_store %arg12[%swap3A_770, %swap3A_771], %swap3A_774 {strides = array<i32>} : memref<16x128xf32, #tpu.memory_space<vmem>>, vector<1x16xf32>,
    %scan3A = arith.constant 0 : i32
    %scan3A_775 = arith.constant 40 : i32
    %scan3A_776 = arith.addi %scan3A, %scan3A_775 : i32
    %scan3A_777 = arith.constant 1 : i32
    scf.for %scan3A_831 = %scan3A to %scan3A_776 step %scan3A_777  : i32 {
      %mul3A_832 = arith.constant 1 : i32
      %mul3A_833 = arith.muli %scan3A_831, %mul3A_832 : i32
      %add3A_834 = arith.constant 0 : i32
      %add3A_835 = arith.addi %add3A_834, %mul3A_833 : i32
      %mul3A_836 = arith.constant 16 : i32
      %mul3A_837 = arith.muli %add3A_835, %mul3A_836 : i32
      %add3A_838 = arith.addi %mul3A_4, %mul3A_837 : i32
      "tpu.region"() ({
        %run_scoped3A_839 = tpu.sem_alloc : memref<!tpu.dma_semaphore, #tpu.memory_space<semaphore_mem>>
        %dma_start3A = arith.constant 0 : i32
        %dma_start3A_840 = tpu.memref_slice %arg13[%add3A_838, %dma_start3A] : memref<10240x128xf32, #tpu.memory_space<vmem_shared>> -> memref<16x128xf32, #tpu.memory_space<vmem_shared>>
        %dma_start3A_841 = arith.constant 0 : i32
        %dma_start3A_842 = tpu.memref_slice %arg13[%add3A_838, %dma_start3A_841] : memref<10240x128xf32, #tpu.memory_space<vmem_shared>> -> memref<16x128xf32, #tpu.memory_space<vmem_shared>>
        tpu.enqueue_dma source(%arg12 : memref<16x128xf32, #tpu.memory_space<vmem>>) target(%dma_start3A_842 : memref<16x128xf32, #tpu.memory_space<vmem_shared>>) target_semaphore(%run_scoped3A_839 : memref<!tpu.dma_semaphore, #tpu.memory_space<semaphore_mem>>)
        %dma_wait3A = arith.constant 0 : i32
        %dma_wait3A_843 = tpu.memref_slice %arg13[%add3A_838, %dma_wait3A] : memref<10240x128xf32, #tpu.memory_space<vmem_shared>> -> memref<16x128xf32, #tpu.memory_space<vmem_shared>>
        %dma_wait3A_844 = arith.constant 0 : i32
        %dma_wait3A_845 = tpu.memref_slice %arg13[%add3A_838, %dma_wait3A_844] : memref<10240x128xf32, #tpu.memory_space<vmem_shared>> -> memref<16x128xf32, #tpu.memory_space<vmem_shared>>
        tpu.wait_dma2 semaphore(%run_scoped3A_839 : memref<!tpu.dma_semaphore, #tpu.memory_space<semaphore_mem>>) src(%arg12 : memref<16x128xf32, #tpu.memory_space<vmem>>) dst(%dma_wait3A_845 : memref<16x128xf32, #tpu.memory_space<vmem_shared>>)
        tpu.yield
      }) : () -> ()
    }
    %scan3A_778 = arith.constant 40 : i32
    %swap3A_779 = arith.constant 0 : index
    %swap3A_780 = tpu.vector_load %arg11[%swap3A_779] {strides = array<i32>} : memref<128xf32, #tpu.memory_space<vmem>>, vector<16xf32>,
    %swap3A_781 = vector.shape_cast %swap3A_780 : vector<16xf32> to vector<16xf32>
    %swap3A_782 = vector.shape_cast %broadcast_in_dim3A_7 : vector<16xf32> to vector<16xf32>
    tpu.vector_store %arg11[%swap3A_779], %swap3A_782 {strides = array<i32>} : memref<128xf32, #tpu.memory_space<vmem>>, vector<16xf32>,
    %swap3A_783 = arith.constant 16 : index
    %swap3A_784 = tpu.vector_load %arg11[%swap3A_783] {strides = array<i32>} : memref<128xf32, #tpu.memory_space<vmem>>, vector<16xf32>,
    %swap3A_785 = vector.shape_cast %swap3A_784 : vector<16xf32> to vector<16xf32>
    %swap3A_786 = vector.shape_cast %broadcast_in_dim3A_7 : vector<16xf32> to vector<16xf32>
    tpu.vector_store %arg11[%swap3A_783], %swap3A_786 {strides = array<i32>} : memref<128xf32, #tpu.memory_space<vmem>>, vector<16xf32>,
    %swap3A_787 = arith.constant 32 : index
    %swap3A_788 = tpu.vector_load %arg11[%swap3A_787] {strides = array<i32>} : memref<128xf32, #tpu.memory_space<vmem>>, vector<16xf32>,
    %swap3A_789 = vector.shape_cast %swap3A_788 : vector<16xf32> to vector<16xf32>
    %swap3A_790 = vector.shape_cast %broadcast_in_dim3A_7 : vector<16xf32> to vector<16xf32>
    tpu.vector_store %arg11[%swap3A_787], %swap3A_790 {strides = array<i32>} : memref<128xf32, #tpu.memory_space<vmem>>, vector<16xf32>,
    %swap3A_791 = arith.constant 48 : index
    %swap3A_792 = tpu.vector_load %arg11[%swap3A_791] {strides = array<i32>} : memref<128xf32, #tpu.memory_space<vmem>>, vector<16xf32>,
    %swap3A_793 = vector.shape_cast %swap3A_792 : vector<16xf32> to vector<16xf32>
    %swap3A_794 = vector.shape_cast %broadcast_in_dim3A_7 : vector<16xf32> to vector<16xf32>
    tpu.vector_store %arg11[%swap3A_791], %swap3A_794 {strides = array<i32>} : memref<128xf32, #tpu.memory_space<vmem>>, vector<16xf32>,
    %swap3A_795 = arith.constant 64 : index
    %swap3A_796 = tpu.vector_load %arg11[%swap3A_795] {strides = array<i32>} : memref<128xf32, #tpu.memory_space<vmem>>, vector<16xf32>,
    %swap3A_797 = vector.shape_cast %swap3A_796 : vector<16xf32> to vector<16xf32>
    %swap3A_798 = vector.shape_cast %broadcast_in_dim3A_7 : vector<16xf32> to vector<16xf32>
    tpu.vector_store %arg11[%swap3A_795], %swap3A_798 {strides = array<i32>} : memref<128xf32, #tpu.memory_space<vmem>>, vector<16xf32>,
    %swap3A_799 = arith.constant 80 : index
    %swap3A_800 = tpu.vector_load %arg11[%swap3A_799] {strides = array<i32>} : memref<128xf32, #tpu.memory_space<vmem>>, vector<16xf32>,
    %swap3A_801 = vector.shape_cast %swap3A_800 : vector<16xf32> to vector<16xf32>
    %swap3A_802 = vector.shape_cast %broadcast_in_dim3A_7 : vector<16xf32> to vector<16xf32>
    tpu.vector_store %arg11[%swap3A_799], %swap3A_802 {strides = array<i32>} : memref<128xf32, #tpu.memory_space<vmem>>, vector<16xf32>,
    %swap3A_803 = arith.constant 96 : index
    %swap3A_804 = tpu.vector_load %arg11[%swap3A_803] {strides = array<i32>} : memref<128xf32, #tpu.memory_space<vmem>>, vector<16xf32>,
    %swap3A_805 = vector.shape_cast %swap3A_804 : vector<16xf32> to vector<16xf32>
    %swap3A_806 = vector.shape_cast %broadcast_in_dim3A_7 : vector<16xf32> to vector<16xf32>
    tpu.vector_store %arg11[%swap3A_803], %swap3A_806 {strides = array<i32>} : memref<128xf32, #tpu.memory_space<vmem>>, vector<16xf32>,
    %swap3A_807 = arith.constant 112 : index
    %swap3A_808 = tpu.vector_load %arg11[%swap3A_807] {strides = array<i32>} : memref<128xf32, #tpu.memory_space<vmem>>, vector<16xf32>,
    %swap3A_809 = vector.shape_cast %swap3A_808 : vector<16xf32> to vector<16xf32>
    %swap3A_810 = vector.shape_cast %broadcast_in_dim3A_7 : vector<16xf32> to vector<16xf32>
    tpu.vector_store %arg11[%swap3A_807], %swap3A_810 {strides = array<i32>} : memref<128xf32, #tpu.memory_space<vmem>>, vector<16xf32>,
    %add3A_811 = arith.constant 0 : i32
    %add3A_812 = arith.addi %mul3A_4, %add3A_811 : i32
    %run_scoped3A = arith.constant 0 : i32
    "tpu.region"() ({
      %run_scoped3A_831 = tpu.sem_alloc : memref<!tpu.dma_semaphore, #tpu.memory_space<semaphore_mem>>
      %dma_start3A = arith.constant 0 : i32
      %dma_start3A_832 = tpu.memref_slice %arg12[%run_scoped3A, %dma_start3A] : memref<16x128xf32, #tpu.memory_space<vmem>> -> memref<1x128xf32, #tpu.memory_space<vmem>>
      %dma_start3A_833 = tpu.memref_squeeze %dma_start3A_832 : memref<1x128xf32, #tpu.memory_space<vmem>> -> memref<128xf32, #tpu.memory_space<vmem>>
      %dma_start3A_834 = tpu.memref_slice %arg14[%add3A_812] : memref<10240xf32, #tpu.memory_space<vmem_shared>> -> memref<128xf32, #tpu.memory_space<vmem_shared>>
      %dma_start3A_835 = tpu.memref_slice %arg14[%add3A_812] : memref<10240xf32, #tpu.memory_space<vmem_shared>> -> memref<128xf32, #tpu.memory_space<vmem_shared>>
      %dma_start3A_836 = arith.constant 0 : i32
      %dma_start3A_837 = tpu.memref_slice %arg12[%run_scoped3A, %dma_start3A_836] : memref<16x128xf32, #tpu.memory_space<vmem>> -> memref<1x128xf32, #tpu.memory_space<vmem>>
      %dma_start3A_838 = tpu.memref_squeeze %dma_start3A_837 : memref<1x128xf32, #tpu.memory_space<vmem>> -> memref<128xf32, #tpu.memory_space<vmem>>
      tpu.enqueue_dma source(%dma_start3A_838 : memref<128xf32, #tpu.memory_space<vmem>>) target(%dma_start3A_835 : memref<128xf32, #tpu.memory_space<vmem_shared>>) target_semaphore(%run_scoped3A_831 : memref<!tpu.dma_semaphore, #tpu.memory_space<semaphore_mem>>)
      %dma_wait3A = arith.constant 0 : i32
      %dma_wait3A_839 = tpu.memref_slice %arg12[%run_scoped3A, %dma_wait3A] : memref<16x128xf32, #tpu.memory_space<vmem>> -> memref<1x128xf32, #tpu.memory_space<vmem>>
      %dma_wait3A_840 = tpu.memref_squeeze %dma_wait3A_839 : memref<1x128xf32, #tpu.memory_space<vmem>> -> memref<128xf32, #tpu.memory_space<vmem>>
      %dma_wait3A_841 = tpu.memref_slice %arg14[%add3A_812] : memref<10240xf32, #tpu.memory_space<vmem_shared>> -> memref<128xf32, #tpu.memory_space<vmem_shared>>
      %dma_wait3A_842 = tpu.memref_slice %arg14[%add3A_812] : memref<10240xf32, #tpu.memory_space<vmem_shared>> -> memref<128xf32, #tpu.memory_space<vmem_shared>>
      %dma_wait3A_843 = arith.constant 0 : i32
      %dma_wait3A_844 = tpu.memref_slice %arg12[%run_scoped3A, %dma_wait3A_843] : memref<16x128xf32, #tpu.memory_space<vmem>> -> memref<1x128xf32, #tpu.memory_space<vmem>>
      %dma_wait3A_845 = tpu.memref_squeeze %dma_wait3A_844 : memref<1x128xf32, #tpu.memory_space<vmem>> -> memref<128xf32, #tpu.memory_space<vmem>>
      tpu.wait_dma2 semaphore(%run_scoped3A_831 : memref<!tpu.dma_semaphore, #tpu.memory_space<semaphore_mem>>) src(%dma_wait3A_845 : memref<128xf32, #tpu.memory_space<vmem>>) dst(%dma_wait3A_842 : memref<128xf32, #tpu.memory_space<vmem_shared>>)
      tpu.yield
    }) : () -> ()
    %add3A_813 = arith.constant 128 : i32
    %add3A_814 = arith.addi %mul3A_4, %add3A_813 : i32
    %run_scoped3A_815 = arith.constant 0 : i32
    "tpu.region"() ({
      %run_scoped3A_831 = tpu.sem_alloc : memref<!tpu.dma_semaphore, #tpu.memory_space<semaphore_mem>>
      %dma_start3A = arith.constant 0 : i32
      %dma_start3A_832 = tpu.memref_slice %arg12[%run_scoped3A_815, %dma_start3A] : memref<16x128xf32, #tpu.memory_space<vmem>> -> memref<1x128xf32, #tpu.memory_space<vmem>>
      %dma_start3A_833 = tpu.memref_squeeze %dma_start3A_832 : memref<1x128xf32, #tpu.memory_space<vmem>> -> memref<128xf32, #tpu.memory_space<vmem>>
      %dma_start3A_834 = tpu.memref_slice %arg14[%add3A_814] : memref<10240xf32, #tpu.memory_space<vmem_shared>> -> memref<128xf32, #tpu.memory_space<vmem_shared>>
      %dma_start3A_835 = tpu.memref_slice %arg14[%add3A_814] : memref<10240xf32, #tpu.memory_space<vmem_shared>> -> memref<128xf32, #tpu.memory_space<vmem_shared>>
      %dma_start3A_836 = arith.constant 0 : i32
      %dma_start3A_837 = tpu.memref_slice %arg12[%run_scoped3A_815, %dma_start3A_836] : memref<16x128xf32, #tpu.memory_space<vmem>> -> memref<1x128xf32, #tpu.memory_space<vmem>>
      %dma_start3A_838 = tpu.memref_squeeze %dma_start3A_837 : memref<1x128xf32, #tpu.memory_space<vmem>> -> memref<128xf32, #tpu.memory_space<vmem>>
      tpu.enqueue_dma source(%dma_start3A_838 : memref<128xf32, #tpu.memory_space<vmem>>) target(%dma_start3A_835 : memref<128xf32, #tpu.memory_space<vmem_shared>>) target_semaphore(%run_scoped3A_831 : memref<!tpu.dma_semaphore, #tpu.memory_space<semaphore_mem>>)
      %dma_wait3A = arith.constant 0 : i32
      %dma_wait3A_839 = tpu.memref_slice %arg12[%run_scoped3A_815, %dma_wait3A] : memref<16x128xf32, #tpu.memory_space<vmem>> -> memref<1x128xf32, #tpu.memory_space<vmem>>
      %dma_wait3A_840 = tpu.memref_squeeze %dma_wait3A_839 : memref<1x128xf32, #tpu.memory_space<vmem>> -> memref<128xf32, #tpu.memory_space<vmem>>
      %dma_wait3A_841 = tpu.memref_slice %arg14[%add3A_814] : memref<10240xf32, #tpu.memory_space<vmem_shared>> -> memref<128xf32, #tpu.memory_space<vmem_shared>>
      %dma_wait3A_842 = tpu.memref_slice %arg14[%add3A_814] : memref<10240xf32, #tpu.memory_space<vmem_shared>> -> memref<128xf32, #tpu.memory_space<vmem_shared>>
      %dma_wait3A_843 = arith.constant 0 : i32
      %dma_wait3A_844 = tpu.memref_slice %arg12[%run_scoped3A_815, %dma_wait3A_843] : memref<16x128xf32, #tpu.memory_space<vmem>> -> memref<1x128xf32, #tpu.memory_space<vmem>>
      %dma_wait3A_845 = tpu.memref_squeeze %dma_wait3A_844 : memref<1x128xf32, #tpu.memory_space<vmem>> -> memref<128xf32, #tpu.memory_space<vmem>>
      tpu.wait_dma2 semaphore(%run_scoped3A_831 : memref<!tpu.dma_semaphore, #tpu.memory_space<semaphore_mem>>) src(%dma_wait3A_845 : memref<128xf32, #tpu.memory_space<vmem>>) dst(%dma_wait3A_842 : memref<128xf32, #tpu.memory_space<vmem_shared>>)
      tpu.yield
    }) : () -> ()
    %add3A_816 = arith.constant 256 : i32
    %add3A_817 = arith.addi %mul3A_4, %add3A_816 : i32
    %run_scoped3A_818 = arith.constant 0 : i32
    "tpu.region"() ({
      %run_scoped3A_831 = tpu.sem_alloc : memref<!tpu.dma_semaphore, #tpu.memory_space<semaphore_mem>>
      %dma_start3A = arith.constant 0 : i32
      %dma_start3A_832 = tpu.memref_slice %arg12[%run_scoped3A_818, %dma_start3A] : memref<16x128xf32, #tpu.memory_space<vmem>> -> memref<1x128xf32, #tpu.memory_space<vmem>>
      %dma_start3A_833 = tpu.memref_squeeze %dma_start3A_832 : memref<1x128xf32, #tpu.memory_space<vmem>> -> memref<128xf32, #tpu.memory_space<vmem>>
      %dma_start3A_834 = tpu.memref_slice %arg14[%add3A_817] : memref<10240xf32, #tpu.memory_space<vmem_shared>> -> memref<128xf32, #tpu.memory_space<vmem_shared>>
      %dma_start3A_835 = tpu.memref_slice %arg14[%add3A_817] : memref<10240xf32, #tpu.memory_space<vmem_shared>> -> memref<128xf32, #tpu.memory_space<vmem_shared>>
      %dma_start3A_836 = arith.constant 0 : i32
      %dma_start3A_837 = tpu.memref_slice %arg12[%run_scoped3A_818, %dma_start3A_836] : memref<16x128xf32, #tpu.memory_space<vmem>> -> memref<1x128xf32, #tpu.memory_space<vmem>>
      %dma_start3A_838 = tpu.memref_squeeze %dma_start3A_837 : memref<1x128xf32, #tpu.memory_space<vmem>> -> memref<128xf32, #tpu.memory_space<vmem>>
      tpu.enqueue_dma source(%dma_start3A_838 : memref<128xf32, #tpu.memory_space<vmem>>) target(%dma_start3A_835 : memref<128xf32, #tpu.memory_space<vmem_shared>>) target_semaphore(%run_scoped3A_831 : memref<!tpu.dma_semaphore, #tpu.memory_space<semaphore_mem>>)
      %dma_wait3A = arith.constant 0 : i32
      %dma_wait3A_839 = tpu.memref_slice %arg12[%run_scoped3A_818, %dma_wait3A] : memref<16x128xf32, #tpu.memory_space<vmem>> -> memref<1x128xf32, #tpu.memory_space<vmem>>
      %dma_wait3A_840 = tpu.memref_squeeze %dma_wait3A_839 : memref<1x128xf32, #tpu.memory_space<vmem>> -> memref<128xf32, #tpu.memory_space<vmem>>
      %dma_wait3A_841 = tpu.memref_slice %arg14[%add3A_817] : memref<10240xf32, #tpu.memory_space<vmem_shared>> -> memref<128xf32, #tpu.memory_space<vmem_shared>>
      %dma_wait3A_842 = tpu.memref_slice %arg14[%add3A_817] : memref<10240xf32, #tpu.memory_space<vmem_shared>> -> memref<128xf32, #tpu.memory_space<vmem_shared>>
      %dma_wait3A_843 = arith.constant 0 : i32
      %dma_wait3A_844 = tpu.memref_slice %arg12[%run_scoped3A_818, %dma_wait3A_843] : memref<16x128xf32, #tpu.memory_space<vmem>> -> memref<1x128xf32, #tpu.memory_space<vmem>>
      %dma_wait3A_845 = tpu.memref_squeeze %dma_wait3A_844 : memref<1x128xf32, #tpu.memory_space<vmem>> -> memref<128xf32, #tpu.memory_space<vmem>>
      tpu.wait_dma2 semaphore(%run_scoped3A_831 : memref<!tpu.dma_semaphore, #tpu.memory_space<semaphore_mem>>) src(%dma_wait3A_845 : memref<128xf32, #tpu.memory_space<vmem>>) dst(%dma_wait3A_842 : memref<128xf32, #tpu.memory_space<vmem_shared>>)
      tpu.yield
    }) : () -> ()
    %add3A_819 = arith.constant 384 : i32
    %add3A_820 = arith.addi %mul3A_4, %add3A_819 : i32
    %run_scoped3A_821 = arith.constant 0 : i32
    "tpu.region"() ({
      %run_scoped3A_831 = tpu.sem_alloc : memref<!tpu.dma_semaphore, #tpu.memory_space<semaphore_mem>>
      %dma_start3A = arith.constant 0 : i32
      %dma_start3A_832 = tpu.memref_slice %arg12[%run_scoped3A_821, %dma_start3A] : memref<16x128xf32, #tpu.memory_space<vmem>> -> memref<1x128xf32, #tpu.memory_space<vmem>>
      %dma_start3A_833 = tpu.memref_squeeze %dma_start3A_832 : memref<1x128xf32, #tpu.memory_space<vmem>> -> memref<128xf32, #tpu.memory_space<vmem>>
      %dma_start3A_834 = tpu.memref_slice %arg14[%add3A_820] : memref<10240xf32, #tpu.memory_space<vmem_shared>> -> memref<128xf32, #tpu.memory_space<vmem_shared>>
      %dma_start3A_835 = tpu.memref_slice %arg14[%add3A_820] : memref<10240xf32, #tpu.memory_space<vmem_shared>> -> memref<128xf32, #tpu.memory_space<vmem_shared>>
      %dma_start3A_836 = arith.constant 0 : i32
      %dma_start3A_837 = tpu.memref_slice %arg12[%run_scoped3A_821, %dma_start3A_836] : memref<16x128xf32, #tpu.memory_space<vmem>> -> memref<1x128xf32, #tpu.memory_space<vmem>>
      %dma_start3A_838 = tpu.memref_squeeze %dma_start3A_837 : memref<1x128xf32, #tpu.memory_space<vmem>> -> memref<128xf32, #tpu.memory_space<vmem>>
      tpu.enqueue_dma source(%dma_start3A_838 : memref<128xf32, #tpu.memory_space<vmem>>) target(%dma_start3A_835 : memref<128xf32, #tpu.memory_space<vmem_shared>>) target_semaphore(%run_scoped3A_831 : memref<!tpu.dma_semaphore, #tpu.memory_space<semaphore_mem>>)
      %dma_wait3A = arith.constant 0 : i32
      %dma_wait3A_839 = tpu.memref_slice %arg12[%run_scoped3A_821, %dma_wait3A] : memref<16x128xf32, #tpu.memory_space<vmem>> -> memref<1x128xf32, #tpu.memory_space<vmem>>
      %dma_wait3A_840 = tpu.memref_squeeze %dma_wait3A_839 : memref<1x128xf32, #tpu.memory_space<vmem>> -> memref<128xf32, #tpu.memory_space<vmem>>
      %dma_wait3A_841 = tpu.memref_slice %arg14[%add3A_820] : memref<10240xf32, #tpu.memory_space<vmem_shared>> -> memref<128xf32, #tpu.memory_space<vmem_shared>>
      %dma_wait3A_842 = tpu.memref_slice %arg14[%add3A_820] : memref<10240xf32, #tpu.memory_space<vmem_shared>> -> memref<128xf32, #tpu.memory_space<vmem_shared>>
      %dma_wait3A_843 = arith.constant 0 : i32
      %dma_wait3A_844 = tpu.memref_slice %arg12[%run_scoped3A_821, %dma_wait3A_843] : memref<16x128xf32, #tpu.memory_space<vmem>> -> memref<1x128xf32, #tpu.memory_space<vmem>>
      %dma_wait3A_845 = tpu.memref_squeeze %dma_wait3A_844 : memref<1x128xf32, #tpu.memory_space<vmem>> -> memref<128xf32, #tpu.memory_space<vmem>>
      tpu.wait_dma2 semaphore(%run_scoped3A_831 : memref<!tpu.dma_semaphore, #tpu.memory_space<semaphore_mem>>) src(%dma_wait3A_845 : memref<128xf32, #tpu.memory_space<vmem>>) dst(%dma_wait3A_842 : memref<128xf32, #tpu.memory_space<vmem_shared>>)
      tpu.yield
    }) : () -> ()
    %add3A_822 = arith.constant 512 : i32
    %add3A_823 = arith.addi %mul3A_4, %add3A_822 : i32
    %run_scoped3A_824 = arith.constant 0 : i32
    "tpu.region"() ({
      %run_scoped3A_831 = tpu.sem_alloc : memref<!tpu.dma_semaphore, #tpu.memory_space<semaphore_mem>>
      %dma_start3A = arith.constant 0 : i32
      %dma_start3A_832 = tpu.memref_slice %arg12[%run_scoped3A_824, %dma_start3A] : memref<16x128xf32, #tpu.memory_space<vmem>> -> memref<1x128xf32, #tpu.memory_space<vmem>>
      %dma_start3A_833 = tpu.memref_squeeze %dma_start3A_832 : memref<1x128xf32, #tpu.memory_space<vmem>> -> memref<128xf32, #tpu.memory_space<vmem>>
      %dma_start3A_834 = tpu.memref_slice %arg14[%add3A_823] : memref<10240xf32, #tpu.memory_space<vmem_shared>> -> memref<128xf32, #tpu.memory_space<vmem_shared>>
      %dma_start3A_835 = tpu.memref_slice %arg14[%add3A_823] : memref<10240xf32, #tpu.memory_space<vmem_shared>> -> memref<128xf32, #tpu.memory_space<vmem_shared>>
      %dma_start3A_836 = arith.constant 0 : i32
      %dma_start3A_837 = tpu.memref_slice %arg12[%run_scoped3A_824, %dma_start3A_836] : memref<16x128xf32, #tpu.memory_space<vmem>> -> memref<1x128xf32, #tpu.memory_space<vmem>>
      %dma_start3A_838 = tpu.memref_squeeze %dma_start3A_837 : memref<1x128xf32, #tpu.memory_space<vmem>> -> memref<128xf32, #tpu.memory_space<vmem>>
      tpu.enqueue_dma source(%dma_start3A_838 : memref<128xf32, #tpu.memory_space<vmem>>) target(%dma_start3A_835 : memref<128xf32, #tpu.memory_space<vmem_shared>>) target_semaphore(%run_scoped3A_831 : memref<!tpu.dma_semaphore, #tpu.memory_space<semaphore_mem>>)
      %dma_wait3A = arith.constant 0 : i32
      %dma_wait3A_839 = tpu.memref_slice %arg12[%run_scoped3A_824, %dma_wait3A] : memref<16x128xf32, #tpu.memory_space<vmem>> -> memref<1x128xf32, #tpu.memory_space<vmem>>
      %dma_wait3A_840 = tpu.memref_squeeze %dma_wait3A_839 : memref<1x128xf32, #tpu.memory_space<vmem>> -> memref<128xf32, #tpu.memory_space<vmem>>
      %dma_wait3A_841 = tpu.memref_slice %arg14[%add3A_823] : memref<10240xf32, #tpu.memory_space<vmem_shared>> -> memref<128xf32, #tpu.memory_space<vmem_shared>>
      %dma_wait3A_842 = tpu.memref_slice %arg14[%add3A_823] : memref<10240xf32, #tpu.memory_space<vmem_shared>> -> memref<128xf32, #tpu.memory_space<vmem_shared>>
      %dma_wait3A_843 = arith.constant 0 : i32
      %dma_wait3A_844 = tpu.memref_slice %arg12[%run_scoped3A_824, %dma_wait3A_843] : memref<16x128xf32, #tpu.memory_space<vmem>> -> memref<1x128xf32, #tpu.memory_space<vmem>>
      %dma_wait3A_845 = tpu.memref_squeeze %dma_wait3A_844 : memref<1x128xf32, #tpu.memory_space<vmem>> -> memref<128xf32, #tpu.memory_space<vmem>>
      tpu.wait_dma2 semaphore(%run_scoped3A_831 : memref<!tpu.dma_semaphore, #tpu.memory_space<semaphore_mem>>) src(%dma_wait3A_845 : memref<128xf32, #tpu.memory_space<vmem>>) dst(%dma_wait3A_842 : memref<128xf32, #tpu.memory_space<vmem_shared>>)
      tpu.yield
    }) : () -> ()
    %barrier3A = arith.constant 0 : index
    tpu.barrier barrier_id(%barrier3A)
    "tpu.trace_stop"() : () -> ()
    "tpu.trace_start"() <{level = 10 : i32, message = "sc_edges"}> : () -> ()
    %scan3A_825 = arith.constant 0 : i32
    %scan3A_826 = arith.constant 80 : i32
    %scan3A_827 = arith.addi %scan3A_825, %scan3A_826 : i32
    %scan3A_828 = arith.constant 1 : i32
    scf.for %scan3A_831 = %scan3A_825 to %scan3A_827 step %scan3A_828  : i32 {
      %mul3A_832 = arith.constant 1 : i32
      %mul3A_833 = arith.muli %scan3A_831, %mul3A_832 : i32
      %add3A_834 = arith.constant 0 : i32
      %add3A_835 = arith.addi %add3A_834, %mul3A_833 : i32
      %mul3A_836 = arith.constant 128 : i32
      %mul3A_837 = arith.muli %add3A_835, %mul3A_836 : i32
      %add3A_838 = arith.addi %mul3A_2, %mul3A_837 : i32
      %run_scoped3A_839 = arith.constant 0 : i32
      "tpu.region"() ({
        %run_scoped3A_879 = tpu.sem_alloc : memref<!tpu.dma_semaphore, #tpu.memory_space<semaphore_mem>>
        %dma_start3A_880 = arith.constant 0 : i32
        %dma_start3A_881 = tpu.memref_slice %arg7[%run_scoped3A_839, %dma_start3A_880] : memref<4x128xi32, #tpu.memory_space<vmem>> -> memref<1x128xi32, #tpu.memory_space<vmem>>
        %dma_start3A_882 = tpu.memref_squeeze %dma_start3A_881 : memref<1x128xi32, #tpu.memory_space<vmem>> -> memref<128xi32, #tpu.memory_space<vmem>>
        %dma_start3A_883 = tpu.memref_slice %arg3[%add3A_838] : memref<327680xi32, #tpu.memory_space<hbm>> -> memref<128xi32, #tpu.memory_space<hbm>>
        %dma_start3A_884 = arith.constant 0 : i32
        %dma_start3A_885 = tpu.memref_slice %arg7[%run_scoped3A_839, %dma_start3A_884] : memref<4x128xi32, #tpu.memory_space<vmem>> -> memref<1x128xi32, #tpu.memory_space<vmem>>
        %dma_start3A_886 = tpu.memref_squeeze %dma_start3A_885 : memref<1x128xi32, #tpu.memory_space<vmem>> -> memref<128xi32, #tpu.memory_space<vmem>>
        %dma_start3A_887 = tpu.memref_slice %arg3[%add3A_838] : memref<327680xi32, #tpu.memory_space<hbm>> -> memref<128xi32, #tpu.memory_space<hbm>>
        tpu.enqueue_dma source(%dma_start3A_887 : memref<128xi32, #tpu.memory_space<hbm>>) target(%dma_start3A_886 : memref<128xi32, #tpu.memory_space<vmem>>) target_semaphore(%run_scoped3A_879 : memref<!tpu.dma_semaphore, #tpu.memory_space<semaphore_mem>>)
        %dma_wait3A_888 = arith.constant 0 : i32
        %dma_wait3A_889 = tpu.memref_slice %arg7[%run_scoped3A_839, %dma_wait3A_888] : memref<4x128xi32, #tpu.memory_space<vmem>> -> memref<1x128xi32, #tpu.memory_space<vmem>>
        %dma_wait3A_890 = tpu.memref_squeeze %dma_wait3A_889 : memref<1x128xi32, #tpu.memory_space<vmem>> -> memref<128xi32, #tpu.memory_space<vmem>>
        %dma_wait3A_891 = tpu.memref_slice %arg3[%add3A_838] : memref<327680xi32, #tpu.memory_space<hbm>> -> memref<128xi32, #tpu.memory_space<hbm>>
        %dma_wait3A_892 = arith.constant 0 : i32
        %dma_wait3A_893 = tpu.memref_slice %arg7[%run_scoped3A_839, %dma_wait3A_892] : memref<4x128xi32, #tpu.memory_space<vmem>> -> memref<1x128xi32, #tpu.memory_space<vmem>>
        %dma_wait3A_894 = tpu.memref_squeeze %dma_wait3A_893 : memref<1x128xi32, #tpu.memory_space<vmem>> -> memref<128xi32, #tpu.memory_space<vmem>>
        %dma_wait3A_895 = tpu.memref_slice %arg3[%add3A_838] : memref<327680xi32, #tpu.memory_space<hbm>> -> memref<128xi32, #tpu.memory_space<hbm>>
        tpu.wait_dma2 semaphore(%run_scoped3A_879 : memref<!tpu.dma_semaphore, #tpu.memory_space<semaphore_mem>>) src(%dma_wait3A_895 : memref<128xi32, #tpu.memory_space<hbm>>) dst(%dma_wait3A_894 : memref<128xi32, #tpu.memory_space<vmem>>)
        tpu.yield
      }) : () -> ()
      %run_scoped3A_840 = arith.constant 0 : i32
      "tpu.region"() ({
        %run_scoped3A_879 = tpu.sem_alloc : memref<!tpu.dma_semaphore, #tpu.memory_space<semaphore_mem>>
        %dma_start3A_880 = arith.constant 0 : i32
        %dma_start3A_881 = tpu.memref_slice %arg8[%run_scoped3A_840, %dma_start3A_880] : memref<4x128xi32, #tpu.memory_space<vmem>> -> memref<1x128xi32, #tpu.memory_space<vmem>>
        %dma_start3A_882 = tpu.memref_squeeze %dma_start3A_881 : memref<1x128xi32, #tpu.memory_space<vmem>> -> memref<128xi32, #tpu.memory_space<vmem>>
        %dma_start3A_883 = tpu.memref_slice %arg4[%add3A_838] : memref<327680xi32, #tpu.memory_space<hbm>> -> memref<128xi32, #tpu.memory_space<hbm>>
        %dma_start3A_884 = arith.constant 0 : i32
        %dma_start3A_885 = tpu.memref_slice %arg8[%run_scoped3A_840, %dma_start3A_884] : memref<4x128xi32, #tpu.memory_space<vmem>> -> memref<1x128xi32, #tpu.memory_space<vmem>>
        %dma_start3A_886 = tpu.memref_squeeze %dma_start3A_885 : memref<1x128xi32, #tpu.memory_space<vmem>> -> memref<128xi32, #tpu.memory_space<vmem>>
        %dma_start3A_887 = tpu.memref_slice %arg4[%add3A_838] : memref<327680xi32, #tpu.memory_space<hbm>> -> memref<128xi32, #tpu.memory_space<hbm>>
        tpu.enqueue_dma source(%dma_start3A_887 : memref<128xi32, #tpu.memory_space<hbm>>) target(%dma_start3A_886 : memref<128xi32, #tpu.memory_space<vmem>>) target_semaphore(%run_scoped3A_879 : memref<!tpu.dma_semaphore, #tpu.memory_space<semaphore_mem>>)
        %dma_wait3A_888 = arith.constant 0 : i32
        %dma_wait3A_889 = tpu.memref_slice %arg8[%run_scoped3A_840, %dma_wait3A_888] : memref<4x128xi32, #tpu.memory_space<vmem>> -> memref<1x128xi32, #tpu.memory_space<vmem>>
        %dma_wait3A_890 = tpu.memref_squeeze %dma_wait3A_889 : memref<1x128xi32, #tpu.memory_space<vmem>> -> memref<128xi32, #tpu.memory_space<vmem>>
        %dma_wait3A_891 = tpu.memref_slice %arg4[%add3A_838] : memref<327680xi32, #tpu.memory_space<hbm>> -> memref<128xi32, #tpu.memory_space<hbm>>
        %dma_wait3A_892 = arith.constant 0 : i32
        %dma_wait3A_893 = tpu.memref_slice %arg8[%run_scoped3A_840, %dma_wait3A_892] : memref<4x128xi32, #tpu.memory_space<vmem>> -> memref<1x128xi32, #tpu.memory_space<vmem>>
        %dma_wait3A_894 = tpu.memref_squeeze %dma_wait3A_893 : memref<1x128xi32, #tpu.memory_space<vmem>> -> memref<128xi32, #tpu.memory_space<vmem>>
        %dma_wait3A_895 = tpu.memref_slice %arg4[%add3A_838] : memref<327680xi32, #tpu.memory_space<hbm>> -> memref<128xi32, #tpu.memory_space<hbm>>
        tpu.wait_dma2 semaphore(%run_scoped3A_879 : memref<!tpu.dma_semaphore, #tpu.memory_space<semaphore_mem>>) src(%dma_wait3A_895 : memref<128xi32, #tpu.memory_space<hbm>>) dst(%dma_wait3A_894 : memref<128xi32, #tpu.memory_space<vmem>>)
        tpu.yield
      }) : () -> ()
      %dma_start3A = arith.constant 0 : i32
      %dma_start3A_841 = arith.constant 0 : i32
      %dma_start3A_842 = tpu.memref_slice %arg7[%dma_start3A, %dma_start3A_841] : memref<4x128xi32, #tpu.memory_space<vmem>> -> memref<1x128xi32, #tpu.memory_space<vmem>>
      %dma_start3A_843 = tpu.memref_squeeze %dma_start3A_842 : memref<1x128xi32, #tpu.memory_space<vmem>> -> memref<128xi32, #tpu.memory_space<vmem>>
      %dma_start3A_844 = arith.constant 0 : i32
      %dma_start3A_845 = arith.constant 0 : i32
      %dma_start3A_846 = tpu.memref_slice %arg2[%dma_start3A_844, %dma_start3A_845] : memref<10240x128xf32, #tpu.memory_space<hbm>> -> memref<10240x128xf32, #tpu.memory_space<hbm>>
      tpu.enqueue_indirect_dma source(%dma_start3A_846 : memref<10240x128xf32, #tpu.memory_space<hbm>>) target(%arg9 : memref<128x128xf32, #tpu.memory_space<vmem>>) offsets(%dma_start3A_843 : memref<128xi32, #tpu.memory_space<vmem>>) semaphore(%arg15 : memref<!tpu.dma_semaphore, #tpu.memory_space<semaphore_mem>>)
      %dma_wait3A = arith.constant 0 : i32
      %dma_wait3A_847 = arith.constant 0 : i32
      %dma_wait3A_848 = tpu.memref_slice %arg7[%dma_wait3A, %dma_wait3A_847] : memref<4x128xi32, #tpu.memory_space<vmem>> -> memref<1x128xi32, #tpu.memory_space<vmem>>
      %dma_wait3A_849 = tpu.memref_squeeze %dma_wait3A_848 : memref<1x128xi32, #tpu.memory_space<vmem>> -> memref<128xi32, #tpu.memory_space<vmem>>
      %dma_wait3A_850 = arith.constant 0 : i32
      %dma_wait3A_851 = arith.constant 0 : i32
      %dma_wait3A_852 = tpu.memref_slice %arg2[%dma_wait3A_850, %dma_wait3A_851] : memref<10240x128xf32, #tpu.memory_space<hbm>> -> memref<10240x128xf32, #tpu.memory_space<hbm>>
      tpu.wait_indirect_dma semaphore(%arg15 : memref<!tpu.dma_semaphore, #tpu.memory_space<semaphore_mem>>) src(%dma_wait3A_852 : memref<10240x128xf32, #tpu.memory_space<hbm>>) dst(%arg9 : memref<128x128xf32, #tpu.memory_space<vmem>>)
      %dma_start3A_853 = arith.constant 0 : i32
      %dma_start3A_854 = arith.constant 0 : i32
      %dma_start3A_855 = tpu.memref_slice %arg8[%dma_start3A_853, %dma_start3A_854] : memref<4x128xi32, #tpu.memory_space<vmem>> -> memref<1x128xi32, #tpu.memory_space<vmem>>
      %dma_start3A_856 = tpu.memref_squeeze %dma_start3A_855 : memref<1x128xi32, #tpu.memory_space<vmem>> -> memref<128xi32, #tpu.memory_space<vmem>>
      %dma_start3A_857 = arith.constant 0 : i32
      %dma_start3A_858 = arith.constant 0 : i32
      %dma_start3A_859 = tpu.memref_slice %arg13[%dma_start3A_857, %dma_start3A_858] : memref<10240x128xf32, #tpu.memory_space<vmem_shared>> -> memref<10240x128xf32, #tpu.memory_space<vmem_shared>>
      tpu.enqueue_indirect_dma source(%arg9 : memref<128x128xf32, #tpu.memory_space<vmem>>) target(%dma_start3A_859 : memref<10240x128xf32, #tpu.memory_space<vmem_shared>>) offsets(%dma_start3A_856 : memref<128xi32, #tpu.memory_space<vmem>>) semaphore(%arg19 : memref<!tpu.dma_semaphore, #tpu.memory_space<semaphore_mem>>) {add = true}
      %dma_start3A_860 = arith.constant 0 : i32
      %dma_start3A_861 = arith.constant 0 : i32
      %dma_start3A_862 = tpu.memref_slice %arg8[%dma_start3A_860, %dma_start3A_861] : memref<4x128xi32, #tpu.memory_space<vmem>> -> memref<1x128xi32, #tpu.memory_space<vmem>>
      %dma_start3A_863 = tpu.memref_squeeze %dma_start3A_862 : memref<1x128xi32, #tpu.memory_space<vmem>> -> memref<128xi32, #tpu.memory_space<vmem>>
      %dma_start3A_864 = arith.constant 0 : i32
      %dma_start3A_865 = tpu.memref_slice %arg14[%dma_start3A_864] : memref<10240xf32, #tpu.memory_space<vmem_shared>> -> memref<10240xf32, #tpu.memory_space<vmem_shared>>
      tpu.enqueue_indirect_dma source(%arg11 : memref<128xf32, #tpu.memory_space<vmem>>) target(%dma_start3A_865 : memref<10240xf32, #tpu.memory_space<vmem_shared>>) offsets(%dma_start3A_863 : memref<128xi32, #tpu.memory_space<vmem>>) semaphore(%arg21 : memref<!tpu.dma_semaphore, #tpu.memory_space<semaphore_mem>>) {add = true}
      %dma_wait3A_866 = arith.constant 0 : i32
      %dma_wait3A_867 = arith.constant 0 : i32
      %dma_wait3A_868 = tpu.memref_slice %arg8[%dma_wait3A_866, %dma_wait3A_867] : memref<4x128xi32, #tpu.memory_space<vmem>> -> memref<1x128xi32, #tpu.memory_space<vmem>>
      %dma_wait3A_869 = tpu.memref_squeeze %dma_wait3A_868 : memref<1x128xi32, #tpu.memory_space<vmem>> -> memref<128xi32, #tpu.memory_space<vmem>>
      %dma_wait3A_870 = arith.constant 0 : i32
      %dma_wait3A_871 = arith.constant 0 : i32
      %dma_wait3A_872 = tpu.memref_slice %arg13[%dma_wait3A_870, %dma_wait3A_871] : memref<10240x128xf32, #tpu.memory_space<vmem_shared>> -> memref<10240x128xf32, #tpu.memory_space<vmem_shared>>
      tpu.wait_indirect_dma semaphore(%arg19 : memref<!tpu.dma_semaphore, #tpu.memory_space<semaphore_mem>>) src(%arg9 : memref<128x128xf32, #tpu.memory_space<vmem>>) dst(%dma_wait3A_872 : memref<10240x128xf32, #tpu.memory_space<vmem_shared>>)
      %dma_wait3A_873 = arith.constant 0 : i32
      %dma_wait3A_874 = arith.constant 0 : i32
      %dma_wait3A_875 = tpu.memref_slice %arg8[%dma_wait3A_873, %dma_wait3A_874] : memref<4x128xi32, #tpu.memory_space<vmem>> -> memref<1x128xi32, #tpu.memory_space<vmem>>
      %dma_wait3A_876 = tpu.memref_squeeze %dma_wait3A_875 : memref<1x128xi32, #tpu.memory_space<vmem>> -> memref<128xi32, #tpu.memory_space<vmem>>
      %dma_wait3A_877 = arith.constant 0 : i32
      %dma_wait3A_878 = tpu.memref_slice %arg14[%dma_wait3A_877] : memref<10240xf32, #tpu.memory_space<vmem_shared>> -> memref<10240xf32, #tpu.memory_space<vmem_shared>>
      tpu.wait_indirect_dma semaphore(%arg21 : memref<!tpu.dma_semaphore, #tpu.memory_space<semaphore_mem>>) src(%arg11 : memref<128xf32, #tpu.memory_space<vmem>>) dst(%dma_wait3A_878 : memref<10240xf32, #tpu.memory_space<vmem_shared>>)
    }
    %scan3A_829 = arith.constant 80 : i32
    %barrier3A_830 = arith.constant 0 : index
    tpu.barrier barrier_id(%barrier3A_830)
    "tpu.trace_stop"() : () -> ()
    "tpu.trace_start"() <{level = 10 : i32, message = "sc_dump"}> : () -> ()
    "tpu.region"() ({
      %run_scoped3A_831 = tpu.sem_alloc : memref<!tpu.dma_semaphore, #tpu.memory_space<semaphore_mem>>
      %dma_start3A = arith.constant 0 : i32
      %dma_start3A_832 = tpu.memref_slice %arg5[%arg0, %mul3A_4, %dma_start3A] : memref<2x10240x128xf32, #tpu.memory_space<hbm>> -> memref<1x640x128xf32, #tpu.memory_space<hbm>>
      %dma_start3A_833 = tpu.memref_squeeze %dma_start3A_832 : memref<1x640x128xf32, #tpu.memory_space<hbm>> -> memref<640x128xf32, #tpu.memory_space<hbm>>
      %dma_start3A_834 = arith.constant 0 : i32
      %dma_start3A_835 = tpu.memref_slice %arg13[%mul3A_4, %dma_start3A_834] : memref<10240x128xf32, #tpu.memory_space<vmem_shared>> -> memref<640x128xf32, #tpu.memory_space<vmem_shared>>
      tpu.enqueue_dma source(%dma_start3A_835 : memref<640x128xf32, #tpu.memory_space<vmem_shared>>) target(%dma_start3A_833 : memref<640x128xf32, #tpu.memory_space<hbm>>) target_semaphore(%run_scoped3A_831 : memref<!tpu.dma_semaphore, #tpu.memory_space<semaphore_mem>>)
      %dma_wait3A = arith.constant 0 : i32
      %dma_wait3A_836 = tpu.memref_slice %arg5[%arg0, %mul3A_4, %dma_wait3A] : memref<2x10240x128xf32, #tpu.memory_space<hbm>> -> memref<1x640x128xf32, #tpu.memory_space<hbm>>
      %dma_wait3A_837 = tpu.memref_squeeze %dma_wait3A_836 : memref<1x640x128xf32, #tpu.memory_space<hbm>> -> memref<640x128xf32, #tpu.memory_space<hbm>>
      %dma_wait3A_838 = arith.constant 0 : i32
      %dma_wait3A_839 = tpu.memref_slice %arg13[%mul3A_4, %dma_wait3A_838] : memref<10240x128xf32, #tpu.memory_space<vmem_shared>> -> memref<640x128xf32, #tpu.memory_space<vmem_shared>>
      tpu.wait_dma2 semaphore(%run_scoped3A_831 : memref<!tpu.dma_semaphore, #tpu.memory_space<semaphore_mem>>) src(%dma_wait3A_839 : memref<640x128xf32, #tpu.memory_space<vmem_shared>>) dst(%dma_wait3A_837 : memref<640x128xf32, #tpu.memory_space<hbm>>)
      tpu.yield
    }) : () -> ()
    "tpu.region"() ({
      %run_scoped3A_831 = tpu.sem_alloc : memref<!tpu.dma_semaphore, #tpu.memory_space<semaphore_mem>>
      %dma_start3A = tpu.memref_slice %arg6[%arg0, %mul3A_4] : memref<2x10240xf32, #tpu.memory_space<hbm>> -> memref<1x640xf32, #tpu.memory_space<hbm>>
      %dma_start3A_832 = tpu.memref_squeeze %dma_start3A : memref<1x640xf32, #tpu.memory_space<hbm>> -> memref<640xf32, #tpu.memory_space<hbm>>
      %dma_start3A_833 = tpu.memref_slice %arg14[%mul3A_4] : memref<10240xf32, #tpu.memory_space<vmem_shared>> -> memref<640xf32, #tpu.memory_space<vmem_shared>>
      tpu.enqueue_dma source(%dma_start3A_833 : memref<640xf32, #tpu.memory_space<vmem_shared>>) target(%dma_start3A_832 : memref<640xf32, #tpu.memory_space<hbm>>) target_semaphore(%run_scoped3A_831 : memref<!tpu.dma_semaphore, #tpu.memory_space<semaphore_mem>>)
      %dma_wait3A = tpu.memref_slice %arg6[%arg0, %mul3A_4] : memref<2x10240xf32, #tpu.memory_space<hbm>> -> memref<1x640xf32, #tpu.memory_space<hbm>>
      %dma_wait3A_834 = tpu.memref_squeeze %dma_wait3A : memref<1x640xf32, #tpu.memory_space<hbm>> -> memref<640xf32, #tpu.memory_space<hbm>>
      %dma_wait3A_835 = tpu.memref_slice %arg14[%mul3A_4] : memref<10240xf32, #tpu.memory_space<vmem_shared>> -> memref<640xf32, #tpu.memory_space<vmem_shared>>
      tpu.wait_dma2 semaphore(%run_scoped3A_831 : memref<!tpu.dma_semaphore, #tpu.memory_space<semaphore_mem>>) src(%dma_wait3A_835 : memref<640xf32, #tpu.memory_space<vmem_shared>>) dst(%dma_wait3A_834 : memref<640xf32, #tpu.memory_space<hbm>>)
      tpu.yield
    }) : () -> ()
    "tpu.trace_stop"() : () -> ()
    return
  }
}

#map = affine_map<(d0, d1) -> (0, 0)>
#map1 = affine_map<(d0, d1) -> (0)>
#map2 = affine_map<(d0, d1) -> (0, 0, 0)>
module attributes {stable_mosaic.version = 14 : i64} {
  func.func @sage_spmm(%arg0: i32, %arg1: i32, %arg2: memref<10240x128xf32, #tpu.memory_space<hbm>>, %arg3: memref<327680xi32, #tpu.memory_space<hbm>>, %arg4: memref<327680xi32, #tpu.memory_space<hbm>>, %arg5: memref<2x10240x128xf32, #tpu.memory_space<hbm>>, %arg6: memref<4x128xi32, #tpu.memory_space<vmem>>, %arg7: memref<4x128xi32, #tpu.memory_space<vmem>>, %arg8: memref<128x128xf32, #tpu.memory_space<vmem>>, %arg9: memref<128x128xf32, #tpu.memory_space<vmem>>, %arg10: memref<16x128xf32, #tpu.memory_space<vmem>>, %arg11: memref<10240x128xf32, #tpu.memory_space<vmem_shared>>, %arg12: memref<!tpu.dma_semaphore, #tpu.memory_space<semaphore_mem>>, %arg13: memref<!tpu.dma_semaphore, #tpu.memory_space<semaphore_mem>>, %arg14: memref<!tpu.dma_semaphore, #tpu.memory_space<semaphore_mem>>, %arg15: memref<!tpu.dma_semaphore, #tpu.memory_space<semaphore_mem>>, %arg16: memref<!tpu.dma_semaphore, #tpu.memory_space<semaphore_mem>>, %arg17: memref<!tpu.dma_semaphore, #tpu.memory_space<semaphore_mem>>, %arg18: memref<!tpu.dma_semaphore, #tpu.memory_space<semaphore_mem>>, %arg19: memref<!tpu.dma_semaphore, #tpu.memory_space<semaphore_mem>>, %arg20: memref<!tpu.dma_semaphore, #tpu.memory_space<semaphore_mem>>, %arg21: memref<!tpu.dma_semaphore, #tpu.memory_space<semaphore_mem>>, %arg22: memref<!tpu.dma_semaphore, #tpu.memory_space<semaphore_mem>>, %arg23: memref<!tpu.dma_semaphore, #tpu.memory_space<semaphore_mem>>, %arg24: memref<!tpu.dma_semaphore, #tpu.memory_space<semaphore_mem>>, %arg25: memref<!tpu.dma_semaphore, #tpu.memory_space<semaphore_mem>>) attributes {dimension_semantics = [#tpu.dimension_semantics<core_parallel>, #tpu.dimension_semantics<subcore_parallel>], iteration_bounds = array<i64: 2, 16>, scalar_prefetch = 0 : i64, scratch_operands = 20 : i64, tpu.core_type = #tpu.core_type<sc_vector_subcore>, window_params = [{transform_indices = #map}, {transform_indices = #map1}, {transform_indices = #map1}, {transform_indices = #map2}]} {
    %mul3A = arith.constant 2 : i32
    %mul3A_0 = arith.muli %arg1, %mul3A : i32
    %add3A = arith.addi %mul3A_0, %arg0 : i32
    %mul3A_1 = arith.constant 10240 : i32
    %mul3A_2 = arith.muli %add3A, %mul3A_1 : i32
    %mul3A_3 = arith.constant 640 : i32
    %mul3A_4 = arith.muli %arg1, %mul3A_3 : i32
    %broadcast_in_dim3A = arith.constant 0.000000e+00 : f32
    %broadcast_in_dim3A_5 = vector.broadcast %broadcast_in_dim3A : f32 to vector<16xf32>
    %broadcast_in_dim3A_6 = arith.constant 1.000000e+00 : f32
    %broadcast_in_dim3A_7 = vector.broadcast %broadcast_in_dim3A_6 : f32 to vector<16xf32>
    %swap3A = arith.constant 0 : i32
    "tpu.trace_start"() <{level = 10 : i32, message = "sc_init"}> : () -> ()
    %swap3A_8 = arith.index_cast %swap3A : i32 to index
    %swap3A_9 = arith.constant 0 : index
    %swap3A_10 = tpu.vector_load %arg10[%swap3A_8, %swap3A_9] {strides = array<i32>} : memref<16x128xf32, #tpu.memory_space<vmem>>, vector<1x16xf32>,
    %swap3A_11 = vector.shape_cast %swap3A_10 : vector<1x16xf32> to vector<16xf32>
    %swap3A_12 = vector.shape_cast %broadcast_in_dim3A_5 : vector<16xf32> to vector<1x16xf32>
    tpu.vector_store %arg10[%swap3A_8, %swap3A_9], %swap3A_12 {strides = array<i32>} : memref<16x128xf32, #tpu.memory_space<vmem>>, vector<1x16xf32>,
    %swap3A_13 = arith.constant 0 : i32
    %swap3A_14 = arith.index_cast %swap3A_13 : i32 to index
    %swap3A_15 = arith.constant 16 : index
    %swap3A_16 = tpu.vector_load %arg10[%swap3A_14, %swap3A_15] {strides = array<i32>} : memref<16x128xf32, #tpu.memory_space<vmem>>, vector<1x16xf32>,
    %swap3A_17 = vector.shape_cast %swap3A_16 : vector<1x16xf32> to vector<16xf32>
    %swap3A_18 = vector.shape_cast %broadcast_in_dim3A_5 : vector<16xf32> to vector<1x16xf32>
    tpu.vector_store %arg10[%swap3A_14, %swap3A_15], %swap3A_18 {strides = array<i32>} : memref<16x128xf32, #tpu.memory_space<vmem>>, vector<1x16xf32>,
    %swap3A_19 = arith.constant 0 : i32
    %swap3A_20 = arith.index_cast %swap3A_19 : i32 to index
    %swap3A_21 = arith.constant 32 : index
    %swap3A_22 = tpu.vector_load %arg10[%swap3A_20, %swap3A_21] {strides = array<i32>} : memref<16x128xf32, #tpu.memory_space<vmem>>, vector<1x16xf32>,
    %swap3A_23 = vector.shape_cast %swap3A_22 : vector<1x16xf32> to vector<16xf32>
    %swap3A_24 = vector.shape_cast %broadcast_in_dim3A_5 : vector<16xf32> to vector<1x16xf32>
    tpu.vector_store %arg10[%swap3A_20, %swap3A_21], %swap3A_24 {strides = array<i32>} : memref<16x128xf32, #tpu.memory_space<vmem>>, vector<1x16xf32>,
    %swap3A_25 = arith.constant 0 : i32
    %swap3A_26 = arith.index_cast %swap3A_25 : i32 to index
    %swap3A_27 = arith.constant 48 : index
    %swap3A_28 = tpu.vector_load %arg10[%swap3A_26, %swap3A_27] {strides = array<i32>} : memref<16x128xf32, #tpu.memory_space<vmem>>, vector<1x16xf32>,
    %swap3A_29 = vector.shape_cast %swap3A_28 : vector<1x16xf32> to vector<16xf32>
    %swap3A_30 = vector.shape_cast %broadcast_in_dim3A_5 : vector<16xf32> to vector<1x16xf32>
    tpu.vector_store %arg10[%swap3A_26, %swap3A_27], %swap3A_30 {strides = array<i32>} : memref<16x128xf32, #tpu.memory_space<vmem>>, vector<1x16xf32>,
    %swap3A_31 = arith.constant 0 : i32
    %swap3A_32 = arith.index_cast %swap3A_31 : i32 to index
    %swap3A_33 = arith.constant 64 : index
    %swap3A_34 = tpu.vector_load %arg10[%swap3A_32, %swap3A_33] {strides = array<i32>} : memref<16x128xf32, #tpu.memory_space<vmem>>, vector<1x16xf32>,
    %swap3A_35 = vector.shape_cast %swap3A_34 : vector<1x16xf32> to vector<16xf32>
    %swap3A_36 = vector.shape_cast %broadcast_in_dim3A_5 : vector<16xf32> to vector<1x16xf32>
    tpu.vector_store %arg10[%swap3A_32, %swap3A_33], %swap3A_36 {strides = array<i32>} : memref<16x128xf32, #tpu.memory_space<vmem>>, vector<1x16xf32>,
    %swap3A_37 = arith.constant 0 : i32
    %swap3A_38 = arith.index_cast %swap3A_37 : i32 to index
    %swap3A_39 = arith.constant 80 : index
    %swap3A_40 = tpu.vector_load %arg10[%swap3A_38, %swap3A_39] {strides = array<i32>} : memref<16x128xf32, #tpu.memory_space<vmem>>, vector<1x16xf32>,
    %swap3A_41 = vector.shape_cast %swap3A_40 : vector<1x16xf32> to vector<16xf32>
    %swap3A_42 = vector.shape_cast %broadcast_in_dim3A_5 : vector<16xf32> to vector<1x16xf32>
    tpu.vector_store %arg10[%swap3A_38, %swap3A_39], %swap3A_42 {strides = array<i32>} : memref<16x128xf32, #tpu.memory_space<vmem>>, vector<1x16xf32>,
    %swap3A_43 = arith.constant 0 : i32
    %swap3A_44 = arith.index_cast %swap3A_43 : i32 to index
    %swap3A_45 = arith.constant 96 : index
    %swap3A_46 = tpu.vector_load %arg10[%swap3A_44, %swap3A_45] {strides = array<i32>} : memref<16x128xf32, #tpu.memory_space<vmem>>, vector<1x16xf32>,
    %swap3A_47 = vector.shape_cast %swap3A_46 : vector<1x16xf32> to vector<16xf32>
    %swap3A_48 = vector.shape_cast %broadcast_in_dim3A_5 : vector<16xf32> to vector<1x16xf32>
    tpu.vector_store %arg10[%swap3A_44, %swap3A_45], %swap3A_48 {strides = array<i32>} : memref<16x128xf32, #tpu.memory_space<vmem>>, vector<1x16xf32>,
    %swap3A_49 = arith.constant 0 : i32
    %swap3A_50 = arith.index_cast %swap3A_49 : i32 to index
    %swap3A_51 = arith.constant 112 : index
    %swap3A_52 = tpu.vector_load %arg10[%swap3A_50, %swap3A_51] {strides = array<i32>} : memref<16x128xf32, #tpu.memory_space<vmem>>, vector<1x16xf32>,
    %swap3A_53 = vector.shape_cast %swap3A_52 : vector<1x16xf32> to vector<16xf32>
    %swap3A_54 = vector.shape_cast %broadcast_in_dim3A_5 : vector<16xf32> to vector<1x16xf32>
    tpu.vector_store %arg10[%swap3A_50, %swap3A_51], %swap3A_54 {strides = array<i32>} : memref<16x128xf32, #tpu.memory_space<vmem>>, vector<1x16xf32>,
    %swap3A_55 = arith.constant 1 : i32
    %swap3A_56 = arith.index_cast %swap3A_55 : i32 to index
    %swap3A_57 = arith.constant 0 : index
    %swap3A_58 = tpu.vector_load %arg10[%swap3A_56, %swap3A_57] {strides = array<i32>} : memref<16x128xf32, #tpu.memory_space<vmem>>, vector<1x16xf32>,
    %swap3A_59 = vector.shape_cast %swap3A_58 : vector<1x16xf32> to vector<16xf32>
    %swap3A_60 = vector.shape_cast %broadcast_in_dim3A_5 : vector<16xf32> to vector<1x16xf32>
    tpu.vector_store %arg10[%swap3A_56, %swap3A_57], %swap3A_60 {strides = array<i32>} : memref<16x128xf32, #tpu.memory_space<vmem>>, vector<1x16xf32>,
    %swap3A_61 = arith.constant 1 : i32
    %swap3A_62 = arith.index_cast %swap3A_61 : i32 to index
    %swap3A_63 = arith.constant 16 : index
    %swap3A_64 = tpu.vector_load %arg10[%swap3A_62, %swap3A_63] {strides = array<i32>} : memref<16x128xf32, #tpu.memory_space<vmem>>, vector<1x16xf32>,
    %swap3A_65 = vector.shape_cast %swap3A_64 : vector<1x16xf32> to vector<16xf32>
    %swap3A_66 = vector.shape_cast %broadcast_in_dim3A_5 : vector<16xf32> to vector<1x16xf32>
    tpu.vector_store %arg10[%swap3A_62, %swap3A_63], %swap3A_66 {strides = array<i32>} : memref<16x128xf32, #tpu.memory_space<vmem>>, vector<1x16xf32>,
    %swap3A_67 = arith.constant 1 : i32
    %swap3A_68 = arith.index_cast %swap3A_67 : i32 to index
    %swap3A_69 = arith.constant 32 : index
    %swap3A_70 = tpu.vector_load %arg10[%swap3A_68, %swap3A_69] {strides = array<i32>} : memref<16x128xf32, #tpu.memory_space<vmem>>, vector<1x16xf32>,
    %swap3A_71 = vector.shape_cast %swap3A_70 : vector<1x16xf32> to vector<16xf32>
    %swap3A_72 = vector.shape_cast %broadcast_in_dim3A_5 : vector<16xf32> to vector<1x16xf32>
    tpu.vector_store %arg10[%swap3A_68, %swap3A_69], %swap3A_72 {strides = array<i32>} : memref<16x128xf32, #tpu.memory_space<vmem>>, vector<1x16xf32>,
    %swap3A_73 = arith.constant 1 : i32
    %swap3A_74 = arith.index_cast %swap3A_73 : i32 to index
    %swap3A_75 = arith.constant 48 : index
    %swap3A_76 = tpu.vector_load %arg10[%swap3A_74, %swap3A_75] {strides = array<i32>} : memref<16x128xf32, #tpu.memory_space<vmem>>, vector<1x16xf32>,
    %swap3A_77 = vector.shape_cast %swap3A_76 : vector<1x16xf32> to vector<16xf32>
    %swap3A_78 = vector.shape_cast %broadcast_in_dim3A_5 : vector<16xf32> to vector<1x16xf32>
    tpu.vector_store %arg10[%swap3A_74, %swap3A_75], %swap3A_78 {strides = array<i32>} : memref<16x128xf32, #tpu.memory_space<vmem>>, vector<1x16xf32>,
    %swap3A_79 = arith.constant 1 : i32
    %swap3A_80 = arith.index_cast %swap3A_79 : i32 to index
    %swap3A_81 = arith.constant 64 : index
    %swap3A_82 = tpu.vector_load %arg10[%swap3A_80, %swap3A_81] {strides = array<i32>} : memref<16x128xf32, #tpu.memory_space<vmem>>, vector<1x16xf32>,
    %swap3A_83 = vector.shape_cast %swap3A_82 : vector<1x16xf32> to vector<16xf32>
    %swap3A_84 = vector.shape_cast %broadcast_in_dim3A_5 : vector<16xf32> to vector<1x16xf32>
    tpu.vector_store %arg10[%swap3A_80, %swap3A_81], %swap3A_84 {strides = array<i32>} : memref<16x128xf32, #tpu.memory_space<vmem>>, vector<1x16xf32>,
    %swap3A_85 = arith.constant 1 : i32
    %swap3A_86 = arith.index_cast %swap3A_85 : i32 to index
    %swap3A_87 = arith.constant 80 : index
    %swap3A_88 = tpu.vector_load %arg10[%swap3A_86, %swap3A_87] {strides = array<i32>} : memref<16x128xf32, #tpu.memory_space<vmem>>, vector<1x16xf32>,
    %swap3A_89 = vector.shape_cast %swap3A_88 : vector<1x16xf32> to vector<16xf32>
    %swap3A_90 = vector.shape_cast %broadcast_in_dim3A_5 : vector<16xf32> to vector<1x16xf32>
    tpu.vector_store %arg10[%swap3A_86, %swap3A_87], %swap3A_90 {strides = array<i32>} : memref<16x128xf32, #tpu.memory_space<vmem>>, vector<1x16xf32>,
    %swap3A_91 = arith.constant 1 : i32
    %swap3A_92 = arith.index_cast %swap3A_91 : i32 to index
    %swap3A_93 = arith.constant 96 : index
    %swap3A_94 = tpu.vector_load %arg10[%swap3A_92, %swap3A_93] {strides = array<i32>} : memref<16x128xf32, #tpu.memory_space<vmem>>, vector<1x16xf32>,
    %swap3A_95 = vector.shape_cast %swap3A_94 : vector<1x16xf32> to vector<16xf32>
    %swap3A_96 = vector.shape_cast %broadcast_in_dim3A_5 : vector<16xf32> to vector<1x16xf32>
    tpu.vector_store %arg10[%swap3A_92, %swap3A_93], %swap3A_96 {strides = array<i32>} : memref<16x128xf32, #tpu.memory_space<vmem>>, vector<1x16xf32>,
    %swap3A_97 = arith.constant 1 : i32
    %swap3A_98 = arith.index_cast %swap3A_97 : i32 to index
    %swap3A_99 = arith.constant 112 : index
    %swap3A_100 = tpu.vector_load %arg10[%swap3A_98, %swap3A_99] {strides = array<i32>} : memref<16x128xf32, #tpu.memory_space<vmem>>, vector<1x16xf32>,
    %swap3A_101 = vector.shape_cast %swap3A_100 : vector<1x16xf32> to vector<16xf32>
    %swap3A_102 = vector.shape_cast %broadcast_in_dim3A_5 : vector<16xf32> to vector<1x16xf32>
    tpu.vector_store %arg10[%swap3A_98, %swap3A_99], %swap3A_102 {strides = array<i32>} : memref<16x128xf32, #tpu.memory_space<vmem>>, vector<1x16xf32>,
    %swap3A_103 = arith.constant 2 : i32
    %swap3A_104 = arith.index_cast %swap3A_103 : i32 to index
    %swap3A_105 = arith.constant 0 : index
    %swap3A_106 = tpu.vector_load %arg10[%swap3A_104, %swap3A_105] {strides = array<i32>} : memref<16x128xf32, #tpu.memory_space<vmem>>, vector<1x16xf32>,
    %swap3A_107 = vector.shape_cast %swap3A_106 : vector<1x16xf32> to vector<16xf32>
    %swap3A_108 = vector.shape_cast %broadcast_in_dim3A_5 : vector<16xf32> to vector<1x16xf32>
    tpu.vector_store %arg10[%swap3A_104, %swap3A_105], %swap3A_108 {strides = array<i32>} : memref<16x128xf32, #tpu.memory_space<vmem>>, vector<1x16xf32>,
    %swap3A_109 = arith.constant 2 : i32
    %swap3A_110 = arith.index_cast %swap3A_109 : i32 to index
    %swap3A_111 = arith.constant 16 : index
    %swap3A_112 = tpu.vector_load %arg10[%swap3A_110, %swap3A_111] {strides = array<i32>} : memref<16x128xf32, #tpu.memory_space<vmem>>, vector<1x16xf32>,
    %swap3A_113 = vector.shape_cast %swap3A_112 : vector<1x16xf32> to vector<16xf32>
    %swap3A_114 = vector.shape_cast %broadcast_in_dim3A_5 : vector<16xf32> to vector<1x16xf32>
    tpu.vector_store %arg10[%swap3A_110, %swap3A_111], %swap3A_114 {strides = array<i32>} : memref<16x128xf32, #tpu.memory_space<vmem>>, vector<1x16xf32>,
    %swap3A_115 = arith.constant 2 : i32
    %swap3A_116 = arith.index_cast %swap3A_115 : i32 to index
    %swap3A_117 = arith.constant 32 : index
    %swap3A_118 = tpu.vector_load %arg10[%swap3A_116, %swap3A_117] {strides = array<i32>} : memref<16x128xf32, #tpu.memory_space<vmem>>, vector<1x16xf32>,
    %swap3A_119 = vector.shape_cast %swap3A_118 : vector<1x16xf32> to vector<16xf32>
    %swap3A_120 = vector.shape_cast %broadcast_in_dim3A_5 : vector<16xf32> to vector<1x16xf32>
    tpu.vector_store %arg10[%swap3A_116, %swap3A_117], %swap3A_120 {strides = array<i32>} : memref<16x128xf32, #tpu.memory_space<vmem>>, vector<1x16xf32>,
    %swap3A_121 = arith.constant 2 : i32
    %swap3A_122 = arith.index_cast %swap3A_121 : i32 to index
    %swap3A_123 = arith.constant 48 : index
    %swap3A_124 = tpu.vector_load %arg10[%swap3A_122, %swap3A_123] {strides = array<i32>} : memref<16x128xf32, #tpu.memory_space<vmem>>, vector<1x16xf32>,
    %swap3A_125 = vector.shape_cast %swap3A_124 : vector<1x16xf32> to vector<16xf32>
    %swap3A_126 = vector.shape_cast %broadcast_in_dim3A_5 : vector<16xf32> to vector<1x16xf32>
    tpu.vector_store %arg10[%swap3A_122, %swap3A_123], %swap3A_126 {strides = array<i32>} : memref<16x128xf32, #tpu.memory_space<vmem>>, vector<1x16xf32>,
    %swap3A_127 = arith.constant 2 : i32
    %swap3A_128 = arith.index_cast %swap3A_127 : i32 to index
    %swap3A_129 = arith.constant 64 : index
    %swap3A_130 = tpu.vector_load %arg10[%swap3A_128, %swap3A_129] {strides = array<i32>} : memref<16x128xf32, #tpu.memory_space<vmem>>, vector<1x16xf32>,
    %swap3A_131 = vector.shape_cast %swap3A_130 : vector<1x16xf32> to vector<16xf32>
    %swap3A_132 = vector.shape_cast %broadcast_in_dim3A_5 : vector<16xf32> to vector<1x16xf32>
    tpu.vector_store %arg10[%swap3A_128, %swap3A_129], %swap3A_132 {strides = array<i32>} : memref<16x128xf32, #tpu.memory_space<vmem>>, vector<1x16xf32>,
    %swap3A_133 = arith.constant 2 : i32
    %swap3A_134 = arith.index_cast %swap3A_133 : i32 to index
    %swap3A_135 = arith.constant 80 : index
    %swap3A_136 = tpu.vector_load %arg10[%swap3A_134, %swap3A_135] {strides = array<i32>} : memref<16x128xf32, #tpu.memory_space<vmem>>, vector<1x16xf32>,
    %swap3A_137 = vector.shape_cast %swap3A_136 : vector<1x16xf32> to vector<16xf32>
    %swap3A_138 = vector.shape_cast %broadcast_in_dim3A_5 : vector<16xf32> to vector<1x16xf32>
    tpu.vector_store %arg10[%swap3A_134, %swap3A_135], %swap3A_138 {strides = array<i32>} : memref<16x128xf32, #tpu.memory_space<vmem>>, vector<1x16xf32>,
    %swap3A_139 = arith.constant 2 : i32
    %swap3A_140 = arith.index_cast %swap3A_139 : i32 to index
    %swap3A_141 = arith.constant 96 : index
    %swap3A_142 = tpu.vector_load %arg10[%swap3A_140, %swap3A_141] {strides = array<i32>} : memref<16x128xf32, #tpu.memory_space<vmem>>, vector<1x16xf32>,
    %swap3A_143 = vector.shape_cast %swap3A_142 : vector<1x16xf32> to vector<16xf32>
    %swap3A_144 = vector.shape_cast %broadcast_in_dim3A_5 : vector<16xf32> to vector<1x16xf32>
    tpu.vector_store %arg10[%swap3A_140, %swap3A_141], %swap3A_144 {strides = array<i32>} : memref<16x128xf32, #tpu.memory_space<vmem>>, vector<1x16xf32>,
    %swap3A_145 = arith.constant 2 : i32
    %swap3A_146 = arith.index_cast %swap3A_145 : i32 to index
    %swap3A_147 = arith.constant 112 : index
    %swap3A_148 = tpu.vector_load %arg10[%swap3A_146, %swap3A_147] {strides = array<i32>} : memref<16x128xf32, #tpu.memory_space<vmem>>, vector<1x16xf32>,
    %swap3A_149 = vector.shape_cast %swap3A_148 : vector<1x16xf32> to vector<16xf32>
    %swap3A_150 = vector.shape_cast %broadcast_in_dim3A_5 : vector<16xf32> to vector<1x16xf32>
    tpu.vector_store %arg10[%swap3A_146, %swap3A_147], %swap3A_150 {strides = array<i32>} : memref<16x128xf32, #tpu.memory_space<vmem>>, vector<1x16xf32>,
    %swap3A_151 = arith.constant 3 : i32
    %swap3A_152 = arith.index_cast %swap3A_151 : i32 to index
    %swap3A_153 = arith.constant 0 : index
    %swap3A_154 = tpu.vector_load %arg10[%swap3A_152, %swap3A_153] {strides = array<i32>} : memref<16x128xf32, #tpu.memory_space<vmem>>, vector<1x16xf32>,
    %swap3A_155 = vector.shape_cast %swap3A_154 : vector<1x16xf32> to vector<16xf32>
    %swap3A_156 = vector.shape_cast %broadcast_in_dim3A_5 : vector<16xf32> to vector<1x16xf32>
    tpu.vector_store %arg10[%swap3A_152, %swap3A_153], %swap3A_156 {strides = array<i32>} : memref<16x128xf32, #tpu.memory_space<vmem>>, vector<1x16xf32>,
    %swap3A_157 = arith.constant 3 : i32
    %swap3A_158 = arith.index_cast %swap3A_157 : i32 to index
    %swap3A_159 = arith.constant 16 : index
    %swap3A_160 = tpu.vector_load %arg10[%swap3A_158, %swap3A_159] {strides = array<i32>} : memref<16x128xf32, #tpu.memory_space<vmem>>, vector<1x16xf32>,
    %swap3A_161 = vector.shape_cast %swap3A_160 : vector<1x16xf32> to vector<16xf32>
    %swap3A_162 = vector.shape_cast %broadcast_in_dim3A_5 : vector<16xf32> to vector<1x16xf32>
    tpu.vector_store %arg10[%swap3A_158, %swap3A_159], %swap3A_162 {strides = array<i32>} : memref<16x128xf32, #tpu.memory_space<vmem>>, vector<1x16xf32>,
    %swap3A_163 = arith.constant 3 : i32
    %swap3A_164 = arith.index_cast %swap3A_163 : i32 to index
    %swap3A_165 = arith.constant 32 : index
    %swap3A_166 = tpu.vector_load %arg10[%swap3A_164, %swap3A_165] {strides = array<i32>} : memref<16x128xf32, #tpu.memory_space<vmem>>, vector<1x16xf32>,
    %swap3A_167 = vector.shape_cast %swap3A_166 : vector<1x16xf32> to vector<16xf32>
    %swap3A_168 = vector.shape_cast %broadcast_in_dim3A_5 : vector<16xf32> to vector<1x16xf32>
    tpu.vector_store %arg10[%swap3A_164, %swap3A_165], %swap3A_168 {strides = array<i32>} : memref<16x128xf32, #tpu.memory_space<vmem>>, vector<1x16xf32>,
    %swap3A_169 = arith.constant 3 : i32
    %swap3A_170 = arith.index_cast %swap3A_169 : i32 to index
    %swap3A_171 = arith.constant 48 : index
    %swap3A_172 = tpu.vector_load %arg10[%swap3A_170, %swap3A_171] {strides = array<i32>} : memref<16x128xf32, #tpu.memory_space<vmem>>, vector<1x16xf32>,
    %swap3A_173 = vector.shape_cast %swap3A_172 : vector<1x16xf32> to vector<16xf32>
    %swap3A_174 = vector.shape_cast %broadcast_in_dim3A_5 : vector<16xf32> to vector<1x16xf32>
    tpu.vector_store %arg10[%swap3A_170, %swap3A_171], %swap3A_174 {strides = array<i32>} : memref<16x128xf32, #tpu.memory_space<vmem>>, vector<1x16xf32>,
    %swap3A_175 = arith.constant 3 : i32
    %swap3A_176 = arith.index_cast %swap3A_175 : i32 to index
    %swap3A_177 = arith.constant 64 : index
    %swap3A_178 = tpu.vector_load %arg10[%swap3A_176, %swap3A_177] {strides = array<i32>} : memref<16x128xf32, #tpu.memory_space<vmem>>, vector<1x16xf32>,
    %swap3A_179 = vector.shape_cast %swap3A_178 : vector<1x16xf32> to vector<16xf32>
    %swap3A_180 = vector.shape_cast %broadcast_in_dim3A_5 : vector<16xf32> to vector<1x16xf32>
    tpu.vector_store %arg10[%swap3A_176, %swap3A_177], %swap3A_180 {strides = array<i32>} : memref<16x128xf32, #tpu.memory_space<vmem>>, vector<1x16xf32>,
    %swap3A_181 = arith.constant 3 : i32
    %swap3A_182 = arith.index_cast %swap3A_181 : i32 to index
    %swap3A_183 = arith.constant 80 : index
    %swap3A_184 = tpu.vector_load %arg10[%swap3A_182, %swap3A_183] {strides = array<i32>} : memref<16x128xf32, #tpu.memory_space<vmem>>, vector<1x16xf32>,
    %swap3A_185 = vector.shape_cast %swap3A_184 : vector<1x16xf32> to vector<16xf32>
    %swap3A_186 = vector.shape_cast %broadcast_in_dim3A_5 : vector<16xf32> to vector<1x16xf32>
    tpu.vector_store %arg10[%swap3A_182, %swap3A_183], %swap3A_186 {strides = array<i32>} : memref<16x128xf32, #tpu.memory_space<vmem>>, vector<1x16xf32>,
    %swap3A_187 = arith.constant 3 : i32
    %swap3A_188 = arith.index_cast %swap3A_187 : i32 to index
    %swap3A_189 = arith.constant 96 : index
    %swap3A_190 = tpu.vector_load %arg10[%swap3A_188, %swap3A_189] {strides = array<i32>} : memref<16x128xf32, #tpu.memory_space<vmem>>, vector<1x16xf32>,
    %swap3A_191 = vector.shape_cast %swap3A_190 : vector<1x16xf32> to vector<16xf32>
    %swap3A_192 = vector.shape_cast %broadcast_in_dim3A_5 : vector<16xf32> to vector<1x16xf32>
    tpu.vector_store %arg10[%swap3A_188, %swap3A_189], %swap3A_192 {strides = array<i32>} : memref<16x128xf32, #tpu.memory_space<vmem>>, vector<1x16xf32>,
    %swap3A_193 = arith.constant 3 : i32
    %swap3A_194 = arith.index_cast %swap3A_193 : i32 to index
    %swap3A_195 = arith.constant 112 : index
    %swap3A_196 = tpu.vector_load %arg10[%swap3A_194, %swap3A_195] {strides = array<i32>} : memref<16x128xf32, #tpu.memory_space<vmem>>, vector<1x16xf32>,
    %swap3A_197 = vector.shape_cast %swap3A_196 : vector<1x16xf32> to vector<16xf32>
    %swap3A_198 = vector.shape_cast %broadcast_in_dim3A_5 : vector<16xf32> to vector<1x16xf32>
    tpu.vector_store %arg10[%swap3A_194, %swap3A_195], %swap3A_198 {strides = array<i32>} : memref<16x128xf32, #tpu.memory_space<vmem>>, vector<1x16xf32>,
    %swap3A_199 = arith.constant 4 : i32
    %swap3A_200 = arith.index_cast %swap3A_199 : i32 to index
    %swap3A_201 = arith.constant 0 : index
    %swap3A_202 = tpu.vector_load %arg10[%swap3A_200, %swap3A_201] {strides = array<i32>} : memref<16x128xf32, #tpu.memory_space<vmem>>, vector<1x16xf32>,
    %swap3A_203 = vector.shape_cast %swap3A_202 : vector<1x16xf32> to vector<16xf32>
    %swap3A_204 = vector.shape_cast %broadcast_in_dim3A_5 : vector<16xf32> to vector<1x16xf32>
    tpu.vector_store %arg10[%swap3A_200, %swap3A_201], %swap3A_204 {strides = array<i32>} : memref<16x128xf32, #tpu.memory_space<vmem>>, vector<1x16xf32>,
    %swap3A_205 = arith.constant 4 : i32
    %swap3A_206 = arith.index_cast %swap3A_205 : i32 to index
    %swap3A_207 = arith.constant 16 : index
    %swap3A_208 = tpu.vector_load %arg10[%swap3A_206, %swap3A_207] {strides = array<i32>} : memref<16x128xf32, #tpu.memory_space<vmem>>, vector<1x16xf32>,
    %swap3A_209 = vector.shape_cast %swap3A_208 : vector<1x16xf32> to vector<16xf32>
    %swap3A_210 = vector.shape_cast %broadcast_in_dim3A_5 : vector<16xf32> to vector<1x16xf32>
    tpu.vector_store %arg10[%swap3A_206, %swap3A_207], %swap3A_210 {strides = array<i32>} : memref<16x128xf32, #tpu.memory_space<vmem>>, vector<1x16xf32>,
    %swap3A_211 = arith.constant 4 : i32
    %swap3A_212 = arith.index_cast %swap3A_211 : i32 to index
    %swap3A_213 = arith.constant 32 : index
    %swap3A_214 = tpu.vector_load %arg10[%swap3A_212, %swap3A_213] {strides = array<i32>} : memref<16x128xf32, #tpu.memory_space<vmem>>, vector<1x16xf32>,
    %swap3A_215 = vector.shape_cast %swap3A_214 : vector<1x16xf32> to vector<16xf32>
    %swap3A_216 = vector.shape_cast %broadcast_in_dim3A_5 : vector<16xf32> to vector<1x16xf32>
    tpu.vector_store %arg10[%swap3A_212, %swap3A_213], %swap3A_216 {strides = array<i32>} : memref<16x128xf32, #tpu.memory_space<vmem>>, vector<1x16xf32>,
    %swap3A_217 = arith.constant 4 : i32
    %swap3A_218 = arith.index_cast %swap3A_217 : i32 to index
    %swap3A_219 = arith.constant 48 : index
    %swap3A_220 = tpu.vector_load %arg10[%swap3A_218, %swap3A_219] {strides = array<i32>} : memref<16x128xf32, #tpu.memory_space<vmem>>, vector<1x16xf32>,
    %swap3A_221 = vector.shape_cast %swap3A_220 : vector<1x16xf32> to vector<16xf32>
    %swap3A_222 = vector.shape_cast %broadcast_in_dim3A_5 : vector<16xf32> to vector<1x16xf32>
    tpu.vector_store %arg10[%swap3A_218, %swap3A_219], %swap3A_222 {strides = array<i32>} : memref<16x128xf32, #tpu.memory_space<vmem>>, vector<1x16xf32>,
    %swap3A_223 = arith.constant 4 : i32
    %swap3A_224 = arith.index_cast %swap3A_223 : i32 to index
    %swap3A_225 = arith.constant 64 : index
    %swap3A_226 = tpu.vector_load %arg10[%swap3A_224, %swap3A_225] {strides = array<i32>} : memref<16x128xf32, #tpu.memory_space<vmem>>, vector<1x16xf32>,
    %swap3A_227 = vector.shape_cast %swap3A_226 : vector<1x16xf32> to vector<16xf32>
    %swap3A_228 = vector.shape_cast %broadcast_in_dim3A_5 : vector<16xf32> to vector<1x16xf32>
    tpu.vector_store %arg10[%swap3A_224, %swap3A_225], %swap3A_228 {strides = array<i32>} : memref<16x128xf32, #tpu.memory_space<vmem>>, vector<1x16xf32>,
    %swap3A_229 = arith.constant 4 : i32
    %swap3A_230 = arith.index_cast %swap3A_229 : i32 to index
    %swap3A_231 = arith.constant 80 : index
    %swap3A_232 = tpu.vector_load %arg10[%swap3A_230, %swap3A_231] {strides = array<i32>} : memref<16x128xf32, #tpu.memory_space<vmem>>, vector<1x16xf32>,
    %swap3A_233 = vector.shape_cast %swap3A_232 : vector<1x16xf32> to vector<16xf32>
    %swap3A_234 = vector.shape_cast %broadcast_in_dim3A_5 : vector<16xf32> to vector<1x16xf32>
    tpu.vector_store %arg10[%swap3A_230, %swap3A_231], %swap3A_234 {strides = array<i32>} : memref<16x128xf32, #tpu.memory_space<vmem>>, vector<1x16xf32>,
    %swap3A_235 = arith.constant 4 : i32
    %swap3A_236 = arith.index_cast %swap3A_235 : i32 to index
    %swap3A_237 = arith.constant 96 : index
    %swap3A_238 = tpu.vector_load %arg10[%swap3A_236, %swap3A_237] {strides = array<i32>} : memref<16x128xf32, #tpu.memory_space<vmem>>, vector<1x16xf32>,
    %swap3A_239 = vector.shape_cast %swap3A_238 : vector<1x16xf32> to vector<16xf32>
    %swap3A_240 = vector.shape_cast %broadcast_in_dim3A_5 : vector<16xf32> to vector<1x16xf32>
    tpu.vector_store %arg10[%swap3A_236, %swap3A_237], %swap3A_240 {strides = array<i32>} : memref<16x128xf32, #tpu.memory_space<vmem>>, vector<1x16xf32>,
    %swap3A_241 = arith.constant 4 : i32
    %swap3A_242 = arith.index_cast %swap3A_241 : i32 to index
    %swap3A_243 = arith.constant 112 : index
    %swap3A_244 = tpu.vector_load %arg10[%swap3A_242, %swap3A_243] {strides = array<i32>} : memref<16x128xf32, #tpu.memory_space<vmem>>, vector<1x16xf32>,
    %swap3A_245 = vector.shape_cast %swap3A_244 : vector<1x16xf32> to vector<16xf32>
    %swap3A_246 = vector.shape_cast %broadcast_in_dim3A_5 : vector<16xf32> to vector<1x16xf32>
    tpu.vector_store %arg10[%swap3A_242, %swap3A_243], %swap3A_246 {strides = array<i32>} : memref<16x128xf32, #tpu.memory_space<vmem>>, vector<1x16xf32>,
    %swap3A_247 = arith.constant 5 : i32
    %swap3A_248 = arith.index_cast %swap3A_247 : i32 to index
    %swap3A_249 = arith.constant 0 : index
    %swap3A_250 = tpu.vector_load %arg10[%swap3A_248, %swap3A_249] {strides = array<i32>} : memref<16x128xf32, #tpu.memory_space<vmem>>, vector<1x16xf32>,
    %swap3A_251 = vector.shape_cast %swap3A_250 : vector<1x16xf32> to vector<16xf32>
    %swap3A_252 = vector.shape_cast %broadcast_in_dim3A_5 : vector<16xf32> to vector<1x16xf32>
    tpu.vector_store %arg10[%swap3A_248, %swap3A_249], %swap3A_252 {strides = array<i32>} : memref<16x128xf32, #tpu.memory_space<vmem>>, vector<1x16xf32>,
    %swap3A_253 = arith.constant 5 : i32
    %swap3A_254 = arith.index_cast %swap3A_253 : i32 to index
    %swap3A_255 = arith.constant 16 : index
    %swap3A_256 = tpu.vector_load %arg10[%swap3A_254, %swap3A_255] {strides = array<i32>} : memref<16x128xf32, #tpu.memory_space<vmem>>, vector<1x16xf32>,
    %swap3A_257 = vector.shape_cast %swap3A_256 : vector<1x16xf32> to vector<16xf32>
    %swap3A_258 = vector.shape_cast %broadcast_in_dim3A_5 : vector<16xf32> to vector<1x16xf32>
    tpu.vector_store %arg10[%swap3A_254, %swap3A_255], %swap3A_258 {strides = array<i32>} : memref<16x128xf32, #tpu.memory_space<vmem>>, vector<1x16xf32>,
    %swap3A_259 = arith.constant 5 : i32
    %swap3A_260 = arith.index_cast %swap3A_259 : i32 to index
    %swap3A_261 = arith.constant 32 : index
    %swap3A_262 = tpu.vector_load %arg10[%swap3A_260, %swap3A_261] {strides = array<i32>} : memref<16x128xf32, #tpu.memory_space<vmem>>, vector<1x16xf32>,
    %swap3A_263 = vector.shape_cast %swap3A_262 : vector<1x16xf32> to vector<16xf32>
    %swap3A_264 = vector.shape_cast %broadcast_in_dim3A_5 : vector<16xf32> to vector<1x16xf32>
    tpu.vector_store %arg10[%swap3A_260, %swap3A_261], %swap3A_264 {strides = array<i32>} : memref<16x128xf32, #tpu.memory_space<vmem>>, vector<1x16xf32>,
    %swap3A_265 = arith.constant 5 : i32
    %swap3A_266 = arith.index_cast %swap3A_265 : i32 to index
    %swap3A_267 = arith.constant 48 : index
    %swap3A_268 = tpu.vector_load %arg10[%swap3A_266, %swap3A_267] {strides = array<i32>} : memref<16x128xf32, #tpu.memory_space<vmem>>, vector<1x16xf32>,
    %swap3A_269 = vector.shape_cast %swap3A_268 : vector<1x16xf32> to vector<16xf32>
    %swap3A_270 = vector.shape_cast %broadcast_in_dim3A_5 : vector<16xf32> to vector<1x16xf32>
    tpu.vector_store %arg10[%swap3A_266, %swap3A_267], %swap3A_270 {strides = array<i32>} : memref<16x128xf32, #tpu.memory_space<vmem>>, vector<1x16xf32>,
    %swap3A_271 = arith.constant 5 : i32
    %swap3A_272 = arith.index_cast %swap3A_271 : i32 to index
    %swap3A_273 = arith.constant 64 : index
    %swap3A_274 = tpu.vector_load %arg10[%swap3A_272, %swap3A_273] {strides = array<i32>} : memref<16x128xf32, #tpu.memory_space<vmem>>, vector<1x16xf32>,
    %swap3A_275 = vector.shape_cast %swap3A_274 : vector<1x16xf32> to vector<16xf32>
    %swap3A_276 = vector.shape_cast %broadcast_in_dim3A_5 : vector<16xf32> to vector<1x16xf32>
    tpu.vector_store %arg10[%swap3A_272, %swap3A_273], %swap3A_276 {strides = array<i32>} : memref<16x128xf32, #tpu.memory_space<vmem>>, vector<1x16xf32>,
    %swap3A_277 = arith.constant 5 : i32
    %swap3A_278 = arith.index_cast %swap3A_277 : i32 to index
    %swap3A_279 = arith.constant 80 : index
    %swap3A_280 = tpu.vector_load %arg10[%swap3A_278, %swap3A_279] {strides = array<i32>} : memref<16x128xf32, #tpu.memory_space<vmem>>, vector<1x16xf32>,
    %swap3A_281 = vector.shape_cast %swap3A_280 : vector<1x16xf32> to vector<16xf32>
    %swap3A_282 = vector.shape_cast %broadcast_in_dim3A_5 : vector<16xf32> to vector<1x16xf32>
    tpu.vector_store %arg10[%swap3A_278, %swap3A_279], %swap3A_282 {strides = array<i32>} : memref<16x128xf32, #tpu.memory_space<vmem>>, vector<1x16xf32>,
    %swap3A_283 = arith.constant 5 : i32
    %swap3A_284 = arith.index_cast %swap3A_283 : i32 to index
    %swap3A_285 = arith.constant 96 : index
    %swap3A_286 = tpu.vector_load %arg10[%swap3A_284, %swap3A_285] {strides = array<i32>} : memref<16x128xf32, #tpu.memory_space<vmem>>, vector<1x16xf32>,
    %swap3A_287 = vector.shape_cast %swap3A_286 : vector<1x16xf32> to vector<16xf32>
    %swap3A_288 = vector.shape_cast %broadcast_in_dim3A_5 : vector<16xf32> to vector<1x16xf32>
    tpu.vector_store %arg10[%swap3A_284, %swap3A_285], %swap3A_288 {strides = array<i32>} : memref<16x128xf32, #tpu.memory_space<vmem>>, vector<1x16xf32>,
    %swap3A_289 = arith.constant 5 : i32
    %swap3A_290 = arith.index_cast %swap3A_289 : i32 to index
    %swap3A_291 = arith.constant 112 : index
    %swap3A_292 = tpu.vector_load %arg10[%swap3A_290, %swap3A_291] {strides = array<i32>} : memref<16x128xf32, #tpu.memory_space<vmem>>, vector<1x16xf32>,
    %swap3A_293 = vector.shape_cast %swap3A_292 : vector<1x16xf32> to vector<16xf32>
    %swap3A_294 = vector.shape_cast %broadcast_in_dim3A_5 : vector<16xf32> to vector<1x16xf32>
    tpu.vector_store %arg10[%swap3A_290, %swap3A_291], %swap3A_294 {strides = array<i32>} : memref<16x128xf32, #tpu.memory_space<vmem>>, vector<1x16xf32>,
    %swap3A_295 = arith.constant 6 : i32
    %swap3A_296 = arith.index_cast %swap3A_295 : i32 to index
    %swap3A_297 = arith.constant 0 : index
    %swap3A_298 = tpu.vector_load %arg10[%swap3A_296, %swap3A_297] {strides = array<i32>} : memref<16x128xf32, #tpu.memory_space<vmem>>, vector<1x16xf32>,
    %swap3A_299 = vector.shape_cast %swap3A_298 : vector<1x16xf32> to vector<16xf32>
    %swap3A_300 = vector.shape_cast %broadcast_in_dim3A_5 : vector<16xf32> to vector<1x16xf32>
    tpu.vector_store %arg10[%swap3A_296, %swap3A_297], %swap3A_300 {strides = array<i32>} : memref<16x128xf32, #tpu.memory_space<vmem>>, vector<1x16xf32>,
    %swap3A_301 = arith.constant 6 : i32
    %swap3A_302 = arith.index_cast %swap3A_301 : i32 to index
    %swap3A_303 = arith.constant 16 : index
    %swap3A_304 = tpu.vector_load %arg10[%swap3A_302, %swap3A_303] {strides = array<i32>} : memref<16x128xf32, #tpu.memory_space<vmem>>, vector<1x16xf32>,
    %swap3A_305 = vector.shape_cast %swap3A_304 : vector<1x16xf32> to vector<16xf32>
    %swap3A_306 = vector.shape_cast %broadcast_in_dim3A_5 : vector<16xf32> to vector<1x16xf32>
    tpu.vector_store %arg10[%swap3A_302, %swap3A_303], %swap3A_306 {strides = array<i32>} : memref<16x128xf32, #tpu.memory_space<vmem>>, vector<1x16xf32>,
    %swap3A_307 = arith.constant 6 : i32
    %swap3A_308 = arith.index_cast %swap3A_307 : i32 to index
    %swap3A_309 = arith.constant 32 : index
    %swap3A_310 = tpu.vector_load %arg10[%swap3A_308, %swap3A_309] {strides = array<i32>} : memref<16x128xf32, #tpu.memory_space<vmem>>, vector<1x16xf32>,
    %swap3A_311 = vector.shape_cast %swap3A_310 : vector<1x16xf32> to vector<16xf32>
    %swap3A_312 = vector.shape_cast %broadcast_in_dim3A_5 : vector<16xf32> to vector<1x16xf32>
    tpu.vector_store %arg10[%swap3A_308, %swap3A_309], %swap3A_312 {strides = array<i32>} : memref<16x128xf32, #tpu.memory_space<vmem>>, vector<1x16xf32>,
    %swap3A_313 = arith.constant 6 : i32
    %swap3A_314 = arith.index_cast %swap3A_313 : i32 to index
    %swap3A_315 = arith.constant 48 : index
    %swap3A_316 = tpu.vector_load %arg10[%swap3A_314, %swap3A_315] {strides = array<i32>} : memref<16x128xf32, #tpu.memory_space<vmem>>, vector<1x16xf32>,
    %swap3A_317 = vector.shape_cast %swap3A_316 : vector<1x16xf32> to vector<16xf32>
    %swap3A_318 = vector.shape_cast %broadcast_in_dim3A_5 : vector<16xf32> to vector<1x16xf32>
    tpu.vector_store %arg10[%swap3A_314, %swap3A_315], %swap3A_318 {strides = array<i32>} : memref<16x128xf32, #tpu.memory_space<vmem>>, vector<1x16xf32>,
    %swap3A_319 = arith.constant 6 : i32
    %swap3A_320 = arith.index_cast %swap3A_319 : i32 to index
    %swap3A_321 = arith.constant 64 : index
    %swap3A_322 = tpu.vector_load %arg10[%swap3A_320, %swap3A_321] {strides = array<i32>} : memref<16x128xf32, #tpu.memory_space<vmem>>, vector<1x16xf32>,
    %swap3A_323 = vector.shape_cast %swap3A_322 : vector<1x16xf32> to vector<16xf32>
    %swap3A_324 = vector.shape_cast %broadcast_in_dim3A_5 : vector<16xf32> to vector<1x16xf32>
    tpu.vector_store %arg10[%swap3A_320, %swap3A_321], %swap3A_324 {strides = array<i32>} : memref<16x128xf32, #tpu.memory_space<vmem>>, vector<1x16xf32>,
    %swap3A_325 = arith.constant 6 : i32
    %swap3A_326 = arith.index_cast %swap3A_325 : i32 to index
    %swap3A_327 = arith.constant 80 : index
    %swap3A_328 = tpu.vector_load %arg10[%swap3A_326, %swap3A_327] {strides = array<i32>} : memref<16x128xf32, #tpu.memory_space<vmem>>, vector<1x16xf32>,
    %swap3A_329 = vector.shape_cast %swap3A_328 : vector<1x16xf32> to vector<16xf32>
    %swap3A_330 = vector.shape_cast %broadcast_in_dim3A_5 : vector<16xf32> to vector<1x16xf32>
    tpu.vector_store %arg10[%swap3A_326, %swap3A_327], %swap3A_330 {strides = array<i32>} : memref<16x128xf32, #tpu.memory_space<vmem>>, vector<1x16xf32>,
    %swap3A_331 = arith.constant 6 : i32
    %swap3A_332 = arith.index_cast %swap3A_331 : i32 to index
    %swap3A_333 = arith.constant 96 : index
    %swap3A_334 = tpu.vector_load %arg10[%swap3A_332, %swap3A_333] {strides = array<i32>} : memref<16x128xf32, #tpu.memory_space<vmem>>, vector<1x16xf32>,
    %swap3A_335 = vector.shape_cast %swap3A_334 : vector<1x16xf32> to vector<16xf32>
    %swap3A_336 = vector.shape_cast %broadcast_in_dim3A_5 : vector<16xf32> to vector<1x16xf32>
    tpu.vector_store %arg10[%swap3A_332, %swap3A_333], %swap3A_336 {strides = array<i32>} : memref<16x128xf32, #tpu.memory_space<vmem>>, vector<1x16xf32>,
    %swap3A_337 = arith.constant 6 : i32
    %swap3A_338 = arith.index_cast %swap3A_337 : i32 to index
    %swap3A_339 = arith.constant 112 : index
    %swap3A_340 = tpu.vector_load %arg10[%swap3A_338, %swap3A_339] {strides = array<i32>} : memref<16x128xf32, #tpu.memory_space<vmem>>, vector<1x16xf32>,
    %swap3A_341 = vector.shape_cast %swap3A_340 : vector<1x16xf32> to vector<16xf32>
    %swap3A_342 = vector.shape_cast %broadcast_in_dim3A_5 : vector<16xf32> to vector<1x16xf32>
    tpu.vector_store %arg10[%swap3A_338, %swap3A_339], %swap3A_342 {strides = array<i32>} : memref<16x128xf32, #tpu.memory_space<vmem>>, vector<1x16xf32>,
    %swap3A_343 = arith.constant 7 : i32
    %swap3A_344 = arith.index_cast %swap3A_343 : i32 to index
    %swap3A_345 = arith.constant 0 : index
    %swap3A_346 = tpu.vector_load %arg10[%swap3A_344, %swap3A_345] {strides = array<i32>} : memref<16x128xf32, #tpu.memory_space<vmem>>, vector<1x16xf32>,
    %swap3A_347 = vector.shape_cast %swap3A_346 : vector<1x16xf32> to vector<16xf32>
    %swap3A_348 = vector.shape_cast %broadcast_in_dim3A_5 : vector<16xf32> to vector<1x16xf32>
    tpu.vector_store %arg10[%swap3A_344, %swap3A_345], %swap3A_348 {strides = array<i32>} : memref<16x128xf32, #tpu.memory_space<vmem>>, vector<1x16xf32>,
    %swap3A_349 = arith.constant 7 : i32
    %swap3A_350 = arith.index_cast %swap3A_349 : i32 to index
    %swap3A_351 = arith.constant 16 : index
    %swap3A_352 = tpu.vector_load %arg10[%swap3A_350, %swap3A_351] {strides = array<i32>} : memref<16x128xf32, #tpu.memory_space<vmem>>, vector<1x16xf32>,
    %swap3A_353 = vector.shape_cast %swap3A_352 : vector<1x16xf32> to vector<16xf32>
    %swap3A_354 = vector.shape_cast %broadcast_in_dim3A_5 : vector<16xf32> to vector<1x16xf32>
    tpu.vector_store %arg10[%swap3A_350, %swap3A_351], %swap3A_354 {strides = array<i32>} : memref<16x128xf32, #tpu.memory_space<vmem>>, vector<1x16xf32>,
    %swap3A_355 = arith.constant 7 : i32
    %swap3A_356 = arith.index_cast %swap3A_355 : i32 to index
    %swap3A_357 = arith.constant 32 : index
    %swap3A_358 = tpu.vector_load %arg10[%swap3A_356, %swap3A_357] {strides = array<i32>} : memref<16x128xf32, #tpu.memory_space<vmem>>, vector<1x16xf32>,
    %swap3A_359 = vector.shape_cast %swap3A_358 : vector<1x16xf32> to vector<16xf32>
    %swap3A_360 = vector.shape_cast %broadcast_in_dim3A_5 : vector<16xf32> to vector<1x16xf32>
    tpu.vector_store %arg10[%swap3A_356, %swap3A_357], %swap3A_360 {strides = array<i32>} : memref<16x128xf32, #tpu.memory_space<vmem>>, vector<1x16xf32>,
    %swap3A_361 = arith.constant 7 : i32
    %swap3A_362 = arith.index_cast %swap3A_361 : i32 to index
    %swap3A_363 = arith.constant 48 : index
    %swap3A_364 = tpu.vector_load %arg10[%swap3A_362, %swap3A_363] {strides = array<i32>} : memref<16x128xf32, #tpu.memory_space<vmem>>, vector<1x16xf32>,
    %swap3A_365 = vector.shape_cast %swap3A_364 : vector<1x16xf32> to vector<16xf32>
    %swap3A_366 = vector.shape_cast %broadcast_in_dim3A_5 : vector<16xf32> to vector<1x16xf32>
    tpu.vector_store %arg10[%swap3A_362, %swap3A_363], %swap3A_366 {strides = array<i32>} : memref<16x128xf32, #tpu.memory_space<vmem>>, vector<1x16xf32>,
    %swap3A_367 = arith.constant 7 : i32
    %swap3A_368 = arith.index_cast %swap3A_367 : i32 to index
    %swap3A_369 = arith.constant 64 : index
    %swap3A_370 = tpu.vector_load %arg10[%swap3A_368, %swap3A_369] {strides = array<i32>} : memref<16x128xf32, #tpu.memory_space<vmem>>, vector<1x16xf32>,
    %swap3A_371 = vector.shape_cast %swap3A_370 : vector<1x16xf32> to vector<16xf32>
    %swap3A_372 = vector.shape_cast %broadcast_in_dim3A_5 : vector<16xf32> to vector<1x16xf32>
    tpu.vector_store %arg10[%swap3A_368, %swap3A_369], %swap3A_372 {strides = array<i32>} : memref<16x128xf32, #tpu.memory_space<vmem>>, vector<1x16xf32>,
    %swap3A_373 = arith.constant 7 : i32
    %swap3A_374 = arith.index_cast %swap3A_373 : i32 to index
    %swap3A_375 = arith.constant 80 : index
    %swap3A_376 = tpu.vector_load %arg10[%swap3A_374, %swap3A_375] {strides = array<i32>} : memref<16x128xf32, #tpu.memory_space<vmem>>, vector<1x16xf32>,
    %swap3A_377 = vector.shape_cast %swap3A_376 : vector<1x16xf32> to vector<16xf32>
    %swap3A_378 = vector.shape_cast %broadcast_in_dim3A_5 : vector<16xf32> to vector<1x16xf32>
    tpu.vector_store %arg10[%swap3A_374, %swap3A_375], %swap3A_378 {strides = array<i32>} : memref<16x128xf32, #tpu.memory_space<vmem>>, vector<1x16xf32>,
    %swap3A_379 = arith.constant 7 : i32
    %swap3A_380 = arith.index_cast %swap3A_379 : i32 to index
    %swap3A_381 = arith.constant 96 : index
    %swap3A_382 = tpu.vector_load %arg10[%swap3A_380, %swap3A_381] {strides = array<i32>} : memref<16x128xf32, #tpu.memory_space<vmem>>, vector<1x16xf32>,
    %swap3A_383 = vector.shape_cast %swap3A_382 : vector<1x16xf32> to vector<16xf32>
    %swap3A_384 = vector.shape_cast %broadcast_in_dim3A_5 : vector<16xf32> to vector<1x16xf32>
    tpu.vector_store %arg10[%swap3A_380, %swap3A_381], %swap3A_384 {strides = array<i32>} : memref<16x128xf32, #tpu.memory_space<vmem>>, vector<1x16xf32>,
    %swap3A_385 = arith.constant 7 : i32
    %swap3A_386 = arith.index_cast %swap3A_385 : i32 to index
    %swap3A_387 = arith.constant 112 : index
    %swap3A_388 = tpu.vector_load %arg10[%swap3A_386, %swap3A_387] {strides = array<i32>} : memref<16x128xf32, #tpu.memory_space<vmem>>, vector<1x16xf32>,
    %swap3A_389 = vector.shape_cast %swap3A_388 : vector<1x16xf32> to vector<16xf32>
    %swap3A_390 = vector.shape_cast %broadcast_in_dim3A_5 : vector<16xf32> to vector<1x16xf32>
    tpu.vector_store %arg10[%swap3A_386, %swap3A_387], %swap3A_390 {strides = array<i32>} : memref<16x128xf32, #tpu.memory_space<vmem>>, vector<1x16xf32>,
    %swap3A_391 = arith.constant 8 : i32
    %swap3A_392 = arith.index_cast %swap3A_391 : i32 to index
    %swap3A_393 = arith.constant 0 : index
    %swap3A_394 = tpu.vector_load %arg10[%swap3A_392, %swap3A_393] {strides = array<i32>} : memref<16x128xf32, #tpu.memory_space<vmem>>, vector<1x16xf32>,
    %swap3A_395 = vector.shape_cast %swap3A_394 : vector<1x16xf32> to vector<16xf32>
    %swap3A_396 = vector.shape_cast %broadcast_in_dim3A_5 : vector<16xf32> to vector<1x16xf32>
    tpu.vector_store %arg10[%swap3A_392, %swap3A_393], %swap3A_396 {strides = array<i32>} : memref<16x128xf32, #tpu.memory_space<vmem>>, vector<1x16xf32>,
    %swap3A_397 = arith.constant 8 : i32
    %swap3A_398 = arith.index_cast %swap3A_397 : i32 to index
    %swap3A_399 = arith.constant 16 : index
    %swap3A_400 = tpu.vector_load %arg10[%swap3A_398, %swap3A_399] {strides = array<i32>} : memref<16x128xf32, #tpu.memory_space<vmem>>, vector<1x16xf32>,
    %swap3A_401 = vector.shape_cast %swap3A_400 : vector<1x16xf32> to vector<16xf32>
    %swap3A_402 = vector.shape_cast %broadcast_in_dim3A_5 : vector<16xf32> to vector<1x16xf32>
    tpu.vector_store %arg10[%swap3A_398, %swap3A_399], %swap3A_402 {strides = array<i32>} : memref<16x128xf32, #tpu.memory_space<vmem>>, vector<1x16xf32>,
    %swap3A_403 = arith.constant 8 : i32
    %swap3A_404 = arith.index_cast %swap3A_403 : i32 to index
    %swap3A_405 = arith.constant 32 : index
    %swap3A_406 = tpu.vector_load %arg10[%swap3A_404, %swap3A_405] {strides = array<i32>} : memref<16x128xf32, #tpu.memory_space<vmem>>, vector<1x16xf32>,
    %swap3A_407 = vector.shape_cast %swap3A_406 : vector<1x16xf32> to vector<16xf32>
    %swap3A_408 = vector.shape_cast %broadcast_in_dim3A_5 : vector<16xf32> to vector<1x16xf32>
    tpu.vector_store %arg10[%swap3A_404, %swap3A_405], %swap3A_408 {strides = array<i32>} : memref<16x128xf32, #tpu.memory_space<vmem>>, vector<1x16xf32>,
    %swap3A_409 = arith.constant 8 : i32
    %swap3A_410 = arith.index_cast %swap3A_409 : i32 to index
    %swap3A_411 = arith.constant 48 : index
    %swap3A_412 = tpu.vector_load %arg10[%swap3A_410, %swap3A_411] {strides = array<i32>} : memref<16x128xf32, #tpu.memory_space<vmem>>, vector<1x16xf32>,
    %swap3A_413 = vector.shape_cast %swap3A_412 : vector<1x16xf32> to vector<16xf32>
    %swap3A_414 = vector.shape_cast %broadcast_in_dim3A_5 : vector<16xf32> to vector<1x16xf32>
    tpu.vector_store %arg10[%swap3A_410, %swap3A_411], %swap3A_414 {strides = array<i32>} : memref<16x128xf32, #tpu.memory_space<vmem>>, vector<1x16xf32>,
    %swap3A_415 = arith.constant 8 : i32
    %swap3A_416 = arith.index_cast %swap3A_415 : i32 to index
    %swap3A_417 = arith.constant 64 : index
    %swap3A_418 = tpu.vector_load %arg10[%swap3A_416, %swap3A_417] {strides = array<i32>} : memref<16x128xf32, #tpu.memory_space<vmem>>, vector<1x16xf32>,
    %swap3A_419 = vector.shape_cast %swap3A_418 : vector<1x16xf32> to vector<16xf32>
    %swap3A_420 = vector.shape_cast %broadcast_in_dim3A_5 : vector<16xf32> to vector<1x16xf32>
    tpu.vector_store %arg10[%swap3A_416, %swap3A_417], %swap3A_420 {strides = array<i32>} : memref<16x128xf32, #tpu.memory_space<vmem>>, vector<1x16xf32>,
    %swap3A_421 = arith.constant 8 : i32
    %swap3A_422 = arith.index_cast %swap3A_421 : i32 to index
    %swap3A_423 = arith.constant 80 : index
    %swap3A_424 = tpu.vector_load %arg10[%swap3A_422, %swap3A_423] {strides = array<i32>} : memref<16x128xf32, #tpu.memory_space<vmem>>, vector<1x16xf32>,
    %swap3A_425 = vector.shape_cast %swap3A_424 : vector<1x16xf32> to vector<16xf32>
    %swap3A_426 = vector.shape_cast %broadcast_in_dim3A_5 : vector<16xf32> to vector<1x16xf32>
    tpu.vector_store %arg10[%swap3A_422, %swap3A_423], %swap3A_426 {strides = array<i32>} : memref<16x128xf32, #tpu.memory_space<vmem>>, vector<1x16xf32>,
    %swap3A_427 = arith.constant 8 : i32
    %swap3A_428 = arith.index_cast %swap3A_427 : i32 to index
    %swap3A_429 = arith.constant 96 : index
    %swap3A_430 = tpu.vector_load %arg10[%swap3A_428, %swap3A_429] {strides = array<i32>} : memref<16x128xf32, #tpu.memory_space<vmem>>, vector<1x16xf32>,
    %swap3A_431 = vector.shape_cast %swap3A_430 : vector<1x16xf32> to vector<16xf32>
    %swap3A_432 = vector.shape_cast %broadcast_in_dim3A_5 : vector<16xf32> to vector<1x16xf32>
    tpu.vector_store %arg10[%swap3A_428, %swap3A_429], %swap3A_432 {strides = array<i32>} : memref<16x128xf32, #tpu.memory_space<vmem>>, vector<1x16xf32>,
    %swap3A_433 = arith.constant 8 : i32
    %swap3A_434 = arith.index_cast %swap3A_433 : i32 to index
    %swap3A_435 = arith.constant 112 : index
    %swap3A_436 = tpu.vector_load %arg10[%swap3A_434, %swap3A_435] {strides = array<i32>} : memref<16x128xf32, #tpu.memory_space<vmem>>, vector<1x16xf32>,
    %swap3A_437 = vector.shape_cast %swap3A_436 : vector<1x16xf32> to vector<16xf32>
    %swap3A_438 = vector.shape_cast %broadcast_in_dim3A_5 : vector<16xf32> to vector<1x16xf32>
    tpu.vector_store %arg10[%swap3A_434, %swap3A_435], %swap3A_438 {strides = array<i32>} : memref<16x128xf32, #tpu.memory_space<vmem>>, vector<1x16xf32>,
    %swap3A_439 = arith.constant 9 : i32
    %swap3A_440 = arith.index_cast %swap3A_439 : i32 to index
    %swap3A_441 = arith.constant 0 : index
    %swap3A_442 = tpu.vector_load %arg10[%swap3A_440, %swap3A_441] {strides = array<i32>} : memref<16x128xf32, #tpu.memory_space<vmem>>, vector<1x16xf32>,
    %swap3A_443 = vector.shape_cast %swap3A_442 : vector<1x16xf32> to vector<16xf32>
    %swap3A_444 = vector.shape_cast %broadcast_in_dim3A_5 : vector<16xf32> to vector<1x16xf32>
    tpu.vector_store %arg10[%swap3A_440, %swap3A_441], %swap3A_444 {strides = array<i32>} : memref<16x128xf32, #tpu.memory_space<vmem>>, vector<1x16xf32>,
    %swap3A_445 = arith.constant 9 : i32
    %swap3A_446 = arith.index_cast %swap3A_445 : i32 to index
    %swap3A_447 = arith.constant 16 : index
    %swap3A_448 = tpu.vector_load %arg10[%swap3A_446, %swap3A_447] {strides = array<i32>} : memref<16x128xf32, #tpu.memory_space<vmem>>, vector<1x16xf32>,
    %swap3A_449 = vector.shape_cast %swap3A_448 : vector<1x16xf32> to vector<16xf32>
    %swap3A_450 = vector.shape_cast %broadcast_in_dim3A_5 : vector<16xf32> to vector<1x16xf32>
    tpu.vector_store %arg10[%swap3A_446, %swap3A_447], %swap3A_450 {strides = array<i32>} : memref<16x128xf32, #tpu.memory_space<vmem>>, vector<1x16xf32>,
    %swap3A_451 = arith.constant 9 : i32
    %swap3A_452 = arith.index_cast %swap3A_451 : i32 to index
    %swap3A_453 = arith.constant 32 : index
    %swap3A_454 = tpu.vector_load %arg10[%swap3A_452, %swap3A_453] {strides = array<i32>} : memref<16x128xf32, #tpu.memory_space<vmem>>, vector<1x16xf32>,
    %swap3A_455 = vector.shape_cast %swap3A_454 : vector<1x16xf32> to vector<16xf32>
    %swap3A_456 = vector.shape_cast %broadcast_in_dim3A_5 : vector<16xf32> to vector<1x16xf32>
    tpu.vector_store %arg10[%swap3A_452, %swap3A_453], %swap3A_456 {strides = array<i32>} : memref<16x128xf32, #tpu.memory_space<vmem>>, vector<1x16xf32>,
    %swap3A_457 = arith.constant 9 : i32
    %swap3A_458 = arith.index_cast %swap3A_457 : i32 to index
    %swap3A_459 = arith.constant 48 : index
    %swap3A_460 = tpu.vector_load %arg10[%swap3A_458, %swap3A_459] {strides = array<i32>} : memref<16x128xf32, #tpu.memory_space<vmem>>, vector<1x16xf32>,
    %swap3A_461 = vector.shape_cast %swap3A_460 : vector<1x16xf32> to vector<16xf32>
    %swap3A_462 = vector.shape_cast %broadcast_in_dim3A_5 : vector<16xf32> to vector<1x16xf32>
    tpu.vector_store %arg10[%swap3A_458, %swap3A_459], %swap3A_462 {strides = array<i32>} : memref<16x128xf32, #tpu.memory_space<vmem>>, vector<1x16xf32>,
    %swap3A_463 = arith.constant 9 : i32
    %swap3A_464 = arith.index_cast %swap3A_463 : i32 to index
    %swap3A_465 = arith.constant 64 : index
    %swap3A_466 = tpu.vector_load %arg10[%swap3A_464, %swap3A_465] {strides = array<i32>} : memref<16x128xf32, #tpu.memory_space<vmem>>, vector<1x16xf32>,
    %swap3A_467 = vector.shape_cast %swap3A_466 : vector<1x16xf32> to vector<16xf32>
    %swap3A_468 = vector.shape_cast %broadcast_in_dim3A_5 : vector<16xf32> to vector<1x16xf32>
    tpu.vector_store %arg10[%swap3A_464, %swap3A_465], %swap3A_468 {strides = array<i32>} : memref<16x128xf32, #tpu.memory_space<vmem>>, vector<1x16xf32>,
    %swap3A_469 = arith.constant 9 : i32
    %swap3A_470 = arith.index_cast %swap3A_469 : i32 to index
    %swap3A_471 = arith.constant 80 : index
    %swap3A_472 = tpu.vector_load %arg10[%swap3A_470, %swap3A_471] {strides = array<i32>} : memref<16x128xf32, #tpu.memory_space<vmem>>, vector<1x16xf32>,
    %swap3A_473 = vector.shape_cast %swap3A_472 : vector<1x16xf32> to vector<16xf32>
    %swap3A_474 = vector.shape_cast %broadcast_in_dim3A_5 : vector<16xf32> to vector<1x16xf32>
    tpu.vector_store %arg10[%swap3A_470, %swap3A_471], %swap3A_474 {strides = array<i32>} : memref<16x128xf32, #tpu.memory_space<vmem>>, vector<1x16xf32>,
    %swap3A_475 = arith.constant 9 : i32
    %swap3A_476 = arith.index_cast %swap3A_475 : i32 to index
    %swap3A_477 = arith.constant 96 : index
    %swap3A_478 = tpu.vector_load %arg10[%swap3A_476, %swap3A_477] {strides = array<i32>} : memref<16x128xf32, #tpu.memory_space<vmem>>, vector<1x16xf32>,
    %swap3A_479 = vector.shape_cast %swap3A_478 : vector<1x16xf32> to vector<16xf32>
    %swap3A_480 = vector.shape_cast %broadcast_in_dim3A_5 : vector<16xf32> to vector<1x16xf32>
    tpu.vector_store %arg10[%swap3A_476, %swap3A_477], %swap3A_480 {strides = array<i32>} : memref<16x128xf32, #tpu.memory_space<vmem>>, vector<1x16xf32>,
    %swap3A_481 = arith.constant 9 : i32
    %swap3A_482 = arith.index_cast %swap3A_481 : i32 to index
    %swap3A_483 = arith.constant 112 : index
    %swap3A_484 = tpu.vector_load %arg10[%swap3A_482, %swap3A_483] {strides = array<i32>} : memref<16x128xf32, #tpu.memory_space<vmem>>, vector<1x16xf32>,
    %swap3A_485 = vector.shape_cast %swap3A_484 : vector<1x16xf32> to vector<16xf32>
    %swap3A_486 = vector.shape_cast %broadcast_in_dim3A_5 : vector<16xf32> to vector<1x16xf32>
    tpu.vector_store %arg10[%swap3A_482, %swap3A_483], %swap3A_486 {strides = array<i32>} : memref<16x128xf32, #tpu.memory_space<vmem>>, vector<1x16xf32>,
    %swap3A_487 = arith.constant 10 : i32
    %swap3A_488 = arith.index_cast %swap3A_487 : i32 to index
    %swap3A_489 = arith.constant 0 : index
    %swap3A_490 = tpu.vector_load %arg10[%swap3A_488, %swap3A_489] {strides = array<i32>} : memref<16x128xf32, #tpu.memory_space<vmem>>, vector<1x16xf32>,
    %swap3A_491 = vector.shape_cast %swap3A_490 : vector<1x16xf32> to vector<16xf32>
    %swap3A_492 = vector.shape_cast %broadcast_in_dim3A_5 : vector<16xf32> to vector<1x16xf32>
    tpu.vector_store %arg10[%swap3A_488, %swap3A_489], %swap3A_492 {strides = array<i32>} : memref<16x128xf32, #tpu.memory_space<vmem>>, vector<1x16xf32>,
    %swap3A_493 = arith.constant 10 : i32
    %swap3A_494 = arith.index_cast %swap3A_493 : i32 to index
    %swap3A_495 = arith.constant 16 : index
    %swap3A_496 = tpu.vector_load %arg10[%swap3A_494, %swap3A_495] {strides = array<i32>} : memref<16x128xf32, #tpu.memory_space<vmem>>, vector<1x16xf32>,
    %swap3A_497 = vector.shape_cast %swap3A_496 : vector<1x16xf32> to vector<16xf32>
    %swap3A_498 = vector.shape_cast %broadcast_in_dim3A_5 : vector<16xf32> to vector<1x16xf32>
    tpu.vector_store %arg10[%swap3A_494, %swap3A_495], %swap3A_498 {strides = array<i32>} : memref<16x128xf32, #tpu.memory_space<vmem>>, vector<1x16xf32>,
    %swap3A_499 = arith.constant 10 : i32
    %swap3A_500 = arith.index_cast %swap3A_499 : i32 to index
    %swap3A_501 = arith.constant 32 : index
    %swap3A_502 = tpu.vector_load %arg10[%swap3A_500, %swap3A_501] {strides = array<i32>} : memref<16x128xf32, #tpu.memory_space<vmem>>, vector<1x16xf32>,
    %swap3A_503 = vector.shape_cast %swap3A_502 : vector<1x16xf32> to vector<16xf32>
    %swap3A_504 = vector.shape_cast %broadcast_in_dim3A_5 : vector<16xf32> to vector<1x16xf32>
    tpu.vector_store %arg10[%swap3A_500, %swap3A_501], %swap3A_504 {strides = array<i32>} : memref<16x128xf32, #tpu.memory_space<vmem>>, vector<1x16xf32>,
    %swap3A_505 = arith.constant 10 : i32
    %swap3A_506 = arith.index_cast %swap3A_505 : i32 to index
    %swap3A_507 = arith.constant 48 : index
    %swap3A_508 = tpu.vector_load %arg10[%swap3A_506, %swap3A_507] {strides = array<i32>} : memref<16x128xf32, #tpu.memory_space<vmem>>, vector<1x16xf32>,
    %swap3A_509 = vector.shape_cast %swap3A_508 : vector<1x16xf32> to vector<16xf32>
    %swap3A_510 = vector.shape_cast %broadcast_in_dim3A_5 : vector<16xf32> to vector<1x16xf32>
    tpu.vector_store %arg10[%swap3A_506, %swap3A_507], %swap3A_510 {strides = array<i32>} : memref<16x128xf32, #tpu.memory_space<vmem>>, vector<1x16xf32>,
    %swap3A_511 = arith.constant 10 : i32
    %swap3A_512 = arith.index_cast %swap3A_511 : i32 to index
    %swap3A_513 = arith.constant 64 : index
    %swap3A_514 = tpu.vector_load %arg10[%swap3A_512, %swap3A_513] {strides = array<i32>} : memref<16x128xf32, #tpu.memory_space<vmem>>, vector<1x16xf32>,
    %swap3A_515 = vector.shape_cast %swap3A_514 : vector<1x16xf32> to vector<16xf32>
    %swap3A_516 = vector.shape_cast %broadcast_in_dim3A_5 : vector<16xf32> to vector<1x16xf32>
    tpu.vector_store %arg10[%swap3A_512, %swap3A_513], %swap3A_516 {strides = array<i32>} : memref<16x128xf32, #tpu.memory_space<vmem>>, vector<1x16xf32>,
    %swap3A_517 = arith.constant 10 : i32
    %swap3A_518 = arith.index_cast %swap3A_517 : i32 to index
    %swap3A_519 = arith.constant 80 : index
    %swap3A_520 = tpu.vector_load %arg10[%swap3A_518, %swap3A_519] {strides = array<i32>} : memref<16x128xf32, #tpu.memory_space<vmem>>, vector<1x16xf32>,
    %swap3A_521 = vector.shape_cast %swap3A_520 : vector<1x16xf32> to vector<16xf32>
    %swap3A_522 = vector.shape_cast %broadcast_in_dim3A_5 : vector<16xf32> to vector<1x16xf32>
    tpu.vector_store %arg10[%swap3A_518, %swap3A_519], %swap3A_522 {strides = array<i32>} : memref<16x128xf32, #tpu.memory_space<vmem>>, vector<1x16xf32>,
    %swap3A_523 = arith.constant 10 : i32
    %swap3A_524 = arith.index_cast %swap3A_523 : i32 to index
    %swap3A_525 = arith.constant 96 : index
    %swap3A_526 = tpu.vector_load %arg10[%swap3A_524, %swap3A_525] {strides = array<i32>} : memref<16x128xf32, #tpu.memory_space<vmem>>, vector<1x16xf32>,
    %swap3A_527 = vector.shape_cast %swap3A_526 : vector<1x16xf32> to vector<16xf32>
    %swap3A_528 = vector.shape_cast %broadcast_in_dim3A_5 : vector<16xf32> to vector<1x16xf32>
    tpu.vector_store %arg10[%swap3A_524, %swap3A_525], %swap3A_528 {strides = array<i32>} : memref<16x128xf32, #tpu.memory_space<vmem>>, vector<1x16xf32>,
    %swap3A_529 = arith.constant 10 : i32
    %swap3A_530 = arith.index_cast %swap3A_529 : i32 to index
    %swap3A_531 = arith.constant 112 : index
    %swap3A_532 = tpu.vector_load %arg10[%swap3A_530, %swap3A_531] {strides = array<i32>} : memref<16x128xf32, #tpu.memory_space<vmem>>, vector<1x16xf32>,
    %swap3A_533 = vector.shape_cast %swap3A_532 : vector<1x16xf32> to vector<16xf32>
    %swap3A_534 = vector.shape_cast %broadcast_in_dim3A_5 : vector<16xf32> to vector<1x16xf32>
    tpu.vector_store %arg10[%swap3A_530, %swap3A_531], %swap3A_534 {strides = array<i32>} : memref<16x128xf32, #tpu.memory_space<vmem>>, vector<1x16xf32>,
    %swap3A_535 = arith.constant 11 : i32
    %swap3A_536 = arith.index_cast %swap3A_535 : i32 to index
    %swap3A_537 = arith.constant 0 : index
    %swap3A_538 = tpu.vector_load %arg10[%swap3A_536, %swap3A_537] {strides = array<i32>} : memref<16x128xf32, #tpu.memory_space<vmem>>, vector<1x16xf32>,
    %swap3A_539 = vector.shape_cast %swap3A_538 : vector<1x16xf32> to vector<16xf32>
    %swap3A_540 = vector.shape_cast %broadcast_in_dim3A_5 : vector<16xf32> to vector<1x16xf32>
    tpu.vector_store %arg10[%swap3A_536, %swap3A_537], %swap3A_540 {strides = array<i32>} : memref<16x128xf32, #tpu.memory_space<vmem>>, vector<1x16xf32>,
    %swap3A_541 = arith.constant 11 : i32
    %swap3A_542 = arith.index_cast %swap3A_541 : i32 to index
    %swap3A_543 = arith.constant 16 : index
    %swap3A_544 = tpu.vector_load %arg10[%swap3A_542, %swap3A_543] {strides = array<i32>} : memref<16x128xf32, #tpu.memory_space<vmem>>, vector<1x16xf32>,
    %swap3A_545 = vector.shape_cast %swap3A_544 : vector<1x16xf32> to vector<16xf32>
    %swap3A_546 = vector.shape_cast %broadcast_in_dim3A_5 : vector<16xf32> to vector<1x16xf32>
    tpu.vector_store %arg10[%swap3A_542, %swap3A_543], %swap3A_546 {strides = array<i32>} : memref<16x128xf32, #tpu.memory_space<vmem>>, vector<1x16xf32>,
    %swap3A_547 = arith.constant 11 : i32
    %swap3A_548 = arith.index_cast %swap3A_547 : i32 to index
    %swap3A_549 = arith.constant 32 : index
    %swap3A_550 = tpu.vector_load %arg10[%swap3A_548, %swap3A_549] {strides = array<i32>} : memref<16x128xf32, #tpu.memory_space<vmem>>, vector<1x16xf32>,
    %swap3A_551 = vector.shape_cast %swap3A_550 : vector<1x16xf32> to vector<16xf32>
    %swap3A_552 = vector.shape_cast %broadcast_in_dim3A_5 : vector<16xf32> to vector<1x16xf32>
    tpu.vector_store %arg10[%swap3A_548, %swap3A_549], %swap3A_552 {strides = array<i32>} : memref<16x128xf32, #tpu.memory_space<vmem>>, vector<1x16xf32>,
    %swap3A_553 = arith.constant 11 : i32
    %swap3A_554 = arith.index_cast %swap3A_553 : i32 to index
    %swap3A_555 = arith.constant 48 : index
    %swap3A_556 = tpu.vector_load %arg10[%swap3A_554, %swap3A_555] {strides = array<i32>} : memref<16x128xf32, #tpu.memory_space<vmem>>, vector<1x16xf32>,
    %swap3A_557 = vector.shape_cast %swap3A_556 : vector<1x16xf32> to vector<16xf32>
    %swap3A_558 = vector.shape_cast %broadcast_in_dim3A_5 : vector<16xf32> to vector<1x16xf32>
    tpu.vector_store %arg10[%swap3A_554, %swap3A_555], %swap3A_558 {strides = array<i32>} : memref<16x128xf32, #tpu.memory_space<vmem>>, vector<1x16xf32>,
    %swap3A_559 = arith.constant 11 : i32
    %swap3A_560 = arith.index_cast %swap3A_559 : i32 to index
    %swap3A_561 = arith.constant 64 : index
    %swap3A_562 = tpu.vector_load %arg10[%swap3A_560, %swap3A_561] {strides = array<i32>} : memref<16x128xf32, #tpu.memory_space<vmem>>, vector<1x16xf32>,
    %swap3A_563 = vector.shape_cast %swap3A_562 : vector<1x16xf32> to vector<16xf32>
    %swap3A_564 = vector.shape_cast %broadcast_in_dim3A_5 : vector<16xf32> to vector<1x16xf32>
    tpu.vector_store %arg10[%swap3A_560, %swap3A_561], %swap3A_564 {strides = array<i32>} : memref<16x128xf32, #tpu.memory_space<vmem>>, vector<1x16xf32>,
    %swap3A_565 = arith.constant 11 : i32
    %swap3A_566 = arith.index_cast %swap3A_565 : i32 to index
    %swap3A_567 = arith.constant 80 : index
    %swap3A_568 = tpu.vector_load %arg10[%swap3A_566, %swap3A_567] {strides = array<i32>} : memref<16x128xf32, #tpu.memory_space<vmem>>, vector<1x16xf32>,
    %swap3A_569 = vector.shape_cast %swap3A_568 : vector<1x16xf32> to vector<16xf32>
    %swap3A_570 = vector.shape_cast %broadcast_in_dim3A_5 : vector<16xf32> to vector<1x16xf32>
    tpu.vector_store %arg10[%swap3A_566, %swap3A_567], %swap3A_570 {strides = array<i32>} : memref<16x128xf32, #tpu.memory_space<vmem>>, vector<1x16xf32>,
    %swap3A_571 = arith.constant 11 : i32
    %swap3A_572 = arith.index_cast %swap3A_571 : i32 to index
    %swap3A_573 = arith.constant 96 : index
    %swap3A_574 = tpu.vector_load %arg10[%swap3A_572, %swap3A_573] {strides = array<i32>} : memref<16x128xf32, #tpu.memory_space<vmem>>, vector<1x16xf32>,
    %swap3A_575 = vector.shape_cast %swap3A_574 : vector<1x16xf32> to vector<16xf32>
    %swap3A_576 = vector.shape_cast %broadcast_in_dim3A_5 : vector<16xf32> to vector<1x16xf32>
    tpu.vector_store %arg10[%swap3A_572, %swap3A_573], %swap3A_576 {strides = array<i32>} : memref<16x128xf32, #tpu.memory_space<vmem>>, vector<1x16xf32>,
    %swap3A_577 = arith.constant 11 : i32
    %swap3A_578 = arith.index_cast %swap3A_577 : i32 to index
    %swap3A_579 = arith.constant 112 : index
    %swap3A_580 = tpu.vector_load %arg10[%swap3A_578, %swap3A_579] {strides = array<i32>} : memref<16x128xf32, #tpu.memory_space<vmem>>, vector<1x16xf32>,
    %swap3A_581 = vector.shape_cast %swap3A_580 : vector<1x16xf32> to vector<16xf32>
    %swap3A_582 = vector.shape_cast %broadcast_in_dim3A_5 : vector<16xf32> to vector<1x16xf32>
    tpu.vector_store %arg10[%swap3A_578, %swap3A_579], %swap3A_582 {strides = array<i32>} : memref<16x128xf32, #tpu.memory_space<vmem>>, vector<1x16xf32>,
    %swap3A_583 = arith.constant 12 : i32
    %swap3A_584 = arith.index_cast %swap3A_583 : i32 to index
    %swap3A_585 = arith.constant 0 : index
    %swap3A_586 = tpu.vector_load %arg10[%swap3A_584, %swap3A_585] {strides = array<i32>} : memref<16x128xf32, #tpu.memory_space<vmem>>, vector<1x16xf32>,
    %swap3A_587 = vector.shape_cast %swap3A_586 : vector<1x16xf32> to vector<16xf32>
    %swap3A_588 = vector.shape_cast %broadcast_in_dim3A_5 : vector<16xf32> to vector<1x16xf32>
    tpu.vector_store %arg10[%swap3A_584, %swap3A_585], %swap3A_588 {strides = array<i32>} : memref<16x128xf32, #tpu.memory_space<vmem>>, vector<1x16xf32>,
    %swap3A_589 = arith.constant 12 : i32
    %swap3A_590 = arith.index_cast %swap3A_589 : i32 to index
    %swap3A_591 = arith.constant 16 : index
    %swap3A_592 = tpu.vector_load %arg10[%swap3A_590, %swap3A_591] {strides = array<i32>} : memref<16x128xf32, #tpu.memory_space<vmem>>, vector<1x16xf32>,
    %swap3A_593 = vector.shape_cast %swap3A_592 : vector<1x16xf32> to vector<16xf32>
    %swap3A_594 = vector.shape_cast %broadcast_in_dim3A_5 : vector<16xf32> to vector<1x16xf32>
    tpu.vector_store %arg10[%swap3A_590, %swap3A_591], %swap3A_594 {strides = array<i32>} : memref<16x128xf32, #tpu.memory_space<vmem>>, vector<1x16xf32>,
    %swap3A_595 = arith.constant 12 : i32
    %swap3A_596 = arith.index_cast %swap3A_595 : i32 to index
    %swap3A_597 = arith.constant 32 : index
    %swap3A_598 = tpu.vector_load %arg10[%swap3A_596, %swap3A_597] {strides = array<i32>} : memref<16x128xf32, #tpu.memory_space<vmem>>, vector<1x16xf32>,
    %swap3A_599 = vector.shape_cast %swap3A_598 : vector<1x16xf32> to vector<16xf32>
    %swap3A_600 = vector.shape_cast %broadcast_in_dim3A_5 : vector<16xf32> to vector<1x16xf32>
    tpu.vector_store %arg10[%swap3A_596, %swap3A_597], %swap3A_600 {strides = array<i32>} : memref<16x128xf32, #tpu.memory_space<vmem>>, vector<1x16xf32>,
    %swap3A_601 = arith.constant 12 : i32
    %swap3A_602 = arith.index_cast %swap3A_601 : i32 to index
    %swap3A_603 = arith.constant 48 : index
    %swap3A_604 = tpu.vector_load %arg10[%swap3A_602, %swap3A_603] {strides = array<i32>} : memref<16x128xf32, #tpu.memory_space<vmem>>, vector<1x16xf32>,
    %swap3A_605 = vector.shape_cast %swap3A_604 : vector<1x16xf32> to vector<16xf32>
    %swap3A_606 = vector.shape_cast %broadcast_in_dim3A_5 : vector<16xf32> to vector<1x16xf32>
    tpu.vector_store %arg10[%swap3A_602, %swap3A_603], %swap3A_606 {strides = array<i32>} : memref<16x128xf32, #tpu.memory_space<vmem>>, vector<1x16xf32>,
    %swap3A_607 = arith.constant 12 : i32
    %swap3A_608 = arith.index_cast %swap3A_607 : i32 to index
    %swap3A_609 = arith.constant 64 : index
    %swap3A_610 = tpu.vector_load %arg10[%swap3A_608, %swap3A_609] {strides = array<i32>} : memref<16x128xf32, #tpu.memory_space<vmem>>, vector<1x16xf32>,
    %swap3A_611 = vector.shape_cast %swap3A_610 : vector<1x16xf32> to vector<16xf32>
    %swap3A_612 = vector.shape_cast %broadcast_in_dim3A_5 : vector<16xf32> to vector<1x16xf32>
    tpu.vector_store %arg10[%swap3A_608, %swap3A_609], %swap3A_612 {strides = array<i32>} : memref<16x128xf32, #tpu.memory_space<vmem>>, vector<1x16xf32>,
    %swap3A_613 = arith.constant 12 : i32
    %swap3A_614 = arith.index_cast %swap3A_613 : i32 to index
    %swap3A_615 = arith.constant 80 : index
    %swap3A_616 = tpu.vector_load %arg10[%swap3A_614, %swap3A_615] {strides = array<i32>} : memref<16x128xf32, #tpu.memory_space<vmem>>, vector<1x16xf32>,
    %swap3A_617 = vector.shape_cast %swap3A_616 : vector<1x16xf32> to vector<16xf32>
    %swap3A_618 = vector.shape_cast %broadcast_in_dim3A_5 : vector<16xf32> to vector<1x16xf32>
    tpu.vector_store %arg10[%swap3A_614, %swap3A_615], %swap3A_618 {strides = array<i32>} : memref<16x128xf32, #tpu.memory_space<vmem>>, vector<1x16xf32>,
    %swap3A_619 = arith.constant 12 : i32
    %swap3A_620 = arith.index_cast %swap3A_619 : i32 to index
    %swap3A_621 = arith.constant 96 : index
    %swap3A_622 = tpu.vector_load %arg10[%swap3A_620, %swap3A_621] {strides = array<i32>} : memref<16x128xf32, #tpu.memory_space<vmem>>, vector<1x16xf32>,
    %swap3A_623 = vector.shape_cast %swap3A_622 : vector<1x16xf32> to vector<16xf32>
    %swap3A_624 = vector.shape_cast %broadcast_in_dim3A_5 : vector<16xf32> to vector<1x16xf32>
    tpu.vector_store %arg10[%swap3A_620, %swap3A_621], %swap3A_624 {strides = array<i32>} : memref<16x128xf32, #tpu.memory_space<vmem>>, vector<1x16xf32>,
    %swap3A_625 = arith.constant 12 : i32
    %swap3A_626 = arith.index_cast %swap3A_625 : i32 to index
    %swap3A_627 = arith.constant 112 : index
    %swap3A_628 = tpu.vector_load %arg10[%swap3A_626, %swap3A_627] {strides = array<i32>} : memref<16x128xf32, #tpu.memory_space<vmem>>, vector<1x16xf32>,
    %swap3A_629 = vector.shape_cast %swap3A_628 : vector<1x16xf32> to vector<16xf32>
    %swap3A_630 = vector.shape_cast %broadcast_in_dim3A_5 : vector<16xf32> to vector<1x16xf32>
    tpu.vector_store %arg10[%swap3A_626, %swap3A_627], %swap3A_630 {strides = array<i32>} : memref<16x128xf32, #tpu.memory_space<vmem>>, vector<1x16xf32>,
    %swap3A_631 = arith.constant 13 : i32
    %swap3A_632 = arith.index_cast %swap3A_631 : i32 to index
    %swap3A_633 = arith.constant 0 : index
    %swap3A_634 = tpu.vector_load %arg10[%swap3A_632, %swap3A_633] {strides = array<i32>} : memref<16x128xf32, #tpu.memory_space<vmem>>, vector<1x16xf32>,
    %swap3A_635 = vector.shape_cast %swap3A_634 : vector<1x16xf32> to vector<16xf32>
    %swap3A_636 = vector.shape_cast %broadcast_in_dim3A_5 : vector<16xf32> to vector<1x16xf32>
    tpu.vector_store %arg10[%swap3A_632, %swap3A_633], %swap3A_636 {strides = array<i32>} : memref<16x128xf32, #tpu.memory_space<vmem>>, vector<1x16xf32>,
    %swap3A_637 = arith.constant 13 : i32
    %swap3A_638 = arith.index_cast %swap3A_637 : i32 to index
    %swap3A_639 = arith.constant 16 : index
    %swap3A_640 = tpu.vector_load %arg10[%swap3A_638, %swap3A_639] {strides = array<i32>} : memref<16x128xf32, #tpu.memory_space<vmem>>, vector<1x16xf32>,
    %swap3A_641 = vector.shape_cast %swap3A_640 : vector<1x16xf32> to vector<16xf32>
    %swap3A_642 = vector.shape_cast %broadcast_in_dim3A_5 : vector<16xf32> to vector<1x16xf32>
    tpu.vector_store %arg10[%swap3A_638, %swap3A_639], %swap3A_642 {strides = array<i32>} : memref<16x128xf32, #tpu.memory_space<vmem>>, vector<1x16xf32>,
    %swap3A_643 = arith.constant 13 : i32
    %swap3A_644 = arith.index_cast %swap3A_643 : i32 to index
    %swap3A_645 = arith.constant 32 : index
    %swap3A_646 = tpu.vector_load %arg10[%swap3A_644, %swap3A_645] {strides = array<i32>} : memref<16x128xf32, #tpu.memory_space<vmem>>, vector<1x16xf32>,
    %swap3A_647 = vector.shape_cast %swap3A_646 : vector<1x16xf32> to vector<16xf32>
    %swap3A_648 = vector.shape_cast %broadcast_in_dim3A_5 : vector<16xf32> to vector<1x16xf32>
    tpu.vector_store %arg10[%swap3A_644, %swap3A_645], %swap3A_648 {strides = array<i32>} : memref<16x128xf32, #tpu.memory_space<vmem>>, vector<1x16xf32>,
    %swap3A_649 = arith.constant 13 : i32
    %swap3A_650 = arith.index_cast %swap3A_649 : i32 to index
    %swap3A_651 = arith.constant 48 : index
    %swap3A_652 = tpu.vector_load %arg10[%swap3A_650, %swap3A_651] {strides = array<i32>} : memref<16x128xf32, #tpu.memory_space<vmem>>, vector<1x16xf32>,
    %swap3A_653 = vector.shape_cast %swap3A_652 : vector<1x16xf32> to vector<16xf32>
    %swap3A_654 = vector.shape_cast %broadcast_in_dim3A_5 : vector<16xf32> to vector<1x16xf32>
    tpu.vector_store %arg10[%swap3A_650, %swap3A_651], %swap3A_654 {strides = array<i32>} : memref<16x128xf32, #tpu.memory_space<vmem>>, vector<1x16xf32>,
    %swap3A_655 = arith.constant 13 : i32
    %swap3A_656 = arith.index_cast %swap3A_655 : i32 to index
    %swap3A_657 = arith.constant 64 : index
    %swap3A_658 = tpu.vector_load %arg10[%swap3A_656, %swap3A_657] {strides = array<i32>} : memref<16x128xf32, #tpu.memory_space<vmem>>, vector<1x16xf32>,
    %swap3A_659 = vector.shape_cast %swap3A_658 : vector<1x16xf32> to vector<16xf32>
    %swap3A_660 = vector.shape_cast %broadcast_in_dim3A_5 : vector<16xf32> to vector<1x16xf32>
    tpu.vector_store %arg10[%swap3A_656, %swap3A_657], %swap3A_660 {strides = array<i32>} : memref<16x128xf32, #tpu.memory_space<vmem>>, vector<1x16xf32>,
    %swap3A_661 = arith.constant 13 : i32
    %swap3A_662 = arith.index_cast %swap3A_661 : i32 to index
    %swap3A_663 = arith.constant 80 : index
    %swap3A_664 = tpu.vector_load %arg10[%swap3A_662, %swap3A_663] {strides = array<i32>} : memref<16x128xf32, #tpu.memory_space<vmem>>, vector<1x16xf32>,
    %swap3A_665 = vector.shape_cast %swap3A_664 : vector<1x16xf32> to vector<16xf32>
    %swap3A_666 = vector.shape_cast %broadcast_in_dim3A_5 : vector<16xf32> to vector<1x16xf32>
    tpu.vector_store %arg10[%swap3A_662, %swap3A_663], %swap3A_666 {strides = array<i32>} : memref<16x128xf32, #tpu.memory_space<vmem>>, vector<1x16xf32>,
    %swap3A_667 = arith.constant 13 : i32
    %swap3A_668 = arith.index_cast %swap3A_667 : i32 to index
    %swap3A_669 = arith.constant 96 : index
    %swap3A_670 = tpu.vector_load %arg10[%swap3A_668, %swap3A_669] {strides = array<i32>} : memref<16x128xf32, #tpu.memory_space<vmem>>, vector<1x16xf32>,
    %swap3A_671 = vector.shape_cast %swap3A_670 : vector<1x16xf32> to vector<16xf32>
    %swap3A_672 = vector.shape_cast %broadcast_in_dim3A_5 : vector<16xf32> to vector<1x16xf32>
    tpu.vector_store %arg10[%swap3A_668, %swap3A_669], %swap3A_672 {strides = array<i32>} : memref<16x128xf32, #tpu.memory_space<vmem>>, vector<1x16xf32>,
    %swap3A_673 = arith.constant 13 : i32
    %swap3A_674 = arith.index_cast %swap3A_673 : i32 to index
    %swap3A_675 = arith.constant 112 : index
    %swap3A_676 = tpu.vector_load %arg10[%swap3A_674, %swap3A_675] {strides = array<i32>} : memref<16x128xf32, #tpu.memory_space<vmem>>, vector<1x16xf32>,
    %swap3A_677 = vector.shape_cast %swap3A_676 : vector<1x16xf32> to vector<16xf32>
    %swap3A_678 = vector.shape_cast %broadcast_in_dim3A_5 : vector<16xf32> to vector<1x16xf32>
    tpu.vector_store %arg10[%swap3A_674, %swap3A_675], %swap3A_678 {strides = array<i32>} : memref<16x128xf32, #tpu.memory_space<vmem>>, vector<1x16xf32>,
    %swap3A_679 = arith.constant 14 : i32
    %swap3A_680 = arith.index_cast %swap3A_679 : i32 to index
    %swap3A_681 = arith.constant 0 : index
    %swap3A_682 = tpu.vector_load %arg10[%swap3A_680, %swap3A_681] {strides = array<i32>} : memref<16x128xf32, #tpu.memory_space<vmem>>, vector<1x16xf32>,
    %swap3A_683 = vector.shape_cast %swap3A_682 : vector<1x16xf32> to vector<16xf32>
    %swap3A_684 = vector.shape_cast %broadcast_in_dim3A_5 : vector<16xf32> to vector<1x16xf32>
    tpu.vector_store %arg10[%swap3A_680, %swap3A_681], %swap3A_684 {strides = array<i32>} : memref<16x128xf32, #tpu.memory_space<vmem>>, vector<1x16xf32>,
    %swap3A_685 = arith.constant 14 : i32
    %swap3A_686 = arith.index_cast %swap3A_685 : i32 to index
    %swap3A_687 = arith.constant 16 : index
    %swap3A_688 = tpu.vector_load %arg10[%swap3A_686, %swap3A_687] {strides = array<i32>} : memref<16x128xf32, #tpu.memory_space<vmem>>, vector<1x16xf32>,
    %swap3A_689 = vector.shape_cast %swap3A_688 : vector<1x16xf32> to vector<16xf32>
    %swap3A_690 = vector.shape_cast %broadcast_in_dim3A_5 : vector<16xf32> to vector<1x16xf32>
    tpu.vector_store %arg10[%swap3A_686, %swap3A_687], %swap3A_690 {strides = array<i32>} : memref<16x128xf32, #tpu.memory_space<vmem>>, vector<1x16xf32>,
    %swap3A_691 = arith.constant 14 : i32
    %swap3A_692 = arith.index_cast %swap3A_691 : i32 to index
    %swap3A_693 = arith.constant 32 : index
    %swap3A_694 = tpu.vector_load %arg10[%swap3A_692, %swap3A_693] {strides = array<i32>} : memref<16x128xf32, #tpu.memory_space<vmem>>, vector<1x16xf32>,
    %swap3A_695 = vector.shape_cast %swap3A_694 : vector<1x16xf32> to vector<16xf32>
    %swap3A_696 = vector.shape_cast %broadcast_in_dim3A_5 : vector<16xf32> to vector<1x16xf32>
    tpu.vector_store %arg10[%swap3A_692, %swap3A_693], %swap3A_696 {strides = array<i32>} : memref<16x128xf32, #tpu.memory_space<vmem>>, vector<1x16xf32>,
    %swap3A_697 = arith.constant 14 : i32
    %swap3A_698 = arith.index_cast %swap3A_697 : i32 to index
    %swap3A_699 = arith.constant 48 : index
    %swap3A_700 = tpu.vector_load %arg10[%swap3A_698, %swap3A_699] {strides = array<i32>} : memref<16x128xf32, #tpu.memory_space<vmem>>, vector<1x16xf32>,
    %swap3A_701 = vector.shape_cast %swap3A_700 : vector<1x16xf32> to vector<16xf32>
    %swap3A_702 = vector.shape_cast %broadcast_in_dim3A_5 : vector<16xf32> to vector<1x16xf32>
    tpu.vector_store %arg10[%swap3A_698, %swap3A_699], %swap3A_702 {strides = array<i32>} : memref<16x128xf32, #tpu.memory_space<vmem>>, vector<1x16xf32>,
    %swap3A_703 = arith.constant 14 : i32
    %swap3A_704 = arith.index_cast %swap3A_703 : i32 to index
    %swap3A_705 = arith.constant 64 : index
    %swap3A_706 = tpu.vector_load %arg10[%swap3A_704, %swap3A_705] {strides = array<i32>} : memref<16x128xf32, #tpu.memory_space<vmem>>, vector<1x16xf32>,
    %swap3A_707 = vector.shape_cast %swap3A_706 : vector<1x16xf32> to vector<16xf32>
    %swap3A_708 = vector.shape_cast %broadcast_in_dim3A_5 : vector<16xf32> to vector<1x16xf32>
    tpu.vector_store %arg10[%swap3A_704, %swap3A_705], %swap3A_708 {strides = array<i32>} : memref<16x128xf32, #tpu.memory_space<vmem>>, vector<1x16xf32>,
    %swap3A_709 = arith.constant 14 : i32
    %swap3A_710 = arith.index_cast %swap3A_709 : i32 to index
    %swap3A_711 = arith.constant 80 : index
    %swap3A_712 = tpu.vector_load %arg10[%swap3A_710, %swap3A_711] {strides = array<i32>} : memref<16x128xf32, #tpu.memory_space<vmem>>, vector<1x16xf32>,
    %swap3A_713 = vector.shape_cast %swap3A_712 : vector<1x16xf32> to vector<16xf32>
    %swap3A_714 = vector.shape_cast %broadcast_in_dim3A_5 : vector<16xf32> to vector<1x16xf32>
    tpu.vector_store %arg10[%swap3A_710, %swap3A_711], %swap3A_714 {strides = array<i32>} : memref<16x128xf32, #tpu.memory_space<vmem>>, vector<1x16xf32>,
    %swap3A_715 = arith.constant 14 : i32
    %swap3A_716 = arith.index_cast %swap3A_715 : i32 to index
    %swap3A_717 = arith.constant 96 : index
    %swap3A_718 = tpu.vector_load %arg10[%swap3A_716, %swap3A_717] {strides = array<i32>} : memref<16x128xf32, #tpu.memory_space<vmem>>, vector<1x16xf32>,
    %swap3A_719 = vector.shape_cast %swap3A_718 : vector<1x16xf32> to vector<16xf32>
    %swap3A_720 = vector.shape_cast %broadcast_in_dim3A_5 : vector<16xf32> to vector<1x16xf32>
    tpu.vector_store %arg10[%swap3A_716, %swap3A_717], %swap3A_720 {strides = array<i32>} : memref<16x128xf32, #tpu.memory_space<vmem>>, vector<1x16xf32>,
    %swap3A_721 = arith.constant 14 : i32
    %swap3A_722 = arith.index_cast %swap3A_721 : i32 to index
    %swap3A_723 = arith.constant 112 : index
    %swap3A_724 = tpu.vector_load %arg10[%swap3A_722, %swap3A_723] {strides = array<i32>} : memref<16x128xf32, #tpu.memory_space<vmem>>, vector<1x16xf32>,
    %swap3A_725 = vector.shape_cast %swap3A_724 : vector<1x16xf32> to vector<16xf32>
    %swap3A_726 = vector.shape_cast %broadcast_in_dim3A_5 : vector<16xf32> to vector<1x16xf32>
    tpu.vector_store %arg10[%swap3A_722, %swap3A_723], %swap3A_726 {strides = array<i32>} : memref<16x128xf32, #tpu.memory_space<vmem>>, vector<1x16xf32>,
    %swap3A_727 = arith.constant 15 : i32
    %swap3A_728 = arith.index_cast %swap3A_727 : i32 to index
    %swap3A_729 = arith.constant 0 : index
    %swap3A_730 = tpu.vector_load %arg10[%swap3A_728, %swap3A_729] {strides = array<i32>} : memref<16x128xf32, #tpu.memory_space<vmem>>, vector<1x16xf32>,
    %swap3A_731 = vector.shape_cast %swap3A_730 : vector<1x16xf32> to vector<16xf32>
    %swap3A_732 = vector.shape_cast %broadcast_in_dim3A_5 : vector<16xf32> to vector<1x16xf32>
    tpu.vector_store %arg10[%swap3A_728, %swap3A_729], %swap3A_732 {strides = array<i32>} : memref<16x128xf32, #tpu.memory_space<vmem>>, vector<1x16xf32>,
    %swap3A_733 = arith.constant 15 : i32
    %swap3A_734 = arith.index_cast %swap3A_733 : i32 to index
    %swap3A_735 = arith.constant 16 : index
    %swap3A_736 = tpu.vector_load %arg10[%swap3A_734, %swap3A_735] {strides = array<i32>} : memref<16x128xf32, #tpu.memory_space<vmem>>, vector<1x16xf32>,
    %swap3A_737 = vector.shape_cast %swap3A_736 : vector<1x16xf32> to vector<16xf32>
    %swap3A_738 = vector.shape_cast %broadcast_in_dim3A_5 : vector<16xf32> to vector<1x16xf32>
    tpu.vector_store %arg10[%swap3A_734, %swap3A_735], %swap3A_738 {strides = array<i32>} : memref<16x128xf32, #tpu.memory_space<vmem>>, vector<1x16xf32>,
    %swap3A_739 = arith.constant 15 : i32
    %swap3A_740 = arith.index_cast %swap3A_739 : i32 to index
    %swap3A_741 = arith.constant 32 : index
    %swap3A_742 = tpu.vector_load %arg10[%swap3A_740, %swap3A_741] {strides = array<i32>} : memref<16x128xf32, #tpu.memory_space<vmem>>, vector<1x16xf32>,
    %swap3A_743 = vector.shape_cast %swap3A_742 : vector<1x16xf32> to vector<16xf32>
    %swap3A_744 = vector.shape_cast %broadcast_in_dim3A_5 : vector<16xf32> to vector<1x16xf32>
    tpu.vector_store %arg10[%swap3A_740, %swap3A_741], %swap3A_744 {strides = array<i32>} : memref<16x128xf32, #tpu.memory_space<vmem>>, vector<1x16xf32>,
    %swap3A_745 = arith.constant 15 : i32
    %swap3A_746 = arith.index_cast %swap3A_745 : i32 to index
    %swap3A_747 = arith.constant 48 : index
    %swap3A_748 = tpu.vector_load %arg10[%swap3A_746, %swap3A_747] {strides = array<i32>} : memref<16x128xf32, #tpu.memory_space<vmem>>, vector<1x16xf32>,
    %swap3A_749 = vector.shape_cast %swap3A_748 : vector<1x16xf32> to vector<16xf32>
    %swap3A_750 = vector.shape_cast %broadcast_in_dim3A_5 : vector<16xf32> to vector<1x16xf32>
    tpu.vector_store %arg10[%swap3A_746, %swap3A_747], %swap3A_750 {strides = array<i32>} : memref<16x128xf32, #tpu.memory_space<vmem>>, vector<1x16xf32>,
    %swap3A_751 = arith.constant 15 : i32
    %swap3A_752 = arith.index_cast %swap3A_751 : i32 to index
    %swap3A_753 = arith.constant 64 : index
    %swap3A_754 = tpu.vector_load %arg10[%swap3A_752, %swap3A_753] {strides = array<i32>} : memref<16x128xf32, #tpu.memory_space<vmem>>, vector<1x16xf32>,
    %swap3A_755 = vector.shape_cast %swap3A_754 : vector<1x16xf32> to vector<16xf32>
    %swap3A_756 = vector.shape_cast %broadcast_in_dim3A_5 : vector<16xf32> to vector<1x16xf32>
    tpu.vector_store %arg10[%swap3A_752, %swap3A_753], %swap3A_756 {strides = array<i32>} : memref<16x128xf32, #tpu.memory_space<vmem>>, vector<1x16xf32>,
    %swap3A_757 = arith.constant 15 : i32
    %swap3A_758 = arith.index_cast %swap3A_757 : i32 to index
    %swap3A_759 = arith.constant 80 : index
    %swap3A_760 = tpu.vector_load %arg10[%swap3A_758, %swap3A_759] {strides = array<i32>} : memref<16x128xf32, #tpu.memory_space<vmem>>, vector<1x16xf32>,
    %swap3A_761 = vector.shape_cast %swap3A_760 : vector<1x16xf32> to vector<16xf32>
    %swap3A_762 = vector.shape_cast %broadcast_in_dim3A_5 : vector<16xf32> to vector<1x16xf32>
    tpu.vector_store %arg10[%swap3A_758, %swap3A_759], %swap3A_762 {strides = array<i32>} : memref<16x128xf32, #tpu.memory_space<vmem>>, vector<1x16xf32>,
    %swap3A_763 = arith.constant 15 : i32
    %swap3A_764 = arith.index_cast %swap3A_763 : i32 to index
    %swap3A_765 = arith.constant 96 : index
    %swap3A_766 = tpu.vector_load %arg10[%swap3A_764, %swap3A_765] {strides = array<i32>} : memref<16x128xf32, #tpu.memory_space<vmem>>, vector<1x16xf32>,
    %swap3A_767 = vector.shape_cast %swap3A_766 : vector<1x16xf32> to vector<16xf32>
    %swap3A_768 = vector.shape_cast %broadcast_in_dim3A_5 : vector<16xf32> to vector<1x16xf32>
    tpu.vector_store %arg10[%swap3A_764, %swap3A_765], %swap3A_768 {strides = array<i32>} : memref<16x128xf32, #tpu.memory_space<vmem>>, vector<1x16xf32>,
    %swap3A_769 = arith.constant 15 : i32
    %swap3A_770 = arith.index_cast %swap3A_769 : i32 to index
    %swap3A_771 = arith.constant 112 : index
    %swap3A_772 = tpu.vector_load %arg10[%swap3A_770, %swap3A_771] {strides = array<i32>} : memref<16x128xf32, #tpu.memory_space<vmem>>, vector<1x16xf32>,
    %swap3A_773 = vector.shape_cast %swap3A_772 : vector<1x16xf32> to vector<16xf32>
    %swap3A_774 = vector.shape_cast %broadcast_in_dim3A_5 : vector<16xf32> to vector<1x16xf32>
    tpu.vector_store %arg10[%swap3A_770, %swap3A_771], %swap3A_774 {strides = array<i32>} : memref<16x128xf32, #tpu.memory_space<vmem>>, vector<1x16xf32>,
    %scan3A = arith.constant 0 : i32
    %scan3A_775 = arith.constant 40 : i32
    %scan3A_776 = arith.addi %scan3A, %scan3A_775 : i32
    %scan3A_777 = arith.constant 1 : i32
    scf.for %scan3A_785 = %scan3A to %scan3A_776 step %scan3A_777  : i32 {
      %mul3A_786 = arith.constant 1 : i32
      %mul3A_787 = arith.muli %scan3A_785, %mul3A_786 : i32
      %add3A_788 = arith.constant 0 : i32
      %add3A_789 = arith.addi %add3A_788, %mul3A_787 : i32
      %mul3A_790 = arith.constant 16 : i32
      %mul3A_791 = arith.muli %add3A_789, %mul3A_790 : i32
      %add3A_792 = arith.addi %mul3A_4, %mul3A_791 : i32
      "tpu.region"() ({
        %run_scoped3A = tpu.sem_alloc : memref<!tpu.dma_semaphore, #tpu.memory_space<semaphore_mem>>
        %dma_start3A = arith.constant 0 : i32
        %dma_start3A_793 = tpu.memref_slice %arg11[%add3A_792, %dma_start3A] : memref<10240x128xf32, #tpu.memory_space<vmem_shared>> -> memref<16x128xf32, #tpu.memory_space<vmem_shared>>
        %dma_start3A_794 = arith.constant 0 : i32
        %dma_start3A_795 = tpu.memref_slice %arg11[%add3A_792, %dma_start3A_794] : memref<10240x128xf32, #tpu.memory_space<vmem_shared>> -> memref<16x128xf32, #tpu.memory_space<vmem_shared>>
        tpu.enqueue_dma source(%arg10 : memref<16x128xf32, #tpu.memory_space<vmem>>) target(%dma_start3A_795 : memref<16x128xf32, #tpu.memory_space<vmem_shared>>) target_semaphore(%run_scoped3A : memref<!tpu.dma_semaphore, #tpu.memory_space<semaphore_mem>>)
        %dma_wait3A = arith.constant 0 : i32
        %dma_wait3A_796 = tpu.memref_slice %arg11[%add3A_792, %dma_wait3A] : memref<10240x128xf32, #tpu.memory_space<vmem_shared>> -> memref<16x128xf32, #tpu.memory_space<vmem_shared>>
        %dma_wait3A_797 = arith.constant 0 : i32
        %dma_wait3A_798 = tpu.memref_slice %arg11[%add3A_792, %dma_wait3A_797] : memref<10240x128xf32, #tpu.memory_space<vmem_shared>> -> memref<16x128xf32, #tpu.memory_space<vmem_shared>>
        tpu.wait_dma2 semaphore(%run_scoped3A : memref<!tpu.dma_semaphore, #tpu.memory_space<semaphore_mem>>) src(%arg10 : memref<16x128xf32, #tpu.memory_space<vmem>>) dst(%dma_wait3A_798 : memref<16x128xf32, #tpu.memory_space<vmem_shared>>)
        tpu.yield
      }) : () -> ()
    }
    %scan3A_778 = arith.constant 40 : i32
    %barrier3A = arith.constant 0 : index
    tpu.barrier barrier_id(%barrier3A)
    "tpu.trace_stop"() : () -> ()
    "tpu.trace_start"() <{level = 10 : i32, message = "sc_edges"}> : () -> ()
    %scan3A_779 = arith.constant 0 : i32
    %scan3A_780 = arith.constant 80 : i32
    %scan3A_781 = arith.addi %scan3A_779, %scan3A_780 : i32
    %scan3A_782 = arith.constant 1 : i32
    scf.for %scan3A_785 = %scan3A_779 to %scan3A_781 step %scan3A_782  : i32 {
      %mul3A_786 = arith.constant 1 : i32
      %mul3A_787 = arith.muli %scan3A_785, %mul3A_786 : i32
      %add3A_788 = arith.constant 0 : i32
      %add3A_789 = arith.addi %add3A_788, %mul3A_787 : i32
      %mul3A_790 = arith.constant 128 : i32
      %mul3A_791 = arith.muli %add3A_789, %mul3A_790 : i32
      %add3A_792 = arith.addi %mul3A_2, %mul3A_791 : i32
      %run_scoped3A = arith.constant 0 : i32
      "tpu.region"() ({
        %run_scoped3A_820 = tpu.sem_alloc : memref<!tpu.dma_semaphore, #tpu.memory_space<semaphore_mem>>
        %dma_start3A_821 = arith.constant 0 : i32
        %dma_start3A_822 = tpu.memref_slice %arg6[%run_scoped3A, %dma_start3A_821] : memref<4x128xi32, #tpu.memory_space<vmem>> -> memref<1x128xi32, #tpu.memory_space<vmem>>
        %dma_start3A_823 = tpu.memref_squeeze %dma_start3A_822 : memref<1x128xi32, #tpu.memory_space<vmem>> -> memref<128xi32, #tpu.memory_space<vmem>>
        %dma_start3A_824 = tpu.memref_slice %arg3[%add3A_792] : memref<327680xi32, #tpu.memory_space<hbm>> -> memref<128xi32, #tpu.memory_space<hbm>>
        %dma_start3A_825 = arith.constant 0 : i32
        %dma_start3A_826 = tpu.memref_slice %arg6[%run_scoped3A, %dma_start3A_825] : memref<4x128xi32, #tpu.memory_space<vmem>> -> memref<1x128xi32, #tpu.memory_space<vmem>>
        %dma_start3A_827 = tpu.memref_squeeze %dma_start3A_826 : memref<1x128xi32, #tpu.memory_space<vmem>> -> memref<128xi32, #tpu.memory_space<vmem>>
        %dma_start3A_828 = tpu.memref_slice %arg3[%add3A_792] : memref<327680xi32, #tpu.memory_space<hbm>> -> memref<128xi32, #tpu.memory_space<hbm>>
        tpu.enqueue_dma source(%dma_start3A_828 : memref<128xi32, #tpu.memory_space<hbm>>) target(%dma_start3A_827 : memref<128xi32, #tpu.memory_space<vmem>>) target_semaphore(%run_scoped3A_820 : memref<!tpu.dma_semaphore, #tpu.memory_space<semaphore_mem>>)
        %dma_wait3A_829 = arith.constant 0 : i32
        %dma_wait3A_830 = tpu.memref_slice %arg6[%run_scoped3A, %dma_wait3A_829] : memref<4x128xi32, #tpu.memory_space<vmem>> -> memref<1x128xi32, #tpu.memory_space<vmem>>
        %dma_wait3A_831 = tpu.memref_squeeze %dma_wait3A_830 : memref<1x128xi32, #tpu.memory_space<vmem>> -> memref<128xi32, #tpu.memory_space<vmem>>
        %dma_wait3A_832 = tpu.memref_slice %arg3[%add3A_792] : memref<327680xi32, #tpu.memory_space<hbm>> -> memref<128xi32, #tpu.memory_space<hbm>>
        %dma_wait3A_833 = arith.constant 0 : i32
        %dma_wait3A_834 = tpu.memref_slice %arg6[%run_scoped3A, %dma_wait3A_833] : memref<4x128xi32, #tpu.memory_space<vmem>> -> memref<1x128xi32, #tpu.memory_space<vmem>>
        %dma_wait3A_835 = tpu.memref_squeeze %dma_wait3A_834 : memref<1x128xi32, #tpu.memory_space<vmem>> -> memref<128xi32, #tpu.memory_space<vmem>>
        %dma_wait3A_836 = tpu.memref_slice %arg3[%add3A_792] : memref<327680xi32, #tpu.memory_space<hbm>> -> memref<128xi32, #tpu.memory_space<hbm>>
        tpu.wait_dma2 semaphore(%run_scoped3A_820 : memref<!tpu.dma_semaphore, #tpu.memory_space<semaphore_mem>>) src(%dma_wait3A_836 : memref<128xi32, #tpu.memory_space<hbm>>) dst(%dma_wait3A_835 : memref<128xi32, #tpu.memory_space<vmem>>)
        tpu.yield
      }) : () -> ()
      %run_scoped3A_793 = arith.constant 0 : i32
      "tpu.region"() ({
        %run_scoped3A_820 = tpu.sem_alloc : memref<!tpu.dma_semaphore, #tpu.memory_space<semaphore_mem>>
        %dma_start3A_821 = arith.constant 0 : i32
        %dma_start3A_822 = tpu.memref_slice %arg7[%run_scoped3A_793, %dma_start3A_821] : memref<4x128xi32, #tpu.memory_space<vmem>> -> memref<1x128xi32, #tpu.memory_space<vmem>>
        %dma_start3A_823 = tpu.memref_squeeze %dma_start3A_822 : memref<1x128xi32, #tpu.memory_space<vmem>> -> memref<128xi32, #tpu.memory_space<vmem>>
        %dma_start3A_824 = tpu.memref_slice %arg4[%add3A_792] : memref<327680xi32, #tpu.memory_space<hbm>> -> memref<128xi32, #tpu.memory_space<hbm>>
        %dma_start3A_825 = arith.constant 0 : i32
        %dma_start3A_826 = tpu.memref_slice %arg7[%run_scoped3A_793, %dma_start3A_825] : memref<4x128xi32, #tpu.memory_space<vmem>> -> memref<1x128xi32, #tpu.memory_space<vmem>>
        %dma_start3A_827 = tpu.memref_squeeze %dma_start3A_826 : memref<1x128xi32, #tpu.memory_space<vmem>> -> memref<128xi32, #tpu.memory_space<vmem>>
        %dma_start3A_828 = tpu.memref_slice %arg4[%add3A_792] : memref<327680xi32, #tpu.memory_space<hbm>> -> memref<128xi32, #tpu.memory_space<hbm>>
        tpu.enqueue_dma source(%dma_start3A_828 : memref<128xi32, #tpu.memory_space<hbm>>) target(%dma_start3A_827 : memref<128xi32, #tpu.memory_space<vmem>>) target_semaphore(%run_scoped3A_820 : memref<!tpu.dma_semaphore, #tpu.memory_space<semaphore_mem>>)
        %dma_wait3A_829 = arith.constant 0 : i32
        %dma_wait3A_830 = tpu.memref_slice %arg7[%run_scoped3A_793, %dma_wait3A_829] : memref<4x128xi32, #tpu.memory_space<vmem>> -> memref<1x128xi32, #tpu.memory_space<vmem>>
        %dma_wait3A_831 = tpu.memref_squeeze %dma_wait3A_830 : memref<1x128xi32, #tpu.memory_space<vmem>> -> memref<128xi32, #tpu.memory_space<vmem>>
        %dma_wait3A_832 = tpu.memref_slice %arg4[%add3A_792] : memref<327680xi32, #tpu.memory_space<hbm>> -> memref<128xi32, #tpu.memory_space<hbm>>
        %dma_wait3A_833 = arith.constant 0 : i32
        %dma_wait3A_834 = tpu.memref_slice %arg7[%run_scoped3A_793, %dma_wait3A_833] : memref<4x128xi32, #tpu.memory_space<vmem>> -> memref<1x128xi32, #tpu.memory_space<vmem>>
        %dma_wait3A_835 = tpu.memref_squeeze %dma_wait3A_834 : memref<1x128xi32, #tpu.memory_space<vmem>> -> memref<128xi32, #tpu.memory_space<vmem>>
        %dma_wait3A_836 = tpu.memref_slice %arg4[%add3A_792] : memref<327680xi32, #tpu.memory_space<hbm>> -> memref<128xi32, #tpu.memory_space<hbm>>
        tpu.wait_dma2 semaphore(%run_scoped3A_820 : memref<!tpu.dma_semaphore, #tpu.memory_space<semaphore_mem>>) src(%dma_wait3A_836 : memref<128xi32, #tpu.memory_space<hbm>>) dst(%dma_wait3A_835 : memref<128xi32, #tpu.memory_space<vmem>>)
        tpu.yield
      }) : () -> ()
      %dma_start3A = arith.constant 0 : i32
      %dma_start3A_794 = arith.constant 0 : i32
      %dma_start3A_795 = tpu.memref_slice %arg6[%dma_start3A, %dma_start3A_794] : memref<4x128xi32, #tpu.memory_space<vmem>> -> memref<1x128xi32, #tpu.memory_space<vmem>>
      %dma_start3A_796 = tpu.memref_squeeze %dma_start3A_795 : memref<1x128xi32, #tpu.memory_space<vmem>> -> memref<128xi32, #tpu.memory_space<vmem>>
      %dma_start3A_797 = arith.constant 0 : i32
      %dma_start3A_798 = arith.constant 0 : i32
      %dma_start3A_799 = tpu.memref_slice %arg2[%dma_start3A_797, %dma_start3A_798] : memref<10240x128xf32, #tpu.memory_space<hbm>> -> memref<10240x128xf32, #tpu.memory_space<hbm>>
      tpu.enqueue_indirect_dma source(%dma_start3A_799 : memref<10240x128xf32, #tpu.memory_space<hbm>>) target(%arg8 : memref<128x128xf32, #tpu.memory_space<vmem>>) offsets(%dma_start3A_796 : memref<128xi32, #tpu.memory_space<vmem>>) semaphore(%arg12 : memref<!tpu.dma_semaphore, #tpu.memory_space<semaphore_mem>>)
      %dma_wait3A = arith.constant 0 : i32
      %dma_wait3A_800 = arith.constant 0 : i32
      %dma_wait3A_801 = tpu.memref_slice %arg6[%dma_wait3A, %dma_wait3A_800] : memref<4x128xi32, #tpu.memory_space<vmem>> -> memref<1x128xi32, #tpu.memory_space<vmem>>
      %dma_wait3A_802 = tpu.memref_squeeze %dma_wait3A_801 : memref<1x128xi32, #tpu.memory_space<vmem>> -> memref<128xi32, #tpu.memory_space<vmem>>
      %dma_wait3A_803 = arith.constant 0 : i32
      %dma_wait3A_804 = arith.constant 0 : i32
      %dma_wait3A_805 = tpu.memref_slice %arg2[%dma_wait3A_803, %dma_wait3A_804] : memref<10240x128xf32, #tpu.memory_space<hbm>> -> memref<10240x128xf32, #tpu.memory_space<hbm>>
      tpu.wait_indirect_dma semaphore(%arg12 : memref<!tpu.dma_semaphore, #tpu.memory_space<semaphore_mem>>) src(%dma_wait3A_805 : memref<10240x128xf32, #tpu.memory_space<hbm>>) dst(%arg8 : memref<128x128xf32, #tpu.memory_space<vmem>>)
      %dma_start3A_806 = arith.constant 0 : i32
      %dma_start3A_807 = arith.constant 0 : i32
      %dma_start3A_808 = tpu.memref_slice %arg7[%dma_start3A_806, %dma_start3A_807] : memref<4x128xi32, #tpu.memory_space<vmem>> -> memref<1x128xi32, #tpu.memory_space<vmem>>
      %dma_start3A_809 = tpu.memref_squeeze %dma_start3A_808 : memref<1x128xi32, #tpu.memory_space<vmem>> -> memref<128xi32, #tpu.memory_space<vmem>>
      %dma_start3A_810 = arith.constant 0 : i32
      %dma_start3A_811 = arith.constant 0 : i32
      %dma_start3A_812 = tpu.memref_slice %arg11[%dma_start3A_810, %dma_start3A_811] : memref<10240x128xf32, #tpu.memory_space<vmem_shared>> -> memref<10240x128xf32, #tpu.memory_space<vmem_shared>>
      tpu.enqueue_indirect_dma source(%arg8 : memref<128x128xf32, #tpu.memory_space<vmem>>) target(%dma_start3A_812 : memref<10240x128xf32, #tpu.memory_space<vmem_shared>>) offsets(%dma_start3A_809 : memref<128xi32, #tpu.memory_space<vmem>>) semaphore(%arg16 : memref<!tpu.dma_semaphore, #tpu.memory_space<semaphore_mem>>) {add = true}
      %dma_wait3A_813 = arith.constant 0 : i32
      %dma_wait3A_814 = arith.constant 0 : i32
      %dma_wait3A_815 = tpu.memref_slice %arg7[%dma_wait3A_813, %dma_wait3A_814] : memref<4x128xi32, #tpu.memory_space<vmem>> -> memref<1x128xi32, #tpu.memory_space<vmem>>
      %dma_wait3A_816 = tpu.memref_squeeze %dma_wait3A_815 : memref<1x128xi32, #tpu.memory_space<vmem>> -> memref<128xi32, #tpu.memory_space<vmem>>
      %dma_wait3A_817 = arith.constant 0 : i32
      %dma_wait3A_818 = arith.constant 0 : i32
      %dma_wait3A_819 = tpu.memref_slice %arg11[%dma_wait3A_817, %dma_wait3A_818] : memref<10240x128xf32, #tpu.memory_space<vmem_shared>> -> memref<10240x128xf32, #tpu.memory_space<vmem_shared>>
      tpu.wait_indirect_dma semaphore(%arg16 : memref<!tpu.dma_semaphore, #tpu.memory_space<semaphore_mem>>) src(%arg8 : memref<128x128xf32, #tpu.memory_space<vmem>>) dst(%dma_wait3A_819 : memref<10240x128xf32, #tpu.memory_space<vmem_shared>>)
    }
    %scan3A_783 = arith.constant 80 : i32
    %barrier3A_784 = arith.constant 0 : index
    tpu.barrier barrier_id(%barrier3A_784)
    "tpu.trace_stop"() : () -> ()
    "tpu.trace_start"() <{level = 10 : i32, message = "sc_dump"}> : () -> ()
    "tpu.region"() ({
      %run_scoped3A = tpu.sem_alloc : memref<!tpu.dma_semaphore, #tpu.memory_space<semaphore_mem>>
      %dma_start3A = arith.constant 0 : i32
      %dma_start3A_785 = tpu.memref_slice %arg5[%arg0, %mul3A_4, %dma_start3A] : memref<2x10240x128xf32, #tpu.memory_space<hbm>> -> memref<1x640x128xf32, #tpu.memory_space<hbm>>
      %dma_start3A_786 = tpu.memref_squeeze %dma_start3A_785 : memref<1x640x128xf32, #tpu.memory_space<hbm>> -> memref<640x128xf32, #tpu.memory_space<hbm>>
      %dma_start3A_787 = arith.constant 0 : i32
      %dma_start3A_788 = tpu.memref_slice %arg11[%mul3A_4, %dma_start3A_787] : memref<10240x128xf32, #tpu.memory_space<vmem_shared>> -> memref<640x128xf32, #tpu.memory_space<vmem_shared>>
      tpu.enqueue_dma source(%dma_start3A_788 : memref<640x128xf32, #tpu.memory_space<vmem_shared>>) target(%dma_start3A_786 : memref<640x128xf32, #tpu.memory_space<hbm>>) target_semaphore(%run_scoped3A : memref<!tpu.dma_semaphore, #tpu.memory_space<semaphore_mem>>)
      %dma_wait3A = arith.constant 0 : i32
      %dma_wait3A_789 = tpu.memref_slice %arg5[%arg0, %mul3A_4, %dma_wait3A] : memref<2x10240x128xf32, #tpu.memory_space<hbm>> -> memref<1x640x128xf32, #tpu.memory_space<hbm>>
      %dma_wait3A_790 = tpu.memref_squeeze %dma_wait3A_789 : memref<1x640x128xf32, #tpu.memory_space<hbm>> -> memref<640x128xf32, #tpu.memory_space<hbm>>
      %dma_wait3A_791 = arith.constant 0 : i32
      %dma_wait3A_792 = tpu.memref_slice %arg11[%mul3A_4, %dma_wait3A_791] : memref<10240x128xf32, #tpu.memory_space<vmem_shared>> -> memref<640x128xf32, #tpu.memory_space<vmem_shared>>
      tpu.wait_dma2 semaphore(%run_scoped3A : memref<!tpu.dma_semaphore, #tpu.memory_space<semaphore_mem>>) src(%dma_wait3A_792 : memref<640x128xf32, #tpu.memory_space<vmem_shared>>) dst(%dma_wait3A_790 : memref<640x128xf32, #tpu.memory_space<hbm>>)
      tpu.yield
    }) : () -> ()
    "tpu.trace_stop"() : () -> ()
    return
  }
}

module attributes {stable_mosaic.version = 14 : i64} {
  func.func @_epi_body(%arg0: i32, %arg1: memref<2x1024x128xf32, #tpu.memory_space<vmem>>, %arg2: memref<2x1024xf32, #tpu.memory_space<vmem>>, %arg3: memref<1024x128xf32, #tpu.memory_space<vmem>>, %arg4: memref<128x128xf32, #tpu.memory_space<vmem>>, %arg5: memref<1x128xf32, #tpu.memory_space<vmem>>, %arg6: memref<128x128xf32, #tpu.memory_space<vmem>>, %arg7: memref<1024x128xf32, #tpu.memory_space<vmem>>) attributes {dimension_semantics = [#tpu.dimension_semantics<arbitrary>], iteration_bounds = array<i64: 10>, scalar_prefetch = 0 : i64, scratch_operands = 0 : i64, tpu.core_type = #tpu.core_type<tc>, window_params = [{transform_indices = @transform_0, window_bounds = array<i64: 2, 1024, 128>}, {transform_indices = @transform_1, window_bounds = array<i64: 2, 1024>}, {transform_indices = @transform_2, window_bounds = array<i64: 1024, 128>}, {pipeline_mode = #tpu.pipeline_mode<synchronous>, transform_indices = @transform_3, window_bounds = array<i64: 128, 128>}, {pipeline_mode = #tpu.pipeline_mode<synchronous>, transform_indices = @transform_4, window_bounds = array<i64: 1, 128>}, {pipeline_mode = #tpu.pipeline_mode<synchronous>, transform_indices = @transform_5, window_bounds = array<i64: 128, 128>}, {transform_indices = @transform_6, window_bounds = array<i64: 1024, 128>}]} {
    %get3A = arith.constant 0 : index
    %get3A_0 = arith.constant 0 : index
    %get3A_1 = arith.constant 0 : index
    %get3A_2 = vector.load %arg1[%get3A, %get3A_0, %get3A_1] : memref<2x1024x128xf32, #tpu.memory_space<vmem>>, vector<1x1024x128xf32>
    %get3A_3 = vector.shape_cast %get3A_2 : vector<1x1024x128xf32> to vector<1024x128xf32>
    %get3A_4 = arith.constant 1 : index
    %get3A_5 = arith.constant 0 : index
    %get3A_6 = arith.constant 0 : index
    %get3A_7 = vector.load %arg1[%get3A_4, %get3A_5, %get3A_6] : memref<2x1024x128xf32, #tpu.memory_space<vmem>>, vector<1x1024x128xf32>
    %get3A_8 = vector.shape_cast %get3A_7 : vector<1x1024x128xf32> to vector<1024x128xf32>
    %add3A = arith.addf %get3A_3, %get3A_8 : vector<1024x128xf32>
    %get3A_9 = arith.constant 0 : index
    %get3A_10 = arith.constant 0 : index
    %get3A_11 = vector.load %arg2[%get3A_9, %get3A_10] : memref<2x1024xf32, #tpu.memory_space<vmem>>, vector<2x1024xf32>
    %reduce_sum3A = arith.constant dense<0.000000e+00> : vector<1024xf32>
    %reduce_sum3A_12 = vector.multi_reduction <add>, %get3A_11, %reduce_sum3A [0] : vector<2x1024xf32> to vector<1024xf32>
    %max3A = arith.constant 1.000000e+00 : f32
    %max3A_13 = vector.broadcast %max3A : f32 to vector<1024xf32>
    %max3A_14 = arith.maximumf %reduce_sum3A_12, %max3A_13 : vector<1024xf32>
    %div3A = arith.constant 1.000000e+00 : f32
    %div3A_15 = vector.broadcast %div3A : f32 to vector<1024xf32>
    %div3A_16 = arith.divf %div3A_15, %max3A_14 : vector<1024xf32>
    %broadcast_in_dim3A = vector.shape_cast %div3A_16 : vector<1024xf32> to vector<1024x1xf32>
    %mul3A = vector.broadcast %broadcast_in_dim3A : vector<1024x1xf32> to vector<1024x128xf32>
    %mul3A_17 = arith.mulf %add3A, %mul3A : vector<1024x128xf32>
    %get3A_18 = arith.constant 0 : index
    %get3A_19 = arith.constant 0 : index
    %get3A_20 = vector.load %arg4[%get3A_18, %get3A_19] : memref<128x128xf32, #tpu.memory_space<vmem>>, vector<128x128xf32>
    %dot_general3A = arith.constant dense<0.000000e+00> : vector<1024x128xf32>
    %dot_general3A_21 = tpu.matmul %mul3A_17, %get3A_20, %dot_general3A {dimension_numbers = #tpu.dot_dimension_numbers<[1], [0], [0], [1], [0, 0, 1, 1], [], []>, transpose_lhs_hint = false} : vector<1024x128xf32>, vector<128x128xf32>, vector<1024x128xf32> -> vector<1024x128xf32>
    %get3A_22 = arith.constant 0 : index
    %get3A_23 = arith.constant 0 : index
    %get3A_24 = vector.load %arg5[%get3A_22, %get3A_23] : memref<1x128xf32, #tpu.memory_space<vmem>>, vector<1x128xf32>
    %add3A_25 = vector.broadcast %get3A_24 : vector<1x128xf32> to vector<1024x128xf32>
    %add3A_26 = arith.addf %dot_general3A_21, %add3A_25 : vector<1024x128xf32>
    %get3A_27 = arith.constant 0 : index
    %get3A_28 = arith.constant 0 : index
    %get3A_29 = vector.load %arg3[%get3A_27, %get3A_28] : memref<1024x128xf32, #tpu.memory_space<vmem>>, vector<1024x128xf32>
    %get3A_30 = arith.constant 0 : index
    %get3A_31 = arith.constant 0 : index
    %get3A_32 = vector.load %arg6[%get3A_30, %get3A_31] : memref<128x128xf32, #tpu.memory_space<vmem>>, vector<128x128xf32>
    %dot_general3A_33 = arith.constant dense<0.000000e+00> : vector<1024x128xf32>
    %dot_general3A_34 = tpu.matmul %get3A_29, %get3A_32, %dot_general3A_33 {dimension_numbers = #tpu.dot_dimension_numbers<[1], [0], [0], [1], [0, 0, 1, 1], [], []>, transpose_lhs_hint = false} : vector<1024x128xf32>, vector<128x128xf32>, vector<1024x128xf32> -> vector<1024x128xf32>
    %add3A_35 = arith.addf %add3A_26, %dot_general3A_34 : vector<1024x128xf32>
    %ge3A = arith.constant 0.000000e+00 : f32
    %ge3A_36 = vector.broadcast %ge3A : f32 to vector<1024x128xf32>
    %ge3A_37 = arith.cmpf oge, %add3A_35, %ge3A_36 : vector<1024x128xf32>
    %mul3A_38 = arith.constant 0.00999999977 : f32
    %mul3A_39 = vector.broadcast %mul3A_38 : f32 to vector<1024x128xf32>
    %mul3A_40 = arith.mulf %mul3A_39, %add3A_35 : vector<1024x128xf32>
    %select_n3A = arith.select %ge3A_37, %add3A_35, %mul3A_40 : vector<1024x128xi1>, vector<1024x128xf32>
    %swap3A = arith.constant 0 : index
    %swap3A_41 = arith.constant 0 : index
    %swap3A_42 = vector.load %arg7[%swap3A, %swap3A_41] : memref<1024x128xf32, #tpu.memory_space<vmem>>, vector<1024x128xf32>
    tpu.vector_store %arg7[%swap3A, %swap3A_41], %select_n3A {strides = array<i32>} : memref<1024x128xf32, #tpu.memory_space<vmem>>, vector<1024x128xf32>,
    return
  }
  func.func @transform_0(%arg0: i32) -> (i32, i32, i32) {
    %c0_i32 = arith.constant 0 : i32
    %c0_i32_0 = arith.constant 0 : i32
    %c0_i32_1 = arith.constant 0 : i32
    return %c0_i32, %arg0, %c0_i32_0 : i32, i32, i32
  }
  func.func @transform_1(%arg0: i32) -> (i32, i32) {
    %c0_i32 = arith.constant 0 : i32
    %c0_i32_0 = arith.constant 0 : i32
    return %c0_i32, %arg0 : i32, i32
  }
  func.func @transform_2(%arg0: i32) -> (i32, i32) {
    %c0_i32 = arith.constant 0 : i32
    %c0_i32_0 = arith.constant 0 : i32
    return %arg0, %c0_i32 : i32, i32
  }
  func.func @transform_3(%arg0: i32) -> (i32, i32) {
    %c0_i32 = arith.constant 0 : i32
    %c0_i32_0 = arith.constant 0 : i32
    %c0_i32_1 = arith.constant 0 : i32
    return %c0_i32, %c0_i32_0 : i32, i32
  }
  func.func @transform_4(%arg0: i32) -> (i32, i32) {
    %c0_i32 = arith.constant 0 : i32
    %c0_i32_0 = arith.constant 0 : i32
    %c0_i32_1 = arith.constant 0 : i32
    return %c0_i32, %c0_i32_0 : i32, i32
  }
  func.func @transform_5(%arg0: i32) -> (i32, i32) {
    %c0_i32 = arith.constant 0 : i32
    %c0_i32_0 = arith.constant 0 : i32
    %c0_i32_1 = arith.constant 0 : i32
    return %c0_i32, %c0_i32_0 : i32, i32
  }
  func.func @transform_6(%arg0: i32) -> (i32, i32) {
    %c0_i32 = arith.constant 0 : i32
    %c0_i32_0 = arith.constant 0 : i32
    return %arg0, %c0_i32 : i32, i32
  }
}

module attributes {stable_mosaic.version = 14 : i64} {
  func.func @_epi_body(%arg0: i32, %arg1: memref<2x1024x128xf32, #tpu.memory_space<vmem>>, %arg2: memref<2x1024xf32, #tpu.memory_space<vmem>>, %arg3: memref<1024x128xf32, #tpu.memory_space<vmem>>, %arg4: memref<128x128xf32, #tpu.memory_space<vmem>>, %arg5: memref<1x128xf32, #tpu.memory_space<vmem>>, %arg6: memref<128x128xf32, #tpu.memory_space<vmem>>, %arg7: memref<1024x128xf32, #tpu.memory_space<vmem>>) attributes {dimension_semantics = [#tpu.dimension_semantics<arbitrary>], iteration_bounds = array<i64: 10>, scalar_prefetch = 0 : i64, scratch_operands = 0 : i64, tpu.core_type = #tpu.core_type<tc>, window_params = [{transform_indices = @transform_0, window_bounds = array<i64: 2, 1024, 128>}, {transform_indices = @transform_1, window_bounds = array<i64: 2, 1024>}, {transform_indices = @transform_2, window_bounds = array<i64: 1024, 128>}, {pipeline_mode = #tpu.pipeline_mode<synchronous>, transform_indices = @transform_3, window_bounds = array<i64: 128, 128>}, {pipeline_mode = #tpu.pipeline_mode<synchronous>, transform_indices = @transform_4, window_bounds = array<i64: 1, 128>}, {pipeline_mode = #tpu.pipeline_mode<synchronous>, transform_indices = @transform_5, window_bounds = array<i64: 128, 128>}, {transform_indices = @transform_6, window_bounds = array<i64: 1024, 128>}]} {
    %get3A = arith.constant 0 : index
    %get3A_0 = arith.constant 0 : index
    %get3A_1 = arith.constant 0 : index
    %get3A_2 = vector.load %arg1[%get3A, %get3A_0, %get3A_1] : memref<2x1024x128xf32, #tpu.memory_space<vmem>>, vector<1x1024x128xf32>
    %get3A_3 = vector.shape_cast %get3A_2 : vector<1x1024x128xf32> to vector<1024x128xf32>
    %get3A_4 = arith.constant 1 : index
    %get3A_5 = arith.constant 0 : index
    %get3A_6 = arith.constant 0 : index
    %get3A_7 = vector.load %arg1[%get3A_4, %get3A_5, %get3A_6] : memref<2x1024x128xf32, #tpu.memory_space<vmem>>, vector<1x1024x128xf32>
    %get3A_8 = vector.shape_cast %get3A_7 : vector<1x1024x128xf32> to vector<1024x128xf32>
    %add3A = arith.addf %get3A_3, %get3A_8 : vector<1024x128xf32>
    %get3A_9 = arith.constant 0 : index
    %get3A_10 = arith.constant 0 : index
    %get3A_11 = vector.load %arg2[%get3A_9, %get3A_10] : memref<2x1024xf32, #tpu.memory_space<vmem>>, vector<2x1024xf32>
    %reduce_sum3A = arith.constant dense<0.000000e+00> : vector<1024xf32>
    %reduce_sum3A_12 = vector.multi_reduction <add>, %get3A_11, %reduce_sum3A [0] : vector<2x1024xf32> to vector<1024xf32>
    %max3A = arith.constant 1.000000e+00 : f32
    %max3A_13 = vector.broadcast %max3A : f32 to vector<1024xf32>
    %max3A_14 = arith.maximumf %reduce_sum3A_12, %max3A_13 : vector<1024xf32>
    %div3A = arith.constant 1.000000e+00 : f32
    %div3A_15 = vector.broadcast %div3A : f32 to vector<1024xf32>
    %div3A_16 = arith.divf %div3A_15, %max3A_14 : vector<1024xf32>
    %broadcast_in_dim3A = vector.shape_cast %div3A_16 : vector<1024xf32> to vector<1024x1xf32>
    %mul3A = vector.broadcast %broadcast_in_dim3A : vector<1024x1xf32> to vector<1024x128xf32>
    %mul3A_17 = arith.mulf %add3A, %mul3A : vector<1024x128xf32>
    %get3A_18 = arith.constant 0 : index
    %get3A_19 = arith.constant 0 : index
    %get3A_20 = vector.load %arg4[%get3A_18, %get3A_19] : memref<128x128xf32, #tpu.memory_space<vmem>>, vector<128x128xf32>
    %dot_general3A = arith.constant dense<0.000000e+00> : vector<1024x128xf32>
    %dot_general3A_21 = tpu.matmul %mul3A_17, %get3A_20, %dot_general3A {dimension_numbers = #tpu.dot_dimension_numbers<[1], [0], [0], [1], [0, 0, 1, 1], [], []>, transpose_lhs_hint = false} : vector<1024x128xf32>, vector<128x128xf32>, vector<1024x128xf32> -> vector<1024x128xf32>
    %get3A_22 = arith.constant 0 : index
    %get3A_23 = arith.constant 0 : index
    %get3A_24 = vector.load %arg5[%get3A_22, %get3A_23] : memref<1x128xf32, #tpu.memory_space<vmem>>, vector<1x128xf32>
    %add3A_25 = vector.broadcast %get3A_24 : vector<1x128xf32> to vector<1024x128xf32>
    %add3A_26 = arith.addf %dot_general3A_21, %add3A_25 : vector<1024x128xf32>
    %get3A_27 = arith.constant 0 : index
    %get3A_28 = arith.constant 0 : index
    %get3A_29 = vector.load %arg3[%get3A_27, %get3A_28] : memref<1024x128xf32, #tpu.memory_space<vmem>>, vector<1024x128xf32>
    %get3A_30 = arith.constant 0 : index
    %get3A_31 = arith.constant 0 : index
    %get3A_32 = vector.load %arg6[%get3A_30, %get3A_31] : memref<128x128xf32, #tpu.memory_space<vmem>>, vector<128x128xf32>
    %dot_general3A_33 = arith.constant dense<0.000000e+00> : vector<1024x128xf32>
    %dot_general3A_34 = tpu.matmul %get3A_29, %get3A_32, %dot_general3A_33 {dimension_numbers = #tpu.dot_dimension_numbers<[1], [0], [0], [1], [0, 0, 1, 1], [], []>, transpose_lhs_hint = false} : vector<1024x128xf32>, vector<128x128xf32>, vector<1024x128xf32> -> vector<1024x128xf32>
    %add3A_35 = arith.addf %add3A_26, %dot_general3A_34 : vector<1024x128xf32>
    %swap3A = arith.constant 0 : index
    %swap3A_36 = arith.constant 0 : index
    %swap3A_37 = vector.load %arg7[%swap3A, %swap3A_36] : memref<1024x128xf32, #tpu.memory_space<vmem>>, vector<1024x128xf32>
    tpu.vector_store %arg7[%swap3A, %swap3A_36], %add3A_35 {strides = array<i32>} : memref<1024x128xf32, #tpu.memory_space<vmem>>, vector<1024x128xf32>,
    return
  }
  func.func @transform_0(%arg0: i32) -> (i32, i32, i32) {
    %c0_i32 = arith.constant 0 : i32
    %c0_i32_0 = arith.constant 0 : i32
    %c0_i32_1 = arith.constant 0 : i32
    return %c0_i32, %arg0, %c0_i32_0 : i32, i32, i32
  }
  func.func @transform_1(%arg0: i32) -> (i32, i32) {
    %c0_i32 = arith.constant 0 : i32
    %c0_i32_0 = arith.constant 0 : i32
    return %c0_i32, %arg0 : i32, i32
  }
  func.func @transform_2(%arg0: i32) -> (i32, i32) {
    %c0_i32 = arith.constant 0 : i32
    %c0_i32_0 = arith.constant 0 : i32
    return %arg0, %c0_i32 : i32, i32
  }
  func.func @transform_3(%arg0: i32) -> (i32, i32) {
    %c0_i32 = arith.constant 0 : i32
    %c0_i32_0 = arith.constant 0 : i32
    %c0_i32_1 = arith.constant 0 : i32
    return %c0_i32, %c0_i32_0 : i32, i32
  }
  func.func @transform_4(%arg0: i32) -> (i32, i32) {
    %c0_i32 = arith.constant 0 : i32
    %c0_i32_0 = arith.constant 0 : i32
    %c0_i32_1 = arith.constant 0 : i32
    return %c0_i32, %c0_i32_0 : i32, i32
  }
  func.func @transform_5(%arg0: i32) -> (i32, i32) {
    %c0_i32 = arith.constant 0 : i32
    %c0_i32_0 = arith.constant 0 : i32
    %c0_i32_1 = arith.constant 0 : i32
    return %c0_i32, %c0_i32_0 : i32, i32
  }
  func.func @transform_6(%arg0: i32) -> (i32, i32) {
    %c0_i32 = arith.constant 0 : i32
    %c0_i32_0 = arith.constant 0 : i32
    return %arg0, %c0_i32 : i32, i32
  }
}

</mosaic_0001>

<sc_bundles>
// kernel: sage_spmm.3.cloned.1.call-start
scs
__scs_entry_jumppad:
0x0: {  	(pc) =	sbr.rel $0x88, $3  }
0x1: {  	(tag) =	ssettag $0x0;
	lr =	simm.s32 $0x1  }
0x2: {  	[smem:$0x3F99] =	sst lr;
	_ =	strace $0xD0000000  }
0x3: {  	_ = 	snop  }
0x4: {  	_ = 	snop  }
0x5: {  	_ = 	snop  }
0x6: {  	_ = 	snop  }
0x7: {  	_ = 	snop  }
__scs_overlays_trampoline_lowered:
0x8: {  	[smem:$0x3FA8] =	sst s0  }
0x9: {  	[smem:$0x3FA9] =	sst s1  }
0xa: {  	[smem:$0x3FAA] =	sst s2  }
0xb: {  	[smem:$0x3FAB] =	sst s3  }
0xc: {  	[smem:$0x3FAC] =	sst s4  }
0xd: {  	[smem:$0x3FAD] =	sst s5  }
0xe: {  	[smem:$0x3FAE] =	sst s6  }
0xf: {  	[smem:$0x3FAF] =	sst s7  }
0x10: {  	[smem:$0x3FB0] =	sst s8  }
0x11: {  	[smem:$0x3FB1] =	sst s9;
	s0 =	simm.s32 @!p0 $0x0  }
0x12: {  	s1 =	sld [smem:$0x3F97];
	s0 =	simm.s32 @p0 $0x1  }
0x13: {  	[smem:$0x3FB2] =	sst s0;
	s0 =	simm.s32 @!p1 $0x0  }
0x14: {  	s2 =	sld [smem:$0x3F96];
	s0 =	simm.s32 @p1 $0x1  }
0x15: {  	[smem:$0x3FB3] =	sst s0;
	s0 =	simm.s32 @!p2 $0x0  }
0x16: {  	s3 =	sld [smem:$0x3FDB];
	s0 =	simm.s32 @p2 $0x1  }
0x17: {  	s4 =	simm.s32 $0x1BF5;
	[smem:$0x3FB5] =	sst s0  }
0x18: {  	s0 =	sld [smem:$0x3F98];
	_ =	swait.ge [sflag:s4], $0x0  }
0x19: {  	s7 =	sld [smem:$0x3F99]  }
0x1a: {  	s8 =	sadd.s32 $0xFFFFE003, lr  }
0x1b: {  	s9 =	sadd.s32 $0xFFFFFEF7, lr;
	s5 =	simm.s32 $0xFFFFFFFF;
	p2 =	slt.u32 s8, $0xFFFFF086  }
0x1c: {  	p1 =	slt.u32 s9, $0xF7A;
	s5 =	simm.s32 @!p2 $0x0  }
0x1d: {  	s5 =	simm.s32 @p1 $0x1;
	p0 =	seq.s32 s7, s2  }
0x1e: {  	s7 =	smul.u32 @!p0 $0xF7A, s2;
	p2 =	seq.s32 @!p0 s5, $0x0  }
0x1f: {  	s9 =	smul.u32 $0xF7A, s1;
	s8 =	simm.s32 @!p0 $0x1BF5;
	p2 =	por !p2, p0  }
0x20: {  	[sflag:s8] =	ssyncset.s32 @!p0 $0xFFFFF086;
	s6 =	sadd.s32 @!p0 s3, s7;
	s7 =	simm.s32 @!p0 $0x108  }
0x21: {  	s3 =	sadd.s32 s3, s9;
	s6 =	sadd.s32 @!p0 $0x88, s6;
	s7 =	simm.s32 @p2 $0x1082  }
0x22: {  	[simem:s7], [sflag:s8] =	dma.local @!p0 [hbm:s6], $0xF7A  }
0x23: {  	s9 =	sor.u32 $0xD0000000, s2;
	s6 =	simm.s32 $0x108;
	_ =	swait.ge @!p0 [sflag:s8], $0x0  }
0x24: {  	s3 =	sadd.s32 $0x88, s3;
	s6 =	simm.s32 @!p1 $0x1082;
	[sflag:s4] =	ssyncset.s32 $0xFFFFF086  }
0x25: {  	[simem:s6], [sflag:s4] =	dma.local [hbm:s3], $0xF7A  }
0x26: {  	[smem:$0x3F99] =	sst s1;
	(tag) =	ssettag s2;
	_ =	strace s9  }
0x27: {  	s1 =	sld [smem:$0x3FA9]  }
0x28: {  	s2 =	sld [smem:$0x3FAA]  }
0x29: {  	s4 =	sld [smem:$0x3FAC]  }
0x2a: {  	p0 =	seq.s32 s5, $0x0;
	s5 =	sld [smem:$0x3FAD]  }
0x2b: {  	s6 =	sld [smem:$0x3FAE]  }
0x2c: {  	s7 =	sld [smem:$0x3FAF]  }
0x2d: {  	s3 =	simm.s32 $0x108;
	s8 =	sld [smem:$0x3FB0]  }
0x2e: {  	s3 =	simm.s32 @!p0 $0x1082;
	s9 =	sld [smem:$0x3FB1]  }
0x2f: {  	lr =	sadd.s32 s0, s3;
	s0 =	sld [smem:$0x3FA8]  }
0x30: {  	s3 =	sld [smem:$0x3FAB]  }
0x31: {  	[smem:$0x3FB4] =	sst s10  }
0x32: {  	s10 =	sld [smem:$0x3FB2];
	_ =	sdelay $0x3  }
0x33: {  	p0 =	seq.s32 s10, $0x1;
	s10 =	sld [smem:$0x3FB4];
	_ =	sdelay $0x3  }
0x34: {  	[smem:$0x3FB4] =	sst s10  }
0x35: {  	s10 =	sld [smem:$0x3FB3];
	_ =	sdelay $0x3  }
0x36: {  	p1 =	seq.s32 s10, $0x1;
	s10 =	sld [smem:$0x3FB4];
	_ =	sdelay $0x3  }
0x37: {  	[smem:$0x3FB4] =	sst s10  }
0x38: {  	s10 =	sld [smem:$0x3FB5]  }
0x39: {  	_ = 	snop;
	(pc) =	sbr.ind lr, $3  }
0x3a: {  	_ = 	snop  }
0x3b: {  	_ = 	snop  }
0x3c: {  	p2 =	seq.s32 s10, $0x1;
	s10 =	sld [smem:$0x3FB4]  }
0x3d: {  	_ =	shalt  }
0x3e: {  	_ =	shalt  }
0x3f: {  	_ =	shalt  }
0x40: {  	_ =	shalt  }
0x41: {  	_ =	shalt  }
0x42: {  	_ =	shalt  }
0x43: {  	_ =	shalt  }
0x44: {  	_ =	shalt  }
0x45: {  	_ =	shalt  }
0x46: {  	_ =	shalt  }
0x47: {  	_ =	shalt  }
0x48: {  	_ =	shalt  }
0x49: {  	_ =	shalt  }
0x4a: {  	_ =	shalt  }
0x4b: {  	_ =	shalt  }
0x4c: {  	_ =	shalt  }
0x4d: {  	_ =	shalt  }
0x4e: {  	_ =	shalt  }
0x4f: {  	_ =	shalt  }
0x50: {  	_ =	shalt  }
0x51: {  	_ =	shalt  }
0x52: {  	_ =	shalt  }
0x53: {  	_ =	shalt  }
0x54: {  	_ =	shalt  }
0x55: {  	_ =	shalt  }
0x56: {  	_ =	shalt  }
0x57: {  	_ =	shalt  }
0x58: {  	_ =	shalt  }
0x59: {  	_ =	shalt  }
0x5a: {  	_ =	shalt  }
0x5b: {  	_ =	shalt  }
0x5c: {  	_ =	shalt  }
0x5d: {  	_ =	shalt  }
0x5e: {  	_ =	shalt  }
0x5f: {  	_ =	shalt  }
0x60: {  	_ =	shalt  }
0x61: {  	_ =	shalt  }
0x62: {  	_ =	shalt  }
0x63: {  	_ =	shalt  }
0x64: {  	_ =	shalt  }
0x65: {  	_ =	shalt  }
0x66: {  	_ =	shalt  }
0x67: {  	_ =	shalt  }
0x68: {  	_ =	shalt  }
0x69: {  	_ =	shalt  }
0x6a: {  	_ =	shalt  }
0x6b: {  	_ =	shalt  }
0x6c: {  	_ =	shalt  }
0x6d: {  	_ =	shalt  }
0x6e: {  	_ =	shalt  }
0x6f: {  	_ =	shalt  }
0x70: {  	_ =	shalt  }
0x71: {  	_ =	shalt  }
0x72: {  	_ =	shalt  }
0x73: {  	_ =	shalt  }
0x74: {  	_ =	shalt  }
0x75: {  	_ =	shalt  }
0x76: {  	_ =	shalt  }
0x77: {  	_ =	shalt  }
0x78: {  	_ =	shalt  }
0x79: {  	_ =	shalt  }
0x7a: {  	_ =	shalt  }
0x7b: {  	_ =	shalt  }
0x7c: {  	_ =	shalt  }
0x7d: {  	_ =	shalt  }
0x7e: {  	_ =	shalt  }
0x7f: {  	_ =	shalt  }
0x80: {  	_ =	shalt  }
0x81: {  	_ =	shalt  }
0x82: {  	_ =	shalt  }
0x83: {  	_ =	shalt  }
0x84: {  	_ =	shalt  }
0x85: {  	_ =	shalt  }
0x86: {  	_ =	shalt  }
0x87: {  	_ =	shalt  }
.Lfunc_end0:
.L_simem_size_0:
called_computation.1_lowered:
.L_overlay_start_0:
0x88: {  	s2 =	sld [smem:$0x3FD9]  }
0x89: {  	s3 =	sld [smem:$0x3FFE];
	_ =	sdelay $0x1  }
0x8a: {  	s1 =	srdreg.scid  }
0x8b: {  	s0 =	sand.u32 $0x1, s1  }
0x8c: {  	s17 =	sshll.u32 s0, $0xA;
	s2 =	sadd.s32 s3, s2  }
0x8d: {  	s2 =	sadd.s32 s2, s17  }
0x8e: {  	[smem:$0x3FC0] =	sst s2  }
0x8f: {  	_ = 	snop  }
0x90: {  	s2 =	sld [smem:$0x3FD0];
	(tm) =	ssettm $0x1  }
0x91: {  	s18 =	sld [smem:$0x3FFB];
	_ =	sdelay $0x3  }
0x92: {  	_ =	strace s18  }
0x93: {  	s3 =	sld [smem:$0x3FFC];
	_ =	sdelay $0x3  }
0x94: {  	_ =	strace s3  }
0x95: {  	s3 =	sld [smem:$0x3FFD];
	_ =	sdelay $0x3  }
0x96: {  	_ =	strace s3  }
0x97: {  	_ =	strace $0x8FFFFFFF  }
0x98: {  	s19 =	sld [smem:$0x3FDB];
	_ =	sdelay $0x1  }
0x99: {  	s4 =	simm.s32 $_scs_section_size  }
0x9a: {  	s5 =	simm.s32 $_size__tile_overlayer_lowered;
	s6 =	simm.s32 $_tile_overlayer_lowered  }
0x9b: {  	s22 =	simm.s32 $0x1BFF;
	s21 =	sshll.u32 s6, $0x1;
	s3 =	sadd.s32 s4, s19  }
0x9c: {  	s7 =	simm.s32 $0x0;
	s20 =	sshll.u32 s5, $0x1;
	s5 =	sadd.s32 s21, s3  }
0x9d: {  	[timem:s7], [sflag:s22] =	dma.local [hbm:s5], s20  }
0x9e: {  	_ =	swait.ge [sflag:s22], s20  }
0x9f: {  	s4 =	ssub.s32 $0x0, s20;
	[sflag:s22] =	ssyncset.done $0x0  }
0xa0: {  	[sflag:s22] =	ssyncadd.s32 s4;
	_ =	sdelay $0x1  }
0xa1: {  	s23 =	simm.s32 $0x1B8B  }
0xa2: {  	_ =	swait.ge [sflag:s23], $0x1  }
0xa3: {  	[sflag:s23] =	ssyncset.done $0x0  }
0xa4: {  	s25 =	simm.s32 $0x1B8E;
	s24 =	sld [smem:$0x3FFE];
	[sflag:s23] =	ssyncadd.s32 $0xFFFFFFFF  }
0xa5: {  	s26 =	simm.s32 $execute0_lowered;
	[smem:$0x3FD2] =	sst s25  }
0xa6: {  	s5 =	sshll.u32 s26, $0x1;
	_ =	strace $0x8000004C;
	[dreg:$0x1] =	wrdreg $0xFFFFFFFF  }
0xa7: {  	s28 =	simm.s32 $_size_execute0_lowered;
	s3 =	sadd.s32 s3, s5;
	[dreg:$0x0] =	wrdreg $0x0  }
0xa8: {  	s5 =	sshll.u32 s28, $0x1;
	[dreg:$0x2] =	wrdreg s3  }
0xa9: {  	[dreg:$0x3] =	wrdreg s5  }
0xaa: {  	[dreg:$0x4] =	wrdreg $0xC0  }
0xab: {  	_ =	task [dreg:s7], $0x5FFFF  }
0xac: {  	[dreg:$0x1] =	wrdreg $0xFFFFFFFF  }
0xad: {  	[dreg:$0x0] =	wrdreg $0x60  }
0xae: {  	[dreg:$0x2] =	wrdreg s24  }
0xaf: {  	[dreg:$0x3] =	wrdreg s2  }
0xb0: {  	[dreg:$0x4] =	wrdreg $0x4C000  }
0xb1: {  	[dreg:$0x5] =	wrdreg $0x9  }
0xb2: {  	_ =	task.clear_ibuf [dreg:s7], $0x6FFFF;
	_ =	strace $0x9000004C  }
0xb3: {  	s29 =	simm.s32 $0x9;
	_ =	strace $0x80000051  }
0xb4: {  	_ =	swait.ge [sflag:s29], $0x1  }
0xb5: {  	[sflag:s29] =	ssyncadd.s32 $0xFFFFFFFF  }
0xb6: {  	_ =	strace $0x90000051  }
0xb7: {  	_ =	sfence  }
0xb8: {  	s30 =	sld [smem:$0x0];
	_ =	sdelay $0x2  }
0xb9: {  	s31 =	sshll.u32 s1, $0xD;
	s1 =	sshrl.u32 s1, $0x2  }
0xba: {  	s3 =	sand.u32 $0x4000, s31;
	s1 =	sadd.s32 s1, s30  }
0xbb: {  	s0 =	sor.u32 s3, s0;
	s1 =	sshll.u32 s1, $0x11  }
0xbc: {  	s0 =	sor.u32 s1, s0  }
0xbd: {  	s0 =	sadd.s32 $0x8F2B, s0  }
0xbe: {  	[sflag:s0] =	ssyncadd.remote.s32 $0x1  }
0xbf: {  	_ =	sfence.sel $0xFFFF  }
0xc0: {  	[dreg:$0x0] =	wrdreg $0xFFFFFFFF;
	(pc) =	sbr.abs _section_cstart, $3  }
0xc1: {  	[dreg:$0x1] =	wrdreg $0xFFFFFFFF  }
0xc2: {  	_ =	task.clear_ibuf [dreg:s7], $0x2FFFF;
	_ =	strace $0x9FFFFFFF  }
0xc3: {  	(tm) =	ssettm $0x7FFFFFFF  }
tec
execute0_lowered:
.L_overlay_start_1:
0x0: {  	(tag) =	ssettag $0x1  }
0x1: {  	s5 =	rddreg [dreg:$0x0]  }
0x2: {  	s9 =	rddreg [dreg:$0x1];
	s0 =	stileid.u32  }
0x3: {  	s1 =	srdreg.scid;
	s2 =	rddreg [dreg:$0x2];
	s3 =	simm.s32 $0x0  }
0x4: {  	s15 =	simm.s32 $0x1;
	s16 =	simm.s32 $0x2;
	s10 =	smul.u32 $0xA00, s0  }
0x5: {  	s6 =	sand.u32 $0x1, s1;
	s1 =	rddreg [dreg:$0x3];
	s8 =	smul.u32 $0x14000, s0  }
0x6: {  	s19 =	simm.s32 $0x0;
	[smem:$0x7FF] =	sst s3;
	s12 =	smul.u32 $0x50000, s0  }
0x7: {  	s4 =	sadd.s32 $0xC600, s5;
	s17 =	sshll.u32 s0, $0x6;
	s7 =	smul.u32 $0x140000, s6  }
0x8: {  	_ =	strace $0x8000004D;
	s26 =	ssub.s32 $0x2, s6;
	s14 =	smul.u32 $0x500, s6  }
0x9: {  	s17 =	sor.u32 $0x1C03, s17;
	s11 =	sadd.s32 s10, s5;
	s13 =	sshrl.u32 s26, $0x1  }
0xa: {  	s30 =	sshrl.u32 s12, $0x2;
	s9 =	sadd.s32 s10, s9;
	s10 =	simm.s32 $0x4400  }
0xb: {  	s12 =	simm.s32 $0x200;
	s7 =	sadd.s32 s8, s7;
	s29 =	ssub.s32 s26, s13  }
0xc: {  	s31 =	sadd.s32 s14, s11;
	s9 =	sadd.s32 s14, s9;
	s11 =	simm.s32 $0x3  }
0xd: {  	s13 =	simm.s32 $0x80;
	s14 =	simm.s32 $0x400;
	s7 =	sshrl.u32 s7, $0x3  }
0xe: {  	s8 =	sadd.s32 $0x2600, s31;
	s28 =	sadd.s32 s7, s5;
	s5 =	sadd.s32 s30, s2  }
0xf: {  	v0 =	vimm.f32 $0.0e+00;
	s7 =	smax.u32 s29, $0x1;
	s6 =	sadd.s32 $0x34600, s28;
	s18 =	sshrl.u32 s5, $0x3  }
.LBB2_1:
0x10: {  	_ =	strace $0x8000004E;
	[tilespmem:$0x4400] =	vst v0  }
0x11: {  	[tilespmem:$0x4410] =	vst v0  }
0x12: {  	[tilespmem:$0x4420] =	vst v0  }
0x13: {  	[tilespmem:$0x4430] =	vst v0  }
0x14: {  	[tilespmem:$0x4440] =	vst v0  }
0x15: {  	[tilespmem:$0x4450] =	vst v0  }
0x16: {  	[tilespmem:$0x4460] =	vst v0  }
0x17: {  	[tilespmem:$0x4470] =	vst v0  }
0x18: {  	[tilespmem:$0x4480] =	vst v0  }
0x19: {  	[tilespmem:$0x4490] =	vst v0  }
0x1a: {  	[tilespmem:$0x44A0] =	vst v0  }
0x1b: {  	[tilespmem:$0x44B0] =	vst v0  }
0x1c: {  	[tilespmem:$0x44C0] =	vst v0  }
0x1d: {  	[tilespmem:$0x44D0] =	vst v0  }
0x1e: {  	[tilespmem:$0x44E0] =	vst v0  }
0x1f: {  	[tilespmem:$0x44F0] =	vst v0  }
0x20: {  	[tilespmem:$0x4500] =	vst v0  }
0x21: {  	[tilespmem:$0x4510] =	vst v0  }
0x22: {  	[tilespmem:$0x4520] =	vst v0  }
0x23: {  	[tilespmem:$0x4530] =	vst v0  }
0x24: {  	[tilespmem:$0x4540] =	vst v0  }
0x25: {  	[tilespmem:$0x4550] =	vst v0  }
0x26: {  	[tilespmem:$0x4560] =	vst v0  }
0x27: {  	[tilespmem:$0x4570] =	vst v0  }
0x28: {  	[tilespmem:$0x4580] =	vst v0  }
0x29: {  	[tilespmem:$0x4590] =	vst v0  }
0x2a: {  	[tilespmem:$0x45A0] =	vst v0  }
0x2b: {  	[tilespmem:$0x45B0] =	vst v0  }
0x2c: {  	[tilespmem:$0x45C0] =	vst v0  }
0x2d: {  	[tilespmem:$0x45D0] =	vst v0  }
0x2e: {  	[tilespmem:$0x45E0] =	vst v0  }
0x2f: {  	[tilespmem:$0x45F0] =	vst v0  }
0x30: {  	[tilespmem:$0x4600] =	vst v0  }
0x31: {  	[tilespmem:$0x4610] =	vst v0  }
0x32: {  	[tilespmem:$0x4620] =	vst v0  }
0x33: {  	[tilespmem:$0x4630] =	vst v0  }
0x34: {  	[tilespmem:$0x4640] =	vst v0  }
0x35: {  	[tilespmem:$0x4650] =	vst v0  }
0x36: {  	[tilespmem:$0x4660] =	vst v0  }
0x37: {  	[tilespmem:$0x4670] =	vst v0  }
0x38: {  	[tilespmem:$0x4680] =	vst v0  }
0x39: {  	[tilespmem:$0x4690] =	vst v0  }
0x3a: {  	[tilespmem:$0x46A0] =	vst v0  }
0x3b: {  	[tilespmem:$0x46B0] =	vst v0  }
0x3c: {  	[tilespmem:$0x46C0] =	vst v0  }
0x3d: {  	[tilespmem:$0x46D0] =	vst v0  }
0x3e: {  	[tilespmem:$0x46E0] =	vst v0  }
0x3f: {  	[tilespmem:$0x46F0] =	vst v0  }
0x40: {  	[tilespmem:$0x4700] =	vst v0  }
0x41: {  	[tilespmem:$0x4710] =	vst v0  }
0x42: {  	[tilespmem:$0x4720] =	vst v0  }
0x43: {  	[tilespmem:$0x4730] =	vst v0  }
0x44: {  	[tilespmem:$0x4740] =	vst v0  }
0x45: {  	[tilespmem:$0x4750] =	vst v0  }
0x46: {  	[tilespmem:$0x4760] =	vst v0  }
0x47: {  	[tilespmem:$0x4770] =	vst v0  }
0x48: {  	[tilespmem:$0x4780] =	vst v0  }
0x49: {  	[tilespmem:$0x4790] =	vst v0  }
0x4a: {  	[tilespmem:$0x47A0] =	vst v0  }
0x4b: {  	[tilespmem:$0x47B0] =	vst v0  }
0x4c: {  	[tilespmem:$0x47C0] =	vst v0  }
0x4d: {  	[tilespmem:$0x47D0] =	vst v0  }
0x4e: {  	[tilespmem:$0x47E0] =	vst v0  }
0x4f: {  	[tilespmem:$0x47F0] =	vst v0  }
0x50: {  	[tilespmem:$0x4800] =	vst v0  }
0x51: {  	[tilespmem:$0x4810] =	vst v0  }
0x52: {  	[tilespmem:$0x4820] =	vst v0  }
0x53: {  	[tilespmem:$0x4830] =	vst v0  }
0x54: {  	[tilespmem:$0x4840] =	vst v0  }
0x55: {  	[tilespmem:$0x4850] =	vst v0  }
0x56: {  	[tilespmem:$0x4860] =	vst v0  }
0x57: {  	[tilespmem:$0x4870] =	vst v0  }
0x58: {  	[tilespmem:$0x4880] =	vst v0  }
0x59: {  	[tilespmem:$0x4890] =	vst v0  }
0x5a: {  	[tilespmem:$0x48A0] =	vst v0  }
0x5b: {  	[tilespmem:$0x48B0] =	vst v0  }
0x5c: {  	[tilespmem:$0x48C0] =	vst v0  }
0x5d: {  	[tilespmem:$0x48D0] =	vst v0  }
0x5e: {  	[tilespmem:$0x48E0] =	vst v0  }
0x5f: {  	[tilespmem:$0x48F0] =	vst v0  }
0x60: {  	[tilespmem:$0x4900] =	vst v0  }
0x61: {  	[tilespmem:$0x4910] =	vst v0  }
0x62: {  	[tilespmem:$0x4920] =	vst v0  }
0x63: {  	[tilespmem:$0x4930] =	vst v0  }
0x64: {  	[tilespmem:$0x4940] =	vst v0  }
0x65: {  	[tilespmem:$0x4950] =	vst v0  }
0x66: {  	[tilespmem:$0x4960] =	vst v0  }
0x67: {  	[tilespmem:$0x4970] =	vst v0  }
0x68: {  	[tilespmem:$0x4980] =	vst v0  }
0x69: {  	[tilespmem:$0x4990] =	vst v0  }
0x6a: {  	[tilespmem:$0x49A0] =	vst v0  }
0x6b: {  	[tilespmem:$0x49B0] =	vst v0  }
0x6c: {  	[tilespmem:$0x49C0] =	vst v0  }
0x6d: {  	[tilespmem:$0x49D0] =	vst v0  }
0x6e: {  	[tilespmem:$0x49E0] =	vst v0  }
0x6f: {  	[tilespmem:$0x49F0] =	vst v0  }
0x70: {  	[tilespmem:$0x4A00] =	vst v0  }
0x71: {  	[tilespmem:$0x4A10] =	vst v0  }
0x72: {  	[tilespmem:$0x4A20] =	vst v0  }
0x73: {  	[tilespmem:$0x4A30] =	vst v0  }
0x74: {  	[tilespmem:$0x4A40] =	vst v0  }
0x75: {  	[tilespmem:$0x4A50] =	vst v0  }
0x76: {  	[tilespmem:$0x4A60] =	vst v0  }
0x77: {  	[tilespmem:$0x4A70] =	vst v0  }
0x78: {  	[tilespmem:$0x4A80] =	vst v0  }
0x79: {  	[tilespmem:$0x4A90] =	vst v0  }
0x7a: {  	[tilespmem:$0x4AA0] =	vst v0  }
0x7b: {  	[tilespmem:$0x4AB0] =	vst v0  }
0x7c: {  	[tilespmem:$0x4AC0] =	vst v0  }
0x7d: {  	[tilespmem:$0x4AD0] =	vst v0  }
0x7e: {  	[tilespmem:$0x4AE0] =	vst v0  }
0x7f: {  	[tilespmem:$0x4AF0] =	vst v0  }
0x80: {  	[tilespmem:$0x4B00] =	vst v0  }
0x81: {  	[tilespmem:$0x4B10] =	vst v0  }
0x82: {  	[tilespmem:$0x4B20] =	vst v0  }
0x83: {  	[tilespmem:$0x4B30] =	vst v0  }
0x84: {  	[tilespmem:$0x4B40] =	vst v0  }
0x85: {  	[tilespmem:$0x4B50] =	vst v0  }
0x86: {  	[tilespmem:$0x4B60] =	vst v0  }
0x87: {  	[tilespmem:$0x4B70] =	vst v0  }
0x88: {  	[tilespmem:$0x4B80] =	vst v0  }
0x89: {  	[tilespmem:$0x4B90] =	vst v0  }
0x8a: {  	[tilespmem:$0x4BA0] =	vst v0  }
0x8b: {  	[tilespmem:$0x4BB0] =	vst v0  }
0x8c: {  	[tilespmem:$0x4BC0] =	vst v0  }
0x8d: {  	[tilespmem:$0x4BD0] =	vst v0  }
0x8e: {  	[tilespmem:$0x4BE0] =	vst v0  }
0x8f: {  	[tilespmem:$0x4BF0] =	vst v0;
	s20 =	sadd.s32 $0x0, s5  }
0x90: {  	[spmem:s20] =	stream.linear.scatter [tilespmem:s10], [sflag:$0x3], $0x800, $0x200038;
	[tilespmem:$0x18C00] =	vst v63  }
0x91: {  	s20 =	simm.s32 $0x2000;
	_ =	swait.ge [sflag:s11], $0x800  }
.LBB2_2:
0x92: {  	s21 =	sshra.s32 s20, $0x2;
	[sflag:s11] =	ssyncset.done $0x0;
	p0 =	sne.s32 s20, $0x4E000  }
.Ltmp0:
0x93: {  	s21 =	sadd.s32 s21, s5;
	[sflag:s11] =	ssyncadd.s32 $0xFFFFF800;
	(pc) =	sbr.rel @p0 .LBB2_2-.Ltmp0, $3  }
0x94: {  	[spmem:s21] =	stream.linear.scatter [tilespmem:s10], [sflag:$0x3], $0x800, $0x200038;
	[tilespmem:$0x18C00] =	vst v63  }
0x95: {  	s20 =	sadd.s32 $0x2000, s20;
	_ =	sdelay $0x1  }
0x96: {  	_ =	swait.ge [sflag:s11], $0x800  }
0x97: {  	[sflag:s11] =	ssyncset.done $0x0  }
0x98: {  	[sflag:s11] =	ssyncadd.s32 $0xFFFFF800  }
0x99: {  	[bflag:$0x0] =	sbarrier.arrive $0xFFFF  }
0x9a: {  	_ =	strace $0x9000004E  }
0x9b: {  	s20 =	sadd.s32 $0x0, s9;
	_ =	strace $0x8000004F  }
0x9c: {  	[tilespmem:s3], [sflag:$0x3] =	stream.linear.gather [hbm4b:s20+s3], $0x80, $0x200038;
	[tilespmem:$0x18C00] =	vst v63  }
0x9d: {  	_ =	swait.ge [sflag:s11], $0x80  }
0x9e: {  	[sflag:s11] =	ssyncset.done $0x0  }
0x9f: {  	s31 =	sadd.s32 $0x0, s8;
	[sflag:s11] =	ssyncadd.s32 $0xFFFFFF80  }
0xa0: {  	[tilespmem:s12], [sflag:$0x3] =	stream.linear.gather [hbm4b:s31+s3], $0x80, $0x200038;
	[tilespmem:$0x18C00] =	vst v63  }
0xa1: {  	_ =	swait.ge [sflag:s11], $0x80  }
0xa2: {  	[sflag:s11] =	ssyncset.done $0x0  }
0xa3: {  	[sflag:s11] =	ssyncadd.s32 $0xFFFFFF80  }
0xa4: {  	[tilespmem:s14], [sflag:$0x1] =	stream.indirect.gather [hbm4b:s4+s13], $0x80, s3, s13, $0x2000b8;
	[tilespmem:$0x18C00] =	vst v63  }
0xa5: {  	_ =	swait.ge [sflag:s15], $0x4000  }
0xa6: {  	[sflag:s15] =	ssyncset.done $0x0  }
0xa7: {  	[sflag:s15] =	ssyncadd.s32 $0xFFFFC000  }
0xa8: {  	[spmem:s2] =	stream.indirect.scatter.add.f32 [tilespmem:s14], [sflag:$0x2], $0x80, s12, s13, $0x2000b8;
	[tilespmem:$0x18C00] =	vst v63  }
0xa9: {  	_ =	swait.ge [sflag:s16], $0x4000  }
0xaa: {  	s21 =	simm.s32 $0x20;
	s20 =	simm.s32 $0x10;
	[sflag:s16] =	ssyncset.done $0x0  }
.LBB2_4:
0xab: {  	s22 =	sadd.s32 s20, s9  }
0xac: {  	[sflag:s16] =	ssyncadd.s32 $0xFFFFC000;
	s23 =	smov.u32 s21;
	s24 =	sadd.s32 $0x10, s21  }
0xad: {  	[tilespmem:s3], [sflag:$0x3] =	stream.linear.gather [hbm4b:s22+s3], $0x80, $0x200038;
	[tilespmem:$0x18C00] =	vst v63  }
0xae: {  	p0 =	sne.s32 s21, $0x4F0;
	_ =	swait.ge [sflag:s11], $0x80  }
0xaf: {  	[sflag:s11] =	ssyncset.done $0x0  }
0xb0: {  	s21 =	sadd.s32 s20, s8;
	s20 =	smov.u32 s23;
	[sflag:s11] =	ssyncadd.s32 $0xFFFFFF80  }
0xb1: {  	[tilespmem:s12], [sflag:$0x3] =	stream.linear.gather [hbm4b:s21+s3], $0x80, $0x200038;
	[tilespmem:$0x18C00] =	vst v63  }
0xb2: {  	_ =	swait.ge [sflag:s11], $0x80  }
0xb3: {  	[sflag:s11] =	ssyncset.done $0x0  }
0xb4: {  	[sflag:s11] =	ssyncadd.s32 $0xFFFFFF80  }
0xb5: {  	[tilespmem:s14], [sflag:$0x1] =	stream.indirect.gather [hbm4b:s4+s13], $0x80, s3, s13, $0x2000b8;
	[tilespmem:$0x18C00] =	vst v63  }
0xb6: {  	_ =	swait.ge [sflag:s15], $0x4000  }
.Ltmp1:
0xb7: {  	[sflag:s15] =	ssyncset.done $0x0;
	(pc) =	sbr.rel @p0 .LBB2_4-.Ltmp1, $4  }
0xb8: {  	[sflag:s15] =	ssyncadd.s32 $0xFFFFC000  }
0xb9: {  	[spmem:s2] =	stream.indirect.scatter.add.f32 [tilespmem:s14], [sflag:$0x2], $0x80, s12, s13, $0x2000b8;
	[tilespmem:$0x18C00] =	vst v63  }
0xba: {  	_ =	swait.ge [sflag:s16], $0x4000  }
0xbb: {  	s21 =	smov.u32 s24;
	[sflag:s16] =	ssyncset.done $0x0  }
0xbc: {  	s21 =	sadd.s32 s20, s9;
	[sflag:s16] =	ssyncadd.s32 $0xFFFFC000  }
0xbd: {  	[tilespmem:s3], [sflag:$0x3] =	stream.linear.gather [hbm4b:s21+s3], $0x80, $0x200038;
	[tilespmem:$0x18C00] =	vst v63  }
0xbe: {  	_ =	swait.ge [sflag:s11], $0x80  }
0xbf: {  	[sflag:s11] =	ssyncset.done $0x0  }
0xc0: {  	s31 =	sadd.s32 s20, s8;
	[sflag:s11] =	ssyncadd.s32 $0xFFFFFF80  }
0xc1: {  	[tilespmem:s12], [sflag:$0x3] =	stream.linear.gather [hbm4b:s31+s3], $0x80, $0x200038;
	[tilespmem:$0x18C00] =	vst v63  }
0xc2: {  	_ =	swait.ge [sflag:s11], $0x80  }
0xc3: {  	[sflag:s11] =	ssyncset.done $0x0  }
0xc4: {  	[sflag:s11] =	ssyncadd.s32 $0xFFFFFF80  }
0xc5: {  	[tilespmem:s14], [sflag:$0x1] =	stream.indirect.gather [hbm4b:s4+s13], $0x80, s3, s13, $0x2000b8;
	[tilespmem:$0x18C00] =	vst v63  }
0xc6: {  	_ =	swait.ge [sflag:s15], $0x4000  }
0xc7: {  	[sflag:s15] =	ssyncset.done $0x0  }
0xc8: {  	[sflag:s15] =	ssyncadd.s32 $0xFFFFC000  }
0xc9: {  	[spmem:s2] =	stream.indirect.scatter.add.f32 [tilespmem:s14], [sflag:$0x2], $0x80, s12, s13, $0x2000b8;
	[tilespmem:$0x18C00] =	vst v63  }
0xca: {  	_ =	swait.ge [sflag:s16], $0x4000  }
0xcb: {  	[sflag:s16] =	ssyncset.done $0x0  }
0xcc: {  	[sflag:s16] =	ssyncadd.s32 $0xFFFFC000  }
0xcd: {  	[bflag:$0x0] =	sbarrier.arrive $0xFFFF  }
0xce: {  	s19 =	sadd.s32 $0x1, s19;
	_ =	strace $0x9000004F  }
0xcf: {  	p0 =	sne.s32 s19, s7;
	_ =	strace $0x80000050  }
0xd0: {  	[hbm:s6], [sflag:s17] =	dma.local [spmem:s18], $0x2800  }
.Ltmp2:
0xd1: {  	_ = 	snop;
	(pc) =	sbr.rel @p0 .LBB2_1-.Ltmp2, $4  }
0xd2: {  	_ =	swait.ge [sflag:s11], $0x2800  }
0xd3: {  	[sflag:s11] =	ssyncset.done $0x0  }
0xd4: {  	[sflag:s11] =	ssyncadd.s32 $0xFFFFD800  }
0xd5: {  	_ =	strace $0x90000050  }
0xd6: {  	_ =	sfence.sel $0x180000  }
0xd7: {  	[bflag:$0x0] =	sbarrier.arrive $0xFFFF  }
0xd8: {  	p0 =	sne.s32 s0, $0x0;
	_ =	strace $0x9000004D  }
0xd9: {  	s0 =	sadd.s32 @!p0 $0x100000, s1;
	[bflag:$0x2] =	sbarrier.arrive $0xFFFF  }
0xda: {  	[sflag:s0] =	ssyncadd.tile.s32 @!p0 $0x1;
	_ =	shalt  }
.Lfunc_end2:
_tile_overlayer_lowered:
.L_overlay_start_2:
0xdb: {  	(tag) =	ssettag $0x2  }
0xdc: {  	s0 =	rddreg [dreg:$0x0];
	s2 =	stileid.u32  }
0xdd: {  	s1 =	rddreg [dreg:$0x1];
	p0 =	sne.s32 s2, $0x0  }
0xde: {  	s3 =	rddreg [dreg:$0x2];
	[bflag:$0x3] =	sbarrier.arrive $0xFFFF;
	s2 =	simm.s32 @!p0 $0x1C03  }
0xdf: {  	[timem:s3], [sflag:s2] =	dma.local @!p0 [hbm:s0], s1  }
0xe0: {  	s0 =	simm.s32 @!p0 $0x3  }
0xe1: {  	_ =	swait.ge @!p0 [sflag:s0], s1  }
0xe2: {  	s1 =	ssub.s32 @!p0 $0x0, s1;
	[sflag:s0] =	ssyncset.done @!p0 $0x0  }
0xe3: {  	[sflag:s0] =	ssyncadd.s32 @!p0 s1  }
0xe4: {  	[bflag:$0x3] =	sbarrier.arrive $0xFFFF  }
0xe5: {  	_ =	shalt  }

// kernel: sage_spmm_cnt.3.cloned.1.call-start
scs
__scs_entry_jumppad:
0x0: {  	(pc) =	sbr.rel $0x88, $3  }
0x1: {  	(tag) =	ssettag $0x0;
	lr =	simm.s32 $0x1  }
0x2: {  	[smem:$0x3F99] =	sst lr;
	_ =	strace $0xD0000000  }
0x3: {  	_ = 	snop  }
0x4: {  	_ = 	snop  }
0x5: {  	_ = 	snop  }
0x6: {  	_ = 	snop  }
0x7: {  	_ = 	snop  }
__scs_overlays_trampoline_lowered:
0x8: {  	[smem:$0x3FA8] =	sst s0  }
0x9: {  	[smem:$0x3FA9] =	sst s1  }
0xa: {  	[smem:$0x3FAA] =	sst s2  }
0xb: {  	[smem:$0x3FAB] =	sst s3  }
0xc: {  	[smem:$0x3FAC] =	sst s4  }
0xd: {  	[smem:$0x3FAD] =	sst s5  }
0xe: {  	[smem:$0x3FAE] =	sst s6  }
0xf: {  	[smem:$0x3FAF] =	sst s7  }
0x10: {  	[smem:$0x3FB0] =	sst s8  }
0x11: {  	[smem:$0x3FB1] =	sst s9;
	s0 =	simm.s32 @!p0 $0x0  }
0x12: {  	s1 =	sld [smem:$0x3F97];
	s0 =	simm.s32 @p0 $0x1  }
0x13: {  	[smem:$0x3FB2] =	sst s0;
	s0 =	simm.s32 @!p1 $0x0  }
0x14: {  	s2 =	sld [smem:$0x3F96];
	s0 =	simm.s32 @p1 $0x1  }
0x15: {  	[smem:$0x3FB3] =	sst s0;
	s0 =	simm.s32 @!p2 $0x0  }
0x16: {  	s3 =	sld [smem:$0x3FDB];
	s0 =	simm.s32 @p2 $0x1  }
0x17: {  	s4 =	simm.s32 $0x1BF5;
	[smem:$0x3FB5] =	sst s0  }
0x18: {  	s0 =	sld [smem:$0x3F98];
	_ =	swait.ge [sflag:s4], $0x0  }
0x19: {  	s7 =	sld [smem:$0x3F99]  }
0x1a: {  	s8 =	sadd.s32 $0xFFFFE003, lr  }
0x1b: {  	s9 =	sadd.s32 $0xFFFFFEF7, lr;
	s5 =	simm.s32 $0xFFFFFFFF;
	p2 =	slt.u32 s8, $0xFFFFF086  }
0x1c: {  	p1 =	slt.u32 s9, $0xF7A;
	s5 =	simm.s32 @!p2 $0x0  }
0x1d: {  	s5 =	simm.s32 @p1 $0x1;
	p0 =	seq.s32 s7, s2  }
0x1e: {  	s7 =	smul.u32 @!p0 $0xF7A, s2;
	p2 =	seq.s32 @!p0 s5, $0x0  }
0x1f: {  	s9 =	smul.u32 $0xF7A, s1;
	s8 =	simm.s32 @!p0 $0x1BF5;
	p2 =	por !p2, p0  }
0x20: {  	[sflag:s8] =	ssyncset.s32 @!p0 $0xFFFFF086;
	s6 =	sadd.s32 @!p0 s3, s7;
	s7 =	simm.s32 @!p0 $0x108  }
0x21: {  	s3 =	sadd.s32 s3, s9;
	s6 =	sadd.s32 @!p0 $0x88, s6;
	s7 =	simm.s32 @p2 $0x1082  }
0x22: {  	[simem:s7], [sflag:s8] =	dma.local @!p0 [hbm:s6], $0xF7A  }
0x23: {  	s9 =	sor.u32 $0xD0000000, s2;
	s6 =	simm.s32 $0x108;
	_ =	swait.ge @!p0 [sflag:s8], $0x0  }
0x24: {  	s3 =	sadd.s32 $0x88, s3;
	s6 =	simm.s32 @!p1 $0x1082;
	[sflag:s4] =	ssyncset.s32 $0xFFFFF086  }
0x25: {  	[simem:s6], [sflag:s4] =	dma.local [hbm:s3], $0xF7A  }
0x26: {  	[smem:$0x3F99] =	sst s1;
	(tag) =	ssettag s2;
	_ =	strace s9  }
0x27: {  	s1 =	sld [smem:$0x3FA9]  }
0x28: {  	s2 =	sld [smem:$0x3FAA]  }
0x29: {  	s4 =	sld [smem:$0x3FAC]  }
0x2a: {  	p0 =	seq.s32 s5, $0x0;
	s5 =	sld [smem:$0x3FAD]  }
0x2b: {  	s6 =	sld [smem:$0x3FAE]  }
0x2c: {  	s7 =	sld [smem:$0x3FAF]  }
0x2d: {  	s3 =	simm.s32 $0x108;
	s8 =	sld [smem:$0x3FB0]  }
0x2e: {  	s3 =	simm.s32 @!p0 $0x1082;
	s9 =	sld [smem:$0x3FB1]  }
0x2f: {  	lr =	sadd.s32 s0, s3;
	s0 =	sld [smem:$0x3FA8]  }
0x30: {  	s3 =	sld [smem:$0x3FAB]  }
0x31: {  	[smem:$0x3FB4] =	sst s10  }
0x32: {  	s10 =	sld [smem:$0x3FB2];
	_ =	sdelay $0x3  }
0x33: {  	p0 =	seq.s32 s10, $0x1;
	s10 =	sld [smem:$0x3FB4];
	_ =	sdelay $0x3  }
0x34: {  	[smem:$0x3FB4] =	sst s10  }
0x35: {  	s10 =	sld [smem:$0x3FB3];
	_ =	sdelay $0x3  }
0x36: {  	p1 =	seq.s32 s10, $0x1;
	s10 =	sld [smem:$0x3FB4];
	_ =	sdelay $0x3  }
0x37: {  	[smem:$0x3FB4] =	sst s10  }
0x38: {  	s10 =	sld [smem:$0x3FB5]  }
0x39: {  	_ = 	snop;
	(pc) =	sbr.ind lr, $3  }
0x3a: {  	_ = 	snop  }
0x3b: {  	_ = 	snop  }
0x3c: {  	p2 =	seq.s32 s10, $0x1;
	s10 =	sld [smem:$0x3FB4]  }
0x3d: {  	_ =	shalt  }
0x3e: {  	_ =	shalt  }
0x3f: {  	_ =	shalt  }
0x40: {  	_ =	shalt  }
0x41: {  	_ =	shalt  }
0x42: {  	_ =	shalt  }
0x43: {  	_ =	shalt  }
0x44: {  	_ =	shalt  }
0x45: {  	_ =	shalt  }
0x46: {  	_ =	shalt  }
0x47: {  	_ =	shalt  }
0x48: {  	_ =	shalt  }
0x49: {  	_ =	shalt  }
0x4a: {  	_ =	shalt  }
0x4b: {  	_ =	shalt  }
0x4c: {  	_ =	shalt  }
0x4d: {  	_ =	shalt  }
0x4e: {  	_ =	shalt  }
0x4f: {  	_ =	shalt  }
0x50: {  	_ =	shalt  }
0x51: {  	_ =	shalt  }
0x52: {  	_ =	shalt  }
0x53: {  	_ =	shalt  }
0x54: {  	_ =	shalt  }
0x55: {  	_ =	shalt  }
0x56: {  	_ =	shalt  }
0x57: {  	_ =	shalt  }
0x58: {  	_ =	shalt  }
0x59: {  	_ =	shalt  }
0x5a: {  	_ =	shalt  }
0x5b: {  	_ =	shalt  }
0x5c: {  	_ =	shalt  }
0x5d: {  	_ =	shalt  }
0x5e: {  	_ =	shalt  }
0x5f: {  	_ =	shalt  }
0x60: {  	_ =	shalt  }
0x61: {  	_ =	shalt  }
0x62: {  	_ =	shalt  }
0x63: {  	_ =	shalt  }
0x64: {  	_ =	shalt  }
0x65: {  	_ =	shalt  }
0x66: {  	_ =	shalt  }
0x67: {  	_ =	shalt  }
0x68: {  	_ =	shalt  }
0x69: {  	_ =	shalt  }
0x6a: {  	_ =	shalt  }
0x6b: {  	_ =	shalt  }
0x6c: {  	_ =	shalt  }
0x6d: {  	_ =	shalt  }
0x6e: {  	_ =	shalt  }
0x6f: {  	_ =	shalt  }
0x70: {  	_ =	shalt  }
0x71: {  	_ =	shalt  }
0x72: {  	_ =	shalt  }
0x73: {  	_ =	shalt  }
0x74: {  	_ =	shalt  }
0x75: {  	_ =	shalt  }
0x76: {  	_ =	shalt  }
0x77: {  	_ =	shalt  }
0x78: {  	_ =	shalt  }
0x79: {  	_ =	shalt  }
0x7a: {  	_ =	shalt  }
0x7b: {  	_ =	shalt  }
0x7c: {  	_ =	shalt  }
0x7d: {  	_ =	shalt  }
0x7e: {  	_ =	shalt  }
0x7f: {  	_ =	shalt  }
0x80: {  	_ =	shalt  }
0x81: {  	_ =	shalt  }
0x82: {  	_ =	shalt  }
0x83: {  	_ =	shalt  }
0x84: {  	_ =	shalt  }
0x85: {  	_ =	shalt  }
0x86: {  	_ =	shalt  }
0x87: {  	_ =	shalt  }
.Lfunc_end0:
.L_simem_size_0:
called_computation_lowered:
.L_overlay_start_0:
0x88: {  	s2 =	sld [smem:$0x3FD9]  }
0x89: {  	s3 =	sld [smem:$0x3FFE];
	_ =	sdelay $0x1  }
0x8a: {  	s1 =	srdreg.scid  }
0x8b: {  	s0 =	sand.u32 $0x1, s1  }
0x8c: {  	s17 =	sshll.u32 s0, $0xA;
	s2 =	sadd.s32 s3, s2  }
0x8d: {  	s2 =	sadd.s32 s2, s17  }
0x8e: {  	[smem:$0x3FC0] =	sst s2  }
0x8f: {  	_ = 	snop  }
0x90: {  	s2 =	sld [smem:$0x3FD0];
	(tm) =	ssettm $0x1  }
0x91: {  	s18 =	sld [smem:$0x3FFB];
	_ =	sdelay $0x3  }
0x92: {  	_ =	strace s18  }
0x93: {  	s3 =	sld [smem:$0x3FFC];
	_ =	sdelay $0x3  }
0x94: {  	_ =	strace s3  }
0x95: {  	s3 =	sld [smem:$0x3FFD];
	_ =	sdelay $0x3  }
0x96: {  	_ =	strace s3  }
0x97: {  	_ =	strace $0x8FFFFFFF  }
0x98: {  	s19 =	sld [smem:$0x3FDB];
	_ =	sdelay $0x1  }
0x99: {  	s4 =	simm.s32 $_scs_section_size  }
0x9a: {  	s5 =	simm.s32 $_size__tile_overlayer_lowered;
	s6 =	simm.s32 $_tile_overlayer_lowered  }
0x9b: {  	s22 =	simm.s32 $0x1BFF;
	s21 =	sshll.u32 s6, $0x1;
	s3 =	sadd.s32 s4, s19  }
0x9c: {  	s7 =	simm.s32 $0x0;
	s20 =	sshll.u32 s5, $0x1;
	s5 =	sadd.s32 s21, s3  }
0x9d: {  	[timem:s7], [sflag:s22] =	dma.local [hbm:s5], s20  }
0x9e: {  	_ =	swait.ge [sflag:s22], s20  }
0x9f: {  	s4 =	ssub.s32 $0x0, s20;
	[sflag:s22] =	ssyncset.done $0x0  }
0xa0: {  	[sflag:s22] =	ssyncadd.s32 s4;
	_ =	sdelay $0x1  }
0xa1: {  	s23 =	simm.s32 $0x1B8B  }
0xa2: {  	_ =	swait.ge [sflag:s23], $0x1  }
0xa3: {  	[sflag:s23] =	ssyncset.done $0x0  }
0xa4: {  	s25 =	simm.s32 $0x1B8E;
	s24 =	sld [smem:$0x3FFE];
	[sflag:s23] =	ssyncadd.s32 $0xFFFFFFFF  }
0xa5: {  	s26 =	simm.s32 $execute0_lowered;
	[smem:$0x3FD2] =	sst s25  }
0xa6: {  	s5 =	sshll.u32 s26, $0x1;
	_ =	strace $0x80000046;
	[dreg:$0x1] =	wrdreg $0xFFFFFFFF  }
0xa7: {  	s28 =	simm.s32 $_size_execute0_lowered;
	s3 =	sadd.s32 s3, s5;
	[dreg:$0x0] =	wrdreg $0x0  }
0xa8: {  	s5 =	sshll.u32 s28, $0x1;
	[dreg:$0x2] =	wrdreg s3  }
0xa9: {  	[dreg:$0x3] =	wrdreg s5  }
0xaa: {  	[dreg:$0x4] =	wrdreg $0xC0  }
0xab: {  	_ =	task [dreg:s7], $0x5FFFF  }
0xac: {  	[dreg:$0x1] =	wrdreg $0xFFFFFFFF  }
0xad: {  	[dreg:$0x0] =	wrdreg $0x60  }
0xae: {  	[dreg:$0x2] =	wrdreg s24  }
0xaf: {  	[dreg:$0x3] =	wrdreg s2  }
0xb0: {  	[dreg:$0x4] =	wrdreg $0x4C800  }
0xb1: {  	[dreg:$0x5] =	wrdreg $0x18C800  }
0xb2: {  	[dreg:$0x6] =	wrdreg $0x9  }
0xb3: {  	_ =	task.clear_ibuf [dreg:s7], $0x7FFFF;
	_ =	strace $0x90000046  }
0xb4: {  	s29 =	simm.s32 $0x9;
	_ =	strace $0x8000004B  }
0xb5: {  	_ =	swait.ge [sflag:s29], $0x1  }
0xb6: {  	[sflag:s29] =	ssyncadd.s32 $0xFFFFFFFF  }
0xb7: {  	_ =	strace $0x9000004B  }
0xb8: {  	_ =	sfence  }
0xb9: {  	s30 =	sld [smem:$0x0];
	_ =	sdelay $0x2  }
0xba: {  	s31 =	sshll.u32 s1, $0xD;
	s1 =	sshrl.u32 s1, $0x2  }
0xbb: {  	s3 =	sand.u32 $0x4000, s31;
	s1 =	sadd.s32 s1, s30  }
0xbc: {  	s0 =	sor.u32 s3, s0;
	s1 =	sshll.u32 s1, $0x11  }
0xbd: {  	s0 =	sor.u32 s1, s0  }
0xbe: {  	s0 =	sadd.s32 $0x8F2B, s0  }
0xbf: {  	[sflag:s0] =	ssyncadd.remote.s32 $0x1  }
0xc0: {  	_ =	sfence.sel $0xFFFF  }
0xc1: {  	[dreg:$0x0] =	wrdreg $0xFFFFFFFF;
	(pc) =	sbr.abs _section_cstart, $3  }
0xc2: {  	[dreg:$0x1] =	wrdreg $0xFFFFFFFF  }
0xc3: {  	_ =	task.clear_ibuf [dreg:s7], $0x2FFFF;
	_ =	strace $0x9FFFFFFF  }
0xc4: {  	(tm) =	ssettm $0x7FFFFFFF  }
0xc5: {  	_ =	shalt  }
tec
execute0_lowered:
.L_overlay_start_1:
0x0: {  	(tag) =	ssettag $0x1  }
0x1: {  	s6 =	rddreg [dreg:$0x0]  }
0x2: {  	s14 =	rddreg [dreg:$0x1]  }
0x3: {  	s0 =	stileid.u32;
	s2 =	rddreg [dreg:$0x2]  }
0x4: {  	s1 =	srdreg.scid;
	s3 =	rddreg [dreg:$0x3]  }
0x5: {  	s4 =	simm.s32 $0x0;
	s20 =	simm.s32 $0x80;
	s15 =	smul.u32 $0xA00, s0  }
0x6: {  	s21 =	simm.s32 $0x400;
	s22 =	simm.s32 $0x1;
	s8 =	smul.u32 $0x14000, s0  }
0x7: {  	s28 =	simm.s32 $0x10;
	s29 =	simm.s32 $0x0;
	s9 =	smul.u32 $0x500, s0  }
0x8: {  	s10 =	sand.u32 $0x1, s1;
	[smem:$0x7FF] =	sst s4;
	s24 =	smul.u32 $0x50000, s0  }
0x9: {  	s5 =	sadd.s32 $0xC600, s6;
	s7 =	smul.u32 $0x140000, s10;
	_ =	strace $0x80000047  }
0xa: {  	s11 =	sshll.u32 s10, $0x7;
	s25 =	ssub.s32 $0x2, s10;
	s18 =	smul.u32 $0x500, s10  }
0xb: {  	s16 =	sadd.s32 s15, s6;
	s23 =	sor.u32 s11, s9;
	s26 =	sshrl.u32 s25, $0x1  }
0xc: {  	s30 =	sshrl.u32 s24, $0x2;
	s31 =	sshrl.u32 s15, $0x2;
	s19 =	sadd.s32 s15, s14  }
0xd: {  	s24 =	simm.s32 $0x2;
	s7 =	sadd.s32 s8, s7;
	s8 =	sshrl.u32 s23, $0x3  }
0xe: {  	s17 =	ssub.s32 s25, s26;
	s16 =	sadd.s32 s18, s16;
	s23 =	simm.s32 $0x4400  }
0xf: {  	s25 =	simm.s32 $0x3;
	s7 =	sshrl.u32 s7, $0x3;
	s13 =	sadd.s32 s8, s6  }
0x10: {  	s14 =	smax.u32 s17, $0x1;
	s15 =	sadd.s32 $0x2600, s16;
	s16 =	sadd.s32 s18, s19  }
0x11: {  	s17 =	simm.s32 $0x4480;
	s18 =	simm.s32 $0x4;
	s19 =	simm.s32 $0x200  }
0x12: {  	s12 =	sadd.s32 s7, s6;
	s6 =	sadd.s32 s30, s2;
	s7 =	sadd.s32 s31, s3  }
0x13: {  	s13 =	sadd.s32 $0x84600, s13;
	s8 =	sadd.s32 $0x80, s7;
	s9 =	sadd.s32 $0x100, s7  }
0x14: {  	v0 =	vimm.f32 $0.0e+00;
	v1 =	vimm.f32 $1.000000000e+00;
	s10 =	sadd.s32 $0x180, s7;
	s11 =	sadd.s32 $0x200, s7;
	s12 =	sadd.s32 $0x34600, s12  }
.LBB2_1:
0x15: {  	_ =	strace $0x80000048;
	[tilespmem:$0x4480] =	vst v0  }
0x16: {  	[tilespmem:$0x4490] =	vst v0  }
0x17: {  	[tilespmem:$0x44A0] =	vst v0  }
0x18: {  	[tilespmem:$0x44B0] =	vst v0  }
0x19: {  	[tilespmem:$0x44C0] =	vst v0  }
0x1a: {  	[tilespmem:$0x44D0] =	vst v0  }
0x1b: {  	[tilespmem:$0x44E0] =	vst v0  }
0x1c: {  	[tilespmem:$0x44F0] =	vst v0  }
0x1d: {  	[tilespmem:$0x4500] =	vst v0  }
0x1e: {  	[tilespmem:$0x4510] =	vst v0  }
0x1f: {  	[tilespmem:$0x4520] =	vst v0  }
0x20: {  	[tilespmem:$0x4530] =	vst v0  }
0x21: {  	[tilespmem:$0x4540] =	vst v0  }
0x22: {  	[tilespmem:$0x4550] =	vst v0  }
0x23: {  	[tilespmem:$0x4560] =	vst v0  }
0x24: {  	[tilespmem:$0x4570] =	vst v0  }
0x25: {  	[tilespmem:$0x4580] =	vst v0  }
0x26: {  	[tilespmem:$0x4590] =	vst v0  }
0x27: {  	[tilespmem:$0x45A0] =	vst v0  }
0x28: {  	[tilespmem:$0x45B0] =	vst v0  }
0x29: {  	[tilespmem:$0x45C0] =	vst v0  }
0x2a: {  	[tilespmem:$0x45D0] =	vst v0  }
0x2b: {  	[tilespmem:$0x45E0] =	vst v0  }
0x2c: {  	[tilespmem:$0x45F0] =	vst v0  }
0x2d: {  	[tilespmem:$0x4600] =	vst v0  }
0x2e: {  	[tilespmem:$0x4610] =	vst v0  }
0x2f: {  	[tilespmem:$0x4620] =	vst v0  }
0x30: {  	[tilespmem:$0x4630] =	vst v0  }
0x31: {  	[tilespmem:$0x4640] =	vst v0  }
0x32: {  	[tilespmem:$0x4650] =	vst v0  }
0x33: {  	[tilespmem:$0x4660] =	vst v0  }
0x34: {  	[tilespmem:$0x4670] =	vst v0  }
0x35: {  	[tilespmem:$0x4680] =	vst v0  }
0x36: {  	[tilespmem:$0x4690] =	vst v0  }
0x37: {  	[tilespmem:$0x46A0] =	vst v0  }
0x38: {  	[tilespmem:$0x46B0] =	vst v0  }
0x39: {  	[tilespmem:$0x46C0] =	vst v0  }
0x3a: {  	[tilespmem:$0x46D0] =	vst v0  }
0x3b: {  	[tilespmem:$0x46E0] =	vst v0  }
0x3c: {  	[tilespmem:$0x46F0] =	vst v0  }
0x3d: {  	[tilespmem:$0x4700] =	vst v0  }
0x3e: {  	[tilespmem:$0x4710] =	vst v0  }
0x3f: {  	[tilespmem:$0x4720] =	vst v0  }
0x40: {  	[tilespmem:$0x4730] =	vst v0  }
0x41: {  	[tilespmem:$0x4740] =	vst v0  }
0x42: {  	[tilespmem:$0x4750] =	vst v0  }
0x43: {  	[tilespmem:$0x4760] =	vst v0  }
0x44: {  	[tilespmem:$0x4770] =	vst v0  }
0x45: {  	[tilespmem:$0x4780] =	vst v0  }
0x46: {  	[tilespmem:$0x4790] =	vst v0  }
0x47: {  	[tilespmem:$0x47A0] =	vst v0  }
0x48: {  	[tilespmem:$0x47B0] =	vst v0  }
0x49: {  	[tilespmem:$0x47C0] =	vst v0  }
0x4a: {  	[tilespmem:$0x47D0] =	vst v0  }
0x4b: {  	[tilespmem:$0x47E0] =	vst v0  }
0x4c: {  	[tilespmem:$0x47F0] =	vst v0  }
0x4d: {  	[tilespmem:$0x4800] =	vst v0  }
0x4e: {  	[tilespmem:$0x4810] =	vst v0  }
0x4f: {  	[tilespmem:$0x4820] =	vst v0  }
0x50: {  	[tilespmem:$0x4830] =	vst v0  }
0x51: {  	[tilespmem:$0x4840] =	vst v0  }
0x52: {  	[tilespmem:$0x4850] =	vst v0  }
0x53: {  	[tilespmem:$0x4860] =	vst v0  }
0x54: {  	[tilespmem:$0x4870] =	vst v0  }
0x55: {  	[tilespmem:$0x4880] =	vst v0  }
0x56: {  	[tilespmem:$0x4890] =	vst v0  }
0x57: {  	[tilespmem:$0x48A0] =	vst v0  }
0x58: {  	[tilespmem:$0x48B0] =	vst v0  }
0x59: {  	[tilespmem:$0x48C0] =	vst v0  }
0x5a: {  	[tilespmem:$0x48D0] =	vst v0  }
0x5b: {  	[tilespmem:$0x48E0] =	vst v0  }
0x5c: {  	[tilespmem:$0x48F0] =	vst v0  }
0x5d: {  	[tilespmem:$0x4900] =	vst v0  }
0x5e: {  	[tilespmem:$0x4910] =	vst v0  }
0x5f: {  	[tilespmem:$0x4920] =	vst v0  }
0x60: {  	[tilespmem:$0x4930] =	vst v0  }
0x61: {  	[tilespmem:$0x4940] =	vst v0  }
0x62: {  	[tilespmem:$0x4950] =	vst v0  }
0x63: {  	[tilespmem:$0x4960] =	vst v0  }
0x64: {  	[tilespmem:$0x4970] =	vst v0  }
0x65: {  	[tilespmem:$0x4980] =	vst v0  }
0x66: {  	[tilespmem:$0x4990] =	vst v0  }
0x67: {  	[tilespmem:$0x49A0] =	vst v0  }
0x68: {  	[tilespmem:$0x49B0] =	vst v0  }
0x69: {  	[tilespmem:$0x49C0] =	vst v0  }
0x6a: {  	[tilespmem:$0x49D0] =	vst v0  }
0x6b: {  	[tilespmem:$0x49E0] =	vst v0  }
0x6c: {  	[tilespmem:$0x49F0] =	vst v0  }
0x6d: {  	[tilespmem:$0x4A00] =	vst v0  }
0x6e: {  	[tilespmem:$0x4A10] =	vst v0  }
0x6f: {  	[tilespmem:$0x4A20] =	vst v0  }
0x70: {  	[tilespmem:$0x4A30] =	vst v0  }
0x71: {  	[tilespmem:$0x4A40] =	vst v0  }
0x72: {  	[tilespmem:$0x4A50] =	vst v0  }
0x73: {  	[tilespmem:$0x4A60] =	vst v0  }
0x74: {  	[tilespmem:$0x4A70] =	vst v0  }
0x75: {  	[tilespmem:$0x4A80] =	vst v0  }
0x76: {  	[tilespmem:$0x4A90] =	vst v0  }
0x77: {  	[tilespmem:$0x4AA0] =	vst v0  }
0x78: {  	[tilespmem:$0x4AB0] =	vst v0  }
0x79: {  	[tilespmem:$0x4AC0] =	vst v0  }
0x7a: {  	[tilespmem:$0x4AD0] =	vst v0  }
0x7b: {  	[tilespmem:$0x4AE0] =	vst v0  }
0x7c: {  	[tilespmem:$0x4AF0] =	vst v0  }
0x7d: {  	[tilespmem:$0x4B00] =	vst v0  }
0x7e: {  	[tilespmem:$0x4B10] =	vst v0  }
0x7f: {  	[tilespmem:$0x4B20] =	vst v0  }
0x80: {  	[tilespmem:$0x4B30] =	vst v0  }
0x81: {  	[tilespmem:$0x4B40] =	vst v0  }
0x82: {  	[tilespmem:$0x4B50] =	vst v0  }
0x83: {  	[tilespmem:$0x4B60] =	vst v0  }
0x84: {  	[tilespmem:$0x4B70] =	vst v0  }
0x85: {  	[tilespmem:$0x4B80] =	vst v0  }
0x86: {  	[tilespmem:$0x4B90] =	vst v0  }
0x87: {  	[tilespmem:$0x4BA0] =	vst v0  }
0x88: {  	[tilespmem:$0x4BB0] =	vst v0  }
0x89: {  	[tilespmem:$0x4BC0] =	vst v0  }
0x8a: {  	[tilespmem:$0x4BD0] =	vst v0  }
0x8b: {  	[tilespmem:$0x4BE0] =	vst v0  }
0x8c: {  	[tilespmem:$0x4BF0] =	vst v0  }
0x8d: {  	[tilespmem:$0x4C00] =	vst v0  }
0x8e: {  	[tilespmem:$0x4C10] =	vst v0  }
0x8f: {  	[tilespmem:$0x4C20] =	vst v0  }
0x90: {  	[tilespmem:$0x4C30] =	vst v0  }
0x91: {  	[tilespmem:$0x4C40] =	vst v0  }
0x92: {  	[tilespmem:$0x4C50] =	vst v0  }
0x93: {  	[tilespmem:$0x4C60] =	vst v0  }
0x94: {  	[tilespmem:$0x4C70] =	vst v0;
	s30 =	sadd.s32 $0x0, s6  }
0x95: {  	[spmem:s30] =	stream.linear.scatter [tilespmem:s17], [sflag:$0x4], $0x800, $0x200038;
	[tilespmem:$0x18F00] =	vst v63  }
0x96: {  	s30 =	simm.s32 $0x2000;
	_ =	swait.ge [sflag:s18], $0x800  }
.LBB2_2:
0x97: {  	s31 =	sshra.s32 s30, $0x2;
	[sflag:s18] =	ssyncset.done $0x0;
	p0 =	sne.s32 s30, $0x4E000  }
.Ltmp0:
0x98: {  	s31 =	sadd.s32 s31, s6;
	[sflag:s18] =	ssyncadd.s32 $0xFFFFF800;
	(pc) =	sbr.rel @p0 .LBB2_2-.Ltmp0, $3  }
0x99: {  	[spmem:s31] =	stream.linear.scatter [tilespmem:s17], [sflag:$0x4], $0x800, $0x200038;
	[tilespmem:$0x18F00] =	vst v63  }
0x9a: {  	s30 =	sadd.s32 $0x2000, s30;
	_ =	sdelay $0x1  }
0x9b: {  	_ =	swait.ge [sflag:s18], $0x800  }
0x9c: {  	[sflag:s18] =	ssyncset.done $0x0  }
0x9d: {  	[sflag:s18] =	ssyncadd.s32 $0xFFFFF800  }
0x9e: {  	[tilespmem:$0x4400] =	vst v1  }
0x9f: {  	[tilespmem:$0x4410] =	vst v1  }
0xa0: {  	[tilespmem:$0x4420] =	vst v1  }
0xa1: {  	[tilespmem:$0x4430] =	vst v1  }
0xa2: {  	[tilespmem:$0x4440] =	vst v1  }
0xa3: {  	[tilespmem:$0x4450] =	vst v1  }
0xa4: {  	[tilespmem:$0x4460] =	vst v1  }
0xa5: {  	[tilespmem:$0x4470] =	vst v1  }
0xa6: {  	[spmem:s7] =	stream.linear.scatter [tilespmem:s17], [sflag:$0x4], $0x80, $0x200038;
	[tilespmem:$0x18F00] =	vst v63  }
0xa7: {  	_ =	swait.ge [sflag:s18], $0x80  }
0xa8: {  	[sflag:s18] =	ssyncset.done $0x0  }
0xa9: {  	[sflag:s18] =	ssyncadd.s32 $0xFFFFFF80  }
0xaa: {  	[spmem:s8] =	stream.linear.scatter [tilespmem:s17], [sflag:$0x4], $0x80, $0x200038;
	[tilespmem:$0x18F00] =	vst v63  }
0xab: {  	_ =	swait.ge [sflag:s18], $0x80  }
0xac: {  	[sflag:s18] =	ssyncset.done $0x0  }
0xad: {  	[sflag:s18] =	ssyncadd.s32 $0xFFFFFF80  }
0xae: {  	[spmem:s9] =	stream.linear.scatter [tilespmem:s17], [sflag:$0x4], $0x80, $0x200038;
	[tilespmem:$0x18F00] =	vst v63  }
0xaf: {  	_ =	swait.ge [sflag:s18], $0x80  }
0xb0: {  	[sflag:s18] =	ssyncset.done $0x0  }
0xb1: {  	[sflag:s18] =	ssyncadd.s32 $0xFFFFFF80  }
0xb2: {  	[spmem:s10] =	stream.linear.scatter [tilespmem:s17], [sflag:$0x4], $0x80, $0x200038;
	[tilespmem:$0x18F00] =	vst v63  }
0xb3: {  	_ =	swait.ge [sflag:s18], $0x80  }
0xb4: {  	[sflag:s18] =	ssyncset.done $0x0  }
0xb5: {  	[sflag:s18] =	ssyncadd.s32 $0xFFFFFF80  }
0xb6: {  	[spmem:s11] =	stream.linear.scatter [tilespmem:s17], [sflag:$0x4], $0x80, $0x200038;
	[tilespmem:$0x18F00] =	vst v63  }
0xb7: {  	_ =	swait.ge [sflag:s18], $0x80  }
0xb8: {  	[sflag:s18] =	ssyncset.done $0x0  }
0xb9: {  	[sflag:s18] =	ssyncadd.s32 $0xFFFFFF80  }
0xba: {  	[bflag:$0x0] =	sbarrier.arrive $0xFFFF  }
0xbb: {  	_ =	strace $0x90000048  }
0xbc: {  	s30 =	sadd.s32 $0x0, s16;
	_ =	strace $0x80000049  }
0xbd: {  	[tilespmem:s4], [sflag:$0x4] =	stream.linear.gather [hbm4b:s30+s4], $0x80, $0x200038;
	[tilespmem:$0x18F00] =	vst v63  }
0xbe: {  	_ =	swait.ge [sflag:s18], $0x80  }
0xbf: {  	[sflag:s18] =	ssyncset.done $0x0  }
0xc0: {  	s30 =	sadd.s32 $0x0, s15;
	[sflag:s18] =	ssyncadd.s32 $0xFFFFFF80  }
0xc1: {  	[tilespmem:s19], [sflag:$0x4] =	stream.linear.gather [hbm4b:s30+s4], $0x80, $0x200038;
	[tilespmem:$0x18F00] =	vst v63  }
0xc2: {  	_ =	swait.ge [sflag:s18], $0x80  }
0xc3: {  	[sflag:s18] =	ssyncset.done $0x0  }
0xc4: {  	[sflag:s18] =	ssyncadd.s32 $0xFFFFFF80  }
0xc5: {  	[tilespmem:s21], [sflag:$0x1] =	stream.indirect.gather [hbm4b:s5+s20], $0x80, s4, s20, $0x2000b8;
	[tilespmem:$0x18F00] =	vst v63  }
0xc6: {  	_ =	swait.ge [sflag:s22], $0x4000  }
0xc7: {  	[sflag:s22] =	ssyncset.done $0x0  }
0xc8: {  	[sflag:s22] =	ssyncadd.s32 $0xFFFFC000  }
0xc9: {  	[spmem:s2] =	stream.indirect.scatter.add.f32 [tilespmem:s21], [sflag:$0x2], $0x80, s19, s20, $0x2000b8;
	[tilespmem:$0x18F00] =	vst v63  }
0xca: {  	_ = 	snop  }
0xcb: {  	[spmem:s3] =	stream.indirect.scatter.add.f32 [tilespmem:s23], [sflag:$0x3], $0x1, s19, s20, $0x2000b8;
	[tilespmem:$0x18F00] =	vst v63  }
0xcc: {  	_ =	swait.ge [sflag:s24], $0x4000  }
0xcd: {  	[sflag:s24] =	ssyncset.done $0x0  }
0xce: {  	[sflag:s24] =	ssyncadd.s32 $0xFFFFC000  }
0xcf: {  	_ =	swait.ge [sflag:s25], $0x80  }
0xd0: {  	s31 =	simm.s32 $0x20;
	s30 =	simm.s32 $0x10;
	[sflag:s25] =	ssyncset.done $0x0  }
.LBB2_4:
0xd1: {  	s1 =	sadd.s32 s30, s16  }
0xd2: {  	[sflag:s25] =	ssyncadd.s32 $0xFFFFFF80;
	s0 =	smov.u32 s31;
	s26 =	sadd.s32 $0x10, s31  }
0xd3: {  	[tilespmem:s4], [sflag:$0x4] =	stream.linear.gather [hbm4b:s1+s4], $0x80, $0x200038;
	[tilespmem:$0x18F00] =	vst v63  }
0xd4: {  	p0 =	sne.s32 s31, $0x4F0;
	_ =	swait.ge [sflag:s18], $0x80  }
0xd5: {  	[sflag:s18] =	ssyncset.done $0x0  }
0xd6: {  	s1 =	sadd.s32 s30, s15;
	s30 =	smov.u32 s0;
	[sflag:s18] =	ssyncadd.s32 $0xFFFFFF80  }
0xd7: {  	[tilespmem:s19], [sflag:$0x4] =	stream.linear.gather [hbm4b:s1+s4], $0x80, $0x200038;
	[tilespmem:$0x18F00] =	vst v63  }
0xd8: {  	_ =	swait.ge [sflag:s18], $0x80  }
0xd9: {  	[sflag:s18] =	ssyncset.done $0x0  }
0xda: {  	[sflag:s18] =	ssyncadd.s32 $0xFFFFFF80  }
0xdb: {  	[tilespmem:s21], [sflag:$0x1] =	stream.indirect.gather [hbm4b:s5+s20], $0x80, s4, s20, $0x2000b8;
	[tilespmem:$0x18F00] =	vst v63  }
0xdc: {  	_ =	swait.ge [sflag:s22], $0x4000  }
0xdd: {  	[sflag:s22] =	ssyncset.done $0x0  }
0xde: {  	[sflag:s22] =	ssyncadd.s32 $0xFFFFC000  }
0xdf: {  	[spmem:s2] =	stream.indirect.scatter.add.f32 [tilespmem:s21], [sflag:$0x2], $0x80, s19, s20, $0x2000b8;
	[tilespmem:$0x18F00] =	vst v63  }
0xe0: {  	_ = 	snop  }
0xe1: {  	[spmem:s3] =	stream.indirect.scatter.add.f32 [tilespmem:s23], [sflag:$0x3], $0x1, s19, s20, $0x2000b8;
	[tilespmem:$0x18F00] =	vst v63  }
.Ltmp1:
0xe2: {  	_ =	swait.ge [sflag:s24], $0x4000;
	(pc) =	sbr.rel @p0 .LBB2_4-.Ltmp1, $4  }
0xe3: {  	[sflag:s24] =	ssyncset.done $0x0  }
0xe4: {  	[sflag:s24] =	ssyncadd.s32 $0xFFFFC000  }
0xe5: {  	_ =	swait.ge [sflag:s25], $0x80  }
0xe6: {  	s31 =	smov.u32 s26;
	[sflag:s25] =	ssyncset.done $0x0  }
0xe7: {  	s0 =	sadd.s32 s30, s16;
	[sflag:s25] =	ssyncadd.s32 $0xFFFFFF80  }
0xe8: {  	[tilespmem:s4], [sflag:$0x4] =	stream.linear.gather [hbm4b:s0+s4], $0x80, $0x200038;
	[tilespmem:$0x18F00] =	vst v63  }
0xe9: {  	_ =	swait.ge [sflag:s18], $0x80  }
0xea: {  	[sflag:s18] =	ssyncset.done $0x0  }
0xeb: {  	s26 =	sadd.s32 s30, s15;
	[sflag:s18] =	ssyncadd.s32 $0xFFFFFF80  }
0xec: {  	[tilespmem:s19], [sflag:$0x4] =	stream.linear.gather [hbm4b:s26+s4], $0x80, $0x200038;
	[tilespmem:$0x18F00] =	vst v63  }
0xed: {  	_ =	swait.ge [sflag:s18], $0x80  }
0xee: {  	[sflag:s18] =	ssyncset.done $0x0  }
0xef: {  	[sflag:s18] =	ssyncadd.s32 $0xFFFFFF80  }
0xf0: {  	[tilespmem:s21], [sflag:$0x1] =	stream.indirect.gather [hbm4b:s5+s20], $0x80, s4, s20, $0x2000b8;
	[tilespmem:$0x18F00] =	vst v63  }
0xf1: {  	_ =	swait.ge [sflag:s22], $0x4000  }
0xf2: {  	[sflag:s22] =	ssyncset.done $0x0  }
0xf3: {  	[sflag:s22] =	ssyncadd.s32 $0xFFFFC000  }
0xf4: {  	[spmem:s2] =	stream.indirect.scatter.add.f32 [tilespmem:s21], [sflag:$0x2], $0x80, s19, s20, $0x2000b8;
	[tilespmem:$0x18F00] =	vst v63  }
0xf5: {  	_ = 	snop  }
0xf6: {  	[spmem:s3] =	stream.indirect.scatter.add.f32 [tilespmem:s23], [sflag:$0x3], $0x1, s19, s20, $0x2000b8;
	[tilespmem:$0x18F00] =	vst v63  }
0xf7: {  	_ =	swait.ge [sflag:s24], $0x4000  }
0xf8: {  	[sflag:s24] =	ssyncset.done $0x0  }
0xf9: {  	[sflag:s24] =	ssyncadd.s32 $0xFFFFC000  }
0xfa: {  	_ =	swait.ge [sflag:s25], $0x80  }
0xfb: {  	[sflag:s25] =	ssyncset.done $0x0  }
0xfc: {  	[sflag:s25] =	ssyncadd.s32 $0xFFFFFF80  }
0xfd: {  	s30 =	stileid.u32;
	[bflag:$0x0] =	sbarrier.arrive $0xFFFF  }
0xfe: {  	s0 =	sshll.u32 s30, $0x6;
	_ =	strace $0x90000049  }
0xff: {  	s1 =	sshrl.u32 s6, $0x3;
	s0 =	sor.u32 $0x1C04, s0;
	_ =	strace $0x8000004A  }
0x100: {  	[hbm:s12], [sflag:s0] =	dma.local [spmem:s1], $0x2800  }
0x101: {  	_ =	swait.ge [sflag:s18], $0x2800  }
0x102: {  	s31 =	sshrl.u32 s7, $0x3;
	s29 =	sadd.s32 $0x1, s29;
	[sflag:s18] =	ssyncset.done $0x0  }
0x103: {  	p0 =	sne.s32 s29, s14;
	s26 =	simm.s32 $0x20;
	[sflag:s18] =	ssyncadd.s32 $0xFFFFD800  }
0x104: {  	[hbm:s13@s26], [sflag:s0] =	dma.strided [spmem:s31@s28], $0x50, s22, $0x10   }
.Ltmp2:
0x105: {  	_ = 	snop;
	(pc) =	sbr.rel @p0 .LBB2_1-.Ltmp2, $4  }
0x106: {  	_ =	swait.ge [sflag:s18], $0x50  }
0x107: {  	[sflag:s18] =	ssyncset.done $0x0  }
0x108: {  	[sflag:s18] =	ssyncadd.s32 $0xFFFFFFB0  }
0x109: {  	_ =	strace $0x9000004A  }
0x10a: {  	_ =	sfence.sel $0x180000  }
0x10b: {  	[bflag:$0x0] =	sbarrier.arrive $0xFFFF  }
0x10c: {  	_ =	strace $0x90000047  }
0x10d: {  	s0 =	stileid.u32;
	[bflag:$0x2] =	sbarrier.arrive $0xFFFF  }
0x10e: {  	p0 =	sne.s32 s0, $0x0;
	s0 =	rddreg [dreg:$0x4]  }
0x10f: {  	s0 =	sadd.s32 @!p0 $0x100000, s0  }
0x110: {  	[sflag:s0] =	ssyncadd.tile.s32 @!p0 $0x1;
	_ =	shalt  }
.Lfunc_end2:
_tile_overlayer_lowered:
.L_overlay_start_2:
0x111: {  	(tag) =	ssettag $0x2  }
0x112: {  	s0 =	rddreg [dreg:$0x0];
	s2 =	stileid.u32  }
0x113: {  	s1 =	rddreg [dreg:$0x1];
	p0 =	sne.s32 s2, $0x0  }
0x114: {  	s3 =	rddreg [dreg:$0x2];
	[bflag:$0x3] =	sbarrier.arrive $0xFFFF;
	s2 =	simm.s32 @!p0 $0x1C04  }
0x115: {  	[timem:s3], [sflag:s2] =	dma.local @!p0 [hbm:s0], s1  }
0x116: {  	s0 =	simm.s32 @!p0 $0x4  }
0x117: {  	_ =	swait.ge @!p0 [sflag:s0], s1  }
0x118: {  	s1 =	ssub.s32 @!p0 $0x0, s1;
	[sflag:s0] =	ssyncset.done @!p0 $0x0  }
0x119: {  	[sflag:s0] =	ssyncadd.s32 @!p0 s1  }
0x11a: {  	[bflag:$0x3] =	sbarrier.arrive $0xFFFF  }
0x11b: {  	_ =	shalt  }

</sc_bundles>
